<compile_context>
chip_gen: v7x
topology: tpu7x:2x2x1
jax: 0.10.2.dev20260603
libtpu: 0.0.44.dev20260713+nightly
codegen_flags: <defaults>
</compile_context>

<pallas_src>
import functools

import jax
import jax.numpy as jnp
import numpy as np
from jax import lax
from jax.experimental import pallas as pl
from jax.experimental.pallas import tpu as pltpu
from jax.experimental.pallas import tpu_sc as plsc

B = 8
P = 1024
S = 512
K = 64
RSQ = np.float32(0.2 * 0.2)
NW = 32
GCH = 128
CS = 128


def _fps_body(posT_ref, poss_ref):
    px = posT_ref[0]
    py = posT_ref[1]
    pz = posT_ref[2]
    iota = lax.broadcasted_iota(jnp.int32, (B, P), 1).astype(jnp.float32)
    li = lax.broadcasted_iota(jnp.int32, (B, 128), 1)

    def step(i, carry):
        dist, far = carry
        oh = iota == far
        cx = jnp.sum(jnp.where(oh, px, 0.0), axis=1, keepdims=True)
        cy = jnp.sum(jnp.where(oh, py, 0.0), axis=1, keepdims=True)
        cz = jnp.sum(jnp.where(oh, pz, 0.0), axis=1, keepdims=True)
        val = (jnp.where(li == 0, cx, 0.0) + jnp.where(li == 1, cy, 0.0)
               + jnp.where(li == 2, cz, 0.0))
        poss_ref[pl.ds(i, 1)] = val.reshape(1, B, 128)
        d = (px - cx) ** 2 + (py - cy) ** 2 + (pz - cz) ** 2
        dist = jnp.minimum(dist, d)
        mx = jnp.max(dist, axis=1, keepdims=True)
        far = jnp.min(jnp.where(dist == mx, iota, jnp.float32(P)), axis=1,
                      keepdims=True)
        return dist, far

    dist0 = jnp.full((B, P), jnp.inf, dtype=jnp.float32)
    far0 = jnp.zeros((B, 1), dtype=jnp.float32)
    lax.fori_loop(0, S, step, (dist0, far0))


def _sel_body(posT_ref, posb_ref, xb_ref, poss_ref, W1x_ref, W1p_ref,
              nbr_ref, vld_ref, F_ref):
    b = pl.program_id(0)
    px = posT_ref[0, 0:1, :]
    py = posT_ref[0, 1:2, :]
    pz = posT_ref[0, 2:3, :]
    sx = poss_ref[0, :, 0:1]
    sy = poss_ref[0, :, 1:2]
    sz = poss_ref[0, :, 2:3]
    d2 = (sx - px) ** 2 + (sy - py) ** 2 + (sz - pz) ** 2
    d2 = jnp.where(d2 <= RSQ, d2, jnp.inf)
    iota = lax.broadcasted_iota(jnp.int32, (S, P), 1).astype(jnp.float32)
    base = (b * P).astype(jnp.int32)
    nbr_cols = []
    vld_cols = []
    for k in range(K):
        mn = jnp.min(d2, axis=1, keepdims=True)
        idx = jnp.min(jnp.where(d2 == mn, iota, jnp.float32(P)), axis=1,
                      keepdims=True)
        d2 = jnp.where(iota == idx, jnp.inf, d2)
        nbr_cols.append(idx.astype(jnp.int32) + base)
        vld_cols.append(jnp.where(mn < jnp.inf, 1.0, 0.0))
    nbr_ref[0] = jnp.concatenate(nbr_cols, axis=1)
    vld_ref[0] = jnp.concatenate(vld_cols, axis=1)
    Fv = (jnp.dot(xb_ref[0], W1x_ref[...],
                  preferred_element_type=jnp.float32)
          + jnp.dot(posb_ref[0], W1p_ref[...],
                    preferred_element_type=jnp.float32))
    F_ref[0] = jnp.concatenate([Fv, jnp.zeros((P, 64), jnp.float32)], axis=1)


def _mlp_body(rows_ref, poss_ref, vld_ref, W1p_ref, b1_ref, W2_ref,
              b2_ref, W3_ref, b3_ref, out_ref):
    G = jnp.dot(poss_ref[...], W1p_ref[...],
                preferred_element_type=jnp.float32)
    A = rows_ref[...][:, 0:64].reshape(CS, K, 64) - G[:, None, :] \
        + b1_ref[...].reshape(1, 1, 64)
    h1 = jnp.maximum(A, 0.0).reshape(CS * K, 64)
    h2 = jnp.maximum(jnp.dot(h1, W2_ref[...],
                             preferred_element_type=jnp.float32)
                     + b2_ref[...], 0.0)
    h3 = jnp.dot(h2, W3_ref[...],
                 preferred_element_type=jnp.float32) + b3_ref[...]
    m = h3.reshape(CS, K, 128)
    m = jnp.where(vld_ref[...][:, :, None] > 0.5, m, -jnp.inf)
    out_ref[...] = jnp.max(m, axis=1)


def _sc_gather(idxf, Ff):
    n = idxf.shape[0]
    fw = Ff.shape[1]
    bpw = n // NW
    mesh = plsc.VectorSubcoreMesh(core_axis_name="c", subcore_axis_name="s")

    nslot = 4

    @functools.partial(
        pl.kernel, mesh=mesh,
        out_type=jax.ShapeDtypeStruct((n, fw), jnp.float32),
        scratch_types=[
            pltpu.VMEM((bpw,), jnp.int32),
            pltpu.VMEM((nslot, GCH, fw), jnp.float32),
            pltpu.SemaphoreType.DMA,
            pltpu.SemaphoreType.DMA,
        ],
    )
    def gk(idx_hbm, table_hbm, out_hbm, idx_v, rows_v, gsem, osem):
        wid = lax.axis_index("s") * 2 + lax.axis_index("c")
        base = wid * bpw
        pltpu.sync_copy(idx_hbm.at[pl.ds(base, bpw)], idx_v)

        def group(j, carry):
            gs = []
            for s2 in range(nslot):
                off = pl.multiple_of((j * nslot + s2) * GCH, GCH)
                gs.append(pltpu.async_copy(
                    table_hbm.at[idx_v.at[pl.ds(off, GCH)]],
                    rows_v.at[s2], gsem))
            for g in gs:
                g.wait()
            os = []
            for s2 in range(nslot):
                off = pl.multiple_of((j * nslot + s2) * GCH, GCH)
                os.append(pltpu.async_copy(
                    rows_v.at[s2], out_hbm.at[pl.ds(base + off, GCH)], osem))
            for o in os:
                o.wait()
            return carry

        lax.fori_loop(0, bpw // (GCH * nslot), group, 0)

    return gk(idxf, Ff)


def kernel(x, pos, batch, W1, b1, W2, b2, W3, b3):
    pos_b = pos.reshape(B, P, 3)
    x_b = x.reshape(B, P, 3)
    posT = pos_b.transpose(2, 0, 1)
    W1x = W1[0:3, :]
    W1p = W1[3:6, :]

    poss_raw = pl.pallas_call(
        _fps_body,
        out_shape=jax.ShapeDtypeStruct((S, B, 128), jnp.float32),
    )(posT)
    poss_b = poss_raw[:, :, 0:3].transpose(1, 0, 2)

    nbr, vld, F = pl.pallas_call(
        _sel_body,
        grid=(B,),
        in_specs=[
            pl.BlockSpec((1, 3, P), lambda b: (b, 0, 0)),
            pl.BlockSpec((1, P, 3), lambda b: (b, 0, 0)),
            pl.BlockSpec((1, P, 3), lambda b: (b, 0, 0)),
            pl.BlockSpec((1, S, 3), lambda b: (b, 0, 0)),
            pl.BlockSpec((3, 64), lambda b: (0, 0)),
            pl.BlockSpec((3, 64), lambda b: (0, 0)),
        ],
        out_specs=[
            pl.BlockSpec((1, S, K), lambda b: (b, 0, 0)),
            pl.BlockSpec((1, S, K), lambda b: (b, 0, 0)),
            pl.BlockSpec((1, P, 128), lambda b: (b, 0, 0)),
        ],
        out_shape=[
            jax.ShapeDtypeStruct((B, S, K), jnp.int32),
            jax.ShapeDtypeStruct((B, S, K), jnp.float32),
            jax.ShapeDtypeStruct((B, P, 128), jnp.float32),
        ],
    )(pos_b.transpose(0, 2, 1), pos_b, x_b, poss_b, W1x, W1p)

    idxf = nbr.reshape(B * S * K)
    Ff = F.reshape(B * P, 128)
    rows = _sc_gather(idxf, Ff)

    poss_f = poss_b.reshape(B * S, 3)
    vld_f = vld.reshape(B * S, K)
    NCH = (B * S) // CS
    out_x = pl.pallas_call(
        _mlp_body,
        grid=(NCH,),
        in_specs=[
            pl.BlockSpec((CS * K, 128), lambda i: (i, 0)),
            pl.BlockSpec((CS, 3), lambda i: (i, 0)),
            pl.BlockSpec((CS, K), lambda i: (i, 0)),
            pl.BlockSpec((3, 64), lambda i: (0, 0)),
            pl.BlockSpec((1, 64), lambda i: (0, 0)),
            pl.BlockSpec((64, 64), lambda i: (0, 0)),
            pl.BlockSpec((1, 64), lambda i: (0, 0)),
            pl.BlockSpec((64, 128), lambda i: (0, 0)),
            pl.BlockSpec((1, 128), lambda i: (0, 0)),
        ],
        out_specs=pl.BlockSpec((CS, 128), lambda i: (i, 0)),
        out_shape=jax.ShapeDtypeStruct((B * S, 128), jnp.float32),
    )(rows, poss_f, vld_f, W1p, b1.reshape(1, 64), W2, b2.reshape(1, 64),
      W3, b3.reshape(1, 128))

    out_pos = poss_f
    out_batch = jnp.repeat(jnp.arange(B, dtype=jnp.int32), S)
    return (out_x, out_pos, out_batch)

# --- scband reference (transcript-rebuilt; emitter-appended) ---
"""Pipeline reference for scband-samodule-26594437497541 (READ-ONLY COPY).

The authoritative reference and input builder live on the scoring server;
editing this copy changes nothing except your own understanding.
"""

import jax, jax.numpy as jnp
import numpy as np

B = 8
P = 1024
RATIO = 0.5
R = 0.2
K = 64
S = int(P * RATIO)
N = B * P


def _fps_single(pos_b):
    dist0 = jnp.full((P,), jnp.inf, dtype=jnp.float32)
    sel0 = jnp.zeros((S,), dtype=jnp.int32)

    def body(i, state):
        dist, far, sel = state
        sel = sel.at[i].set(far)
        d = jnp.sum((pos_b - pos_b[far]) ** 2, axis=-1)
        dist = jnp.minimum(dist, d)
        far = jnp.argmax(dist).astype(jnp.int32)
        return (dist, far, sel)

    _, _, sel = jax.lax.fori_loop(0, S, body, (dist0, jnp.int32(0), sel0))
    return sel


def _mlp(h, W1, b1, W2, b2, W3, b3):
    h = jax.nn.relu(h @ W1 + b1)
    h = jax.nn.relu(h @ W2 + b2)
    return h @ W3 + b3


def setup_inputs(seed: int = 0):
    key = jax.random.key(seed)
    ks = jax.random.split(key, 6)
    x = jax.random.normal(ks[0], (N, 3), dtype=jnp.float32)
    pos = jax.random.uniform(ks[1], (N, 3), dtype=jnp.float32)
    batch = (jnp.arange(N) // P).astype(jnp.int32)
    W1 = jax.random.normal(ks[2], (6, 64), dtype=jnp.float32) * 0.2
    b1 = jnp.zeros((64,), dtype=jnp.float32)
    W2 = jax.random.normal(ks[3], (64, 64), dtype=jnp.float32) * 0.1
    b2 = jnp.zeros((64,), dtype=jnp.float32)
    W3 = jax.random.normal(ks[4], (64, 128), dtype=jnp.float32) * 0.1
    b3 = jnp.zeros((128,), dtype=jnp.float32)
    return {"x": x, "pos": pos, "batch": batch, "W1": W1, "b1": b1, "W2": W2, "b2": b2, "W3": W3, "b3": b3}


def reference(x, pos, batch, W1, b1, W2, b2, W3, b3):
    pos_b = pos.reshape(B, P, 3)
    x_b = x.reshape(B, P, 3)
    # farthest point sampling per cloud (indices are non-differentiable)
    sel = jax.vmap(_fps_single)(jax.lax.stop_gradient(pos_b))  # [B, S]
    pos_s = jax.vmap(lambda pb, s: pb[s])(pos_b, sel)  # [B, S, 3]
    # radius search: pairwise sq distances centroids -> all points in same cloud
    d2 = jnp.sum((pos_s[:, :, None, :] - pos_b[:, None, :, :]) ** 2, axis=-1)  # [B, S, P]
    d2m = jnp.where(d2 <= R * R, d2, jnp.inf)
    neg, nbr = jax.lax.top_k(-d2m, K)  # up to K nearest within radius
    valid = neg > -jnp.inf  # [B, S, K]
    x_j = jax.vmap(lambda xb, nb: xb[nb])(x_b, nbr)  # [B, S, K, 3]
    pos_j = jax.vmap(lambda pb, nb: pb[nb])(pos_b, nbr)  # [B, S, K, 3]
    rel = pos_j - pos_s[:, :, None, :]
    h = jnp.concatenate([x_j, rel], axis=-1)  # [B, S, K, 6]
    m = _mlp(h, W1, b1, W2, b2, W3, b3)  # [B, S, K, 128]
    m = jnp.where(valid[..., None], m, -jnp.inf)
    out_x = jnp.max(m, axis=2).reshape(B * S, 128)  # PointConv max aggregation
    out_pos = pos_s.reshape(B * S, 3)
    out_batch = jnp.repeat(jnp.arange(B).astype(jnp.int32), S)
    return (out_x, out_pos, out_batch)

if __name__ == "__main__":
    import jax
    _d = setup_inputs()
    print(jax.jit(kernel)(*tuple(_d.values())))

</pallas_src>

<mosaic_0001>
#map = affine_map<(d0, d1) -> (0)>
#map1 = affine_map<(d0, d1) -> (0, 0)>
module attributes {stable_mosaic.version = 14 : i64} {
  func.func @gk(%arg0: i32, %arg1: i32, %arg2: memref<262144xi32, #tpu.memory_space<hbm>>, %arg3: memref<8192x128xf32, #tpu.memory_space<hbm>>, %arg4: memref<262144x128xf32, #tpu.memory_space<hbm>>, %arg5: memref<8192xi32, #tpu.memory_space<vmem>>, %arg6: memref<4x128x128xf32, #tpu.memory_space<vmem>>, %arg7: memref<!tpu.dma_semaphore, #tpu.memory_space<semaphore_mem>>, %arg8: memref<!tpu.dma_semaphore, #tpu.memory_space<semaphore_mem>>) attributes {dimension_semantics = [#tpu.dimension_semantics<core_parallel>, #tpu.dimension_semantics<subcore_parallel>], iteration_bounds = array<i64: 2, 16>, scalar_prefetch = 0 : i64, scratch_operands = 4 : i64, tpu.core_type = #tpu.core_type<sc_vector_subcore>, window_params = [{transform_indices = #map}, {transform_indices = #map1}, {transform_indices = #map1}]} {
    %mul3A = arith.constant 2 : i32
    %mul3A_0 = arith.muli %arg1, %mul3A : i32
    %add3A = arith.addi %mul3A_0, %arg0 : i32
    %mul3A_1 = arith.constant 8192 : i32
    %mul3A_2 = arith.muli %add3A, %mul3A_1 : i32
    "tpu.region"() ({
      %run_scoped3A = tpu.sem_alloc : memref<!tpu.dma_semaphore, #tpu.memory_space<semaphore_mem>>
      %dma_start3A = tpu.memref_slice %arg2[%mul3A_2] : memref<262144xi32, #tpu.memory_space<hbm>> -> memref<8192xi32, #tpu.memory_space<hbm>>
      %dma_start3A_8 = tpu.memref_slice %arg2[%mul3A_2] : memref<262144xi32, #tpu.memory_space<hbm>> -> memref<8192xi32, #tpu.memory_space<hbm>>
      tpu.enqueue_dma source(%dma_start3A_8 : memref<8192xi32, #tpu.memory_space<hbm>>) target(%arg5 : memref<8192xi32, #tpu.memory_space<vmem>>) target_semaphore(%run_scoped3A : memref<!tpu.dma_semaphore, #tpu.memory_space<semaphore_mem>>)
      %dma_wait3A = tpu.memref_slice %arg2[%mul3A_2] : memref<262144xi32, #tpu.memory_space<hbm>> -> memref<8192xi32, #tpu.memory_space<hbm>>
      %dma_wait3A_9 = tpu.memref_slice %arg2[%mul3A_2] : memref<262144xi32, #tpu.memory_space<hbm>> -> memref<8192xi32, #tpu.memory_space<hbm>>
      tpu.wait_dma2 semaphore(%run_scoped3A : memref<!tpu.dma_semaphore, #tpu.memory_space<semaphore_mem>>) src(%dma_wait3A_9 : memref<8192xi32, #tpu.memory_space<hbm>>) dst(%arg5 : memref<8192xi32, #tpu.memory_space<vmem>>)
      tpu.yield
    }) : () -> ()
    %scan3A = arith.constant 0 : i32
    %scan3A_3 = arith.constant 0 : i32
    %scan3A_4 = arith.constant 16 : i32
    %scan3A_5 = arith.addi %scan3A_3, %scan3A_4 : i32
    %scan3A_6 = arith.constant 1 : i32
    scf.for %scan3A_8 = %scan3A_3 to %scan3A_5 step %scan3A_6  : i32 {
      %mul3A_9 = arith.constant 4 : i32
      %mul3A_10 = arith.muli %scan3A_8, %mul3A_9 : i32
      %add3A_11 = arith.constant 0 : i32
      %add3A_12 = arith.addi %mul3A_10, %add3A_11 : i32
      %mul3A_13 = arith.constant 128 : i32
      %mul3A_14 = arith.muli %add3A_12, %mul3A_13 : i32
      %multiple_of3A = tpu.assume_multiple %mul3A_14, 128 : i32
      %dma_start3A = arith.constant 0 : i32
      %dma_start3A_15 = arith.constant 0 : i32
      %dma_start3A_16 = arith.constant 0 : i32
      %dma_start3A_17 = tpu.memref_slice %arg6[%dma_start3A, %dma_start3A_15, %dma_start3A_16] : memref<4x128x128xf32, #tpu.memory_space<vmem>> -> memref<1x128x128xf32, #tpu.memory_space<vmem>>
      %dma_start3A_18 = tpu.memref_squeeze %dma_start3A_17 : memref<1x128x128xf32, #tpu.memory_space<vmem>> -> memref<128x128xf32, #tpu.memory_space<vmem>>
      %dma_start3A_19 = tpu.memref_slice %arg5[%multiple_of3A] : memref<8192xi32, #tpu.memory_space<vmem>> -> memref<128xi32, #tpu.memory_space<vmem>>
      %dma_start3A_20 = arith.constant 0 : i32
      %dma_start3A_21 = arith.constant 0 : i32
      %dma_start3A_22 = tpu.memref_slice %arg3[%dma_start3A_20, %dma_start3A_21] : memref<8192x128xf32, #tpu.memory_space<hbm>> -> memref<8192x128xf32, #tpu.memory_space<hbm>>
      tpu.enqueue_indirect_dma source(%dma_start3A_22 : memref<8192x128xf32, #tpu.memory_space<hbm>>) target(%dma_start3A_18 : memref<128x128xf32, #tpu.memory_space<vmem>>) offsets(%dma_start3A_19 : memref<128xi32, #tpu.memory_space<vmem>>) semaphore(%arg7 : memref<!tpu.dma_semaphore, #tpu.memory_space<semaphore_mem>>)
      %mul3A_23 = arith.constant 4 : i32
      %mul3A_24 = arith.muli %scan3A_8, %mul3A_23 : i32
      %add3A_25 = arith.constant 1 : i32
      %add3A_26 = arith.addi %mul3A_24, %add3A_25 : i32
      %mul3A_27 = arith.constant 128 : i32
      %mul3A_28 = arith.muli %add3A_26, %mul3A_27 : i32
      %multiple_of3A_29 = tpu.assume_multiple %mul3A_28, 128 : i32
      %dma_start3A_30 = arith.constant 1 : i32
      %dma_start3A_31 = arith.constant 0 : i32
      %dma_start3A_32 = arith.constant 0 : i32
      %dma_start3A_33 = tpu.memref_slice %arg6[%dma_start3A_30, %dma_start3A_31, %dma_start3A_32] : memref<4x128x128xf32, #tpu.memory_space<vmem>> -> memref<1x128x128xf32, #tpu.memory_space<vmem>>
      %dma_start3A_34 = tpu.memref_squeeze %dma_start3A_33 : memref<1x128x128xf32, #tpu.memory_space<vmem>> -> memref<128x128xf32, #tpu.memory_space<vmem>>
      %dma_start3A_35 = tpu.memref_slice %arg5[%multiple_of3A_29] : memref<8192xi32, #tpu.memory_space<vmem>> -> memref<128xi32, #tpu.memory_space<vmem>>
      %dma_start3A_36 = arith.constant 0 : i32
      %dma_start3A_37 = arith.constant 0 : i32
      %dma_start3A_38 = tpu.memref_slice %arg3[%dma_start3A_36, %dma_start3A_37] : memref<8192x128xf32, #tpu.memory_space<hbm>> -> memref<8192x128xf32, #tpu.memory_space<hbm>>
      tpu.enqueue_indirect_dma source(%dma_start3A_38 : memref<8192x128xf32, #tpu.memory_space<hbm>>) target(%dma_start3A_34 : memref<128x128xf32, #tpu.memory_space<vmem>>) offsets(%dma_start3A_35 : memref<128xi32, #tpu.memory_space<vmem>>) semaphore(%arg7 : memref<!tpu.dma_semaphore, #tpu.memory_space<semaphore_mem>>)
      %mul3A_39 = arith.constant 4 : i32
      %mul3A_40 = arith.muli %scan3A_8, %mul3A_39 : i32
      %add3A_41 = arith.constant 2 : i32
      %add3A_42 = arith.addi %mul3A_40, %add3A_41 : i32
      %mul3A_43 = arith.constant 128 : i32
      %mul3A_44 = arith.muli %add3A_42, %mul3A_43 : i32
      %multiple_of3A_45 = tpu.assume_multiple %mul3A_44, 128 : i32
      %dma_start3A_46 = arith.constant 2 : i32
      %dma_start3A_47 = arith.constant 0 : i32
      %dma_start3A_48 = arith.constant 0 : i32
      %dma_start3A_49 = tpu.memref_slice %arg6[%dma_start3A_46, %dma_start3A_47, %dma_start3A_48] : memref<4x128x128xf32, #tpu.memory_space<vmem>> -> memref<1x128x128xf32, #tpu.memory_space<vmem>>
      %dma_start3A_50 = tpu.memref_squeeze %dma_start3A_49 : memref<1x128x128xf32, #tpu.memory_space<vmem>> -> memref<128x128xf32, #tpu.memory_space<vmem>>
      %dma_start3A_51 = tpu.memref_slice %arg5[%multiple_of3A_45] : memref<8192xi32, #tpu.memory_space<vmem>> -> memref<128xi32, #tpu.memory_space<vmem>>
      %dma_start3A_52 = arith.constant 0 : i32
      %dma_start3A_53 = arith.constant 0 : i32
      %dma_start3A_54 = tpu.memref_slice %arg3[%dma_start3A_52, %dma_start3A_53] : memref<8192x128xf32, #tpu.memory_space<hbm>> -> memref<8192x128xf32, #tpu.memory_space<hbm>>
      tpu.enqueue_indirect_dma source(%dma_start3A_54 : memref<8192x128xf32, #tpu.memory_space<hbm>>) target(%dma_start3A_50 : memref<128x128xf32, #tpu.memory_space<vmem>>) offsets(%dma_start3A_51 : memref<128xi32, #tpu.memory_space<vmem>>) semaphore(%arg7 : memref<!tpu.dma_semaphore, #tpu.memory_space<semaphore_mem>>)
      %mul3A_55 = arith.constant 4 : i32
      %mul3A_56 = arith.muli %scan3A_8, %mul3A_55 : i32
      %add3A_57 = arith.constant 3 : i32
      %add3A_58 = arith.addi %mul3A_56, %add3A_57 : i32
      %mul3A_59 = arith.constant 128 : i32
      %mul3A_60 = arith.muli %add3A_58, %mul3A_59 : i32
      %multiple_of3A_61 = tpu.assume_multiple %mul3A_60, 128 : i32
      %dma_start3A_62 = arith.constant 3 : i32
      %dma_start3A_63 = arith.constant 0 : i32
      %dma_start3A_64 = arith.constant 0 : i32
      %dma_start3A_65 = tpu.memref_slice %arg6[%dma_start3A_62, %dma_start3A_63, %dma_start3A_64] : memref<4x128x128xf32, #tpu.memory_space<vmem>> -> memref<1x128x128xf32, #tpu.memory_space<vmem>>
      %dma_start3A_66 = tpu.memref_squeeze %dma_start3A_65 : memref<1x128x128xf32, #tpu.memory_space<vmem>> -> memref<128x128xf32, #tpu.memory_space<vmem>>
      %dma_start3A_67 = tpu.memref_slice %arg5[%multiple_of3A_61] : memref<8192xi32, #tpu.memory_space<vmem>> -> memref<128xi32, #tpu.memory_space<vmem>>
      %dma_start3A_68 = arith.constant 0 : i32
      %dma_start3A_69 = arith.constant 0 : i32
      %dma_start3A_70 = tpu.memref_slice %arg3[%dma_start3A_68, %dma_start3A_69] : memref<8192x128xf32, #tpu.memory_space<hbm>> -> memref<8192x128xf32, #tpu.memory_space<hbm>>
      tpu.enqueue_indirect_dma source(%dma_start3A_70 : memref<8192x128xf32, #tpu.memory_space<hbm>>) target(%dma_start3A_66 : memref<128x128xf32, #tpu.memory_space<vmem>>) offsets(%dma_start3A_67 : memref<128xi32, #tpu.memory_space<vmem>>) semaphore(%arg7 : memref<!tpu.dma_semaphore, #tpu.memory_space<semaphore_mem>>)
      %dma_wait3A = arith.constant 0 : i32
      %dma_wait3A_71 = arith.constant 0 : i32
      %dma_wait3A_72 = arith.constant 0 : i32
      %dma_wait3A_73 = tpu.memref_slice %arg6[%dma_wait3A, %dma_wait3A_71, %dma_wait3A_72] : memref<4x128x128xf32, #tpu.memory_space<vmem>> -> memref<1x128x128xf32, #tpu.memory_space<vmem>>
      %dma_wait3A_74 = tpu.memref_squeeze %dma_wait3A_73 : memref<1x128x128xf32, #tpu.memory_space<vmem>> -> memref<128x128xf32, #tpu.memory_space<vmem>>
      %dma_wait3A_75 = tpu.memref_slice %arg5[%multiple_of3A] : memref<8192xi32, #tpu.memory_space<vmem>> -> memref<128xi32, #tpu.memory_space<vmem>>
      %dma_wait3A_76 = arith.constant 0 : i32
      %dma_wait3A_77 = arith.constant 0 : i32
      %dma_wait3A_78 = tpu.memref_slice %arg3[%dma_wait3A_76, %dma_wait3A_77] : memref<8192x128xf32, #tpu.memory_space<hbm>> -> memref<8192x128xf32, #tpu.memory_space<hbm>>
      tpu.wait_indirect_dma semaphore(%arg7 : memref<!tpu.dma_semaphore, #tpu.memory_space<semaphore_mem>>) src(%dma_wait3A_78 : memref<8192x128xf32, #tpu.memory_space<hbm>>) dst(%dma_wait3A_74 : memref<128x128xf32, #tpu.memory_space<vmem>>)
      %dma_wait3A_79 = arith.constant 1 : i32
      %dma_wait3A_80 = arith.constant 0 : i32
      %dma_wait3A_81 = arith.constant 0 : i32
      %dma_wait3A_82 = tpu.memref_slice %arg6[%dma_wait3A_79, %dma_wait3A_80, %dma_wait3A_81] : memref<4x128x128xf32, #tpu.memory_space<vmem>> -> memref<1x128x128xf32, #tpu.memory_space<vmem>>
      %dma_wait3A_83 = tpu.memref_squeeze %dma_wait3A_82 : memref<1x128x128xf32, #tpu.memory_space<vmem>> -> memref<128x128xf32, #tpu.memory_space<vmem>>
      %dma_wait3A_84 = tpu.memref_slice %arg5[%multiple_of3A_29] : memref<8192xi32, #tpu.memory_space<vmem>> -> memref<128xi32, #tpu.memory_space<vmem>>
      %dma_wait3A_85 = arith.constant 0 : i32
      %dma_wait3A_86 = arith.constant 0 : i32
      %dma_wait3A_87 = tpu.memref_slice %arg3[%dma_wait3A_85, %dma_wait3A_86] : memref<8192x128xf32, #tpu.memory_space<hbm>> -> memref<8192x128xf32, #tpu.memory_space<hbm>>
      tpu.wait_indirect_dma semaphore(%arg7 : memref<!tpu.dma_semaphore, #tpu.memory_space<semaphore_mem>>) src(%dma_wait3A_87 : memref<8192x128xf32, #tpu.memory_space<hbm>>) dst(%dma_wait3A_83 : memref<128x128xf32, #tpu.memory_space<vmem>>)
      %dma_wait3A_88 = arith.constant 2 : i32
      %dma_wait3A_89 = arith.constant 0 : i32
      %dma_wait3A_90 = arith.constant 0 : i32
      %dma_wait3A_91 = tpu.memref_slice %arg6[%dma_wait3A_88, %dma_wait3A_89, %dma_wait3A_90] : memref<4x128x128xf32, #tpu.memory_space<vmem>> -> memref<1x128x128xf32, #tpu.memory_space<vmem>>
      %dma_wait3A_92 = tpu.memref_squeeze %dma_wait3A_91 : memref<1x128x128xf32, #tpu.memory_space<vmem>> -> memref<128x128xf32, #tpu.memory_space<vmem>>
      %dma_wait3A_93 = tpu.memref_slice %arg5[%multiple_of3A_45] : memref<8192xi32, #tpu.memory_space<vmem>> -> memref<128xi32, #tpu.memory_space<vmem>>
      %dma_wait3A_94 = arith.constant 0 : i32
      %dma_wait3A_95 = arith.constant 0 : i32
      %dma_wait3A_96 = tpu.memref_slice %arg3[%dma_wait3A_94, %dma_wait3A_95] : memref<8192x128xf32, #tpu.memory_space<hbm>> -> memref<8192x128xf32, #tpu.memory_space<hbm>>
      tpu.wait_indirect_dma semaphore(%arg7 : memref<!tpu.dma_semaphore, #tpu.memory_space<semaphore_mem>>) src(%dma_wait3A_96 : memref<8192x128xf32, #tpu.memory_space<hbm>>) dst(%dma_wait3A_92 : memref<128x128xf32, #tpu.memory_space<vmem>>)
      %dma_wait3A_97 = arith.constant 3 : i32
      %dma_wait3A_98 = arith.constant 0 : i32
      %dma_wait3A_99 = arith.constant 0 : i32
      %dma_wait3A_100 = tpu.memref_slice %arg6[%dma_wait3A_97, %dma_wait3A_98, %dma_wait3A_99] : memref<4x128x128xf32, #tpu.memory_space<vmem>> -> memref<1x128x128xf32, #tpu.memory_space<vmem>>
      %dma_wait3A_101 = tpu.memref_squeeze %dma_wait3A_100 : memref<1x128x128xf32, #tpu.memory_space<vmem>> -> memref<128x128xf32, #tpu.memory_space<vmem>>
      %dma_wait3A_102 = tpu.memref_slice %arg5[%multiple_of3A_61] : memref<8192xi32, #tpu.memory_space<vmem>> -> memref<128xi32, #tpu.memory_space<vmem>>
      %dma_wait3A_103 = arith.constant 0 : i32
      %dma_wait3A_104 = arith.constant 0 : i32
      %dma_wait3A_105 = tpu.memref_slice %arg3[%dma_wait3A_103, %dma_wait3A_104] : memref<8192x128xf32, #tpu.memory_space<hbm>> -> memref<8192x128xf32, #tpu.memory_space<hbm>>
      tpu.wait_indirect_dma semaphore(%arg7 : memref<!tpu.dma_semaphore, #tpu.memory_space<semaphore_mem>>) src(%dma_wait3A_105 : memref<8192x128xf32, #tpu.memory_space<hbm>>) dst(%dma_wait3A_101 : memref<128x128xf32, #tpu.memory_space<vmem>>)
      %mul3A_106 = arith.constant 4 : i32
      %mul3A_107 = arith.muli %scan3A_8, %mul3A_106 : i32
      %add3A_108 = arith.constant 0 : i32
      %add3A_109 = arith.addi %mul3A_107, %add3A_108 : i32
      %mul3A_110 = arith.constant 128 : i32
      %mul3A_111 = arith.muli %add3A_109, %mul3A_110 : i32
      %multiple_of3A_112 = tpu.assume_multiple %mul3A_111, 128 : i32
      %add3A_113 = arith.addi %mul3A_2, %multiple_of3A_112 : i32
      %dma_start3A_114 = arith.constant 0 : i32
      %dma_start3A_115 = arith.constant 0 : i32
      %dma_start3A_116 = arith.constant 0 : i32
      %dma_start3A_117 = tpu.memref_slice %arg6[%dma_start3A_114, %dma_start3A_115, %dma_start3A_116] : memref<4x128x128xf32, #tpu.memory_space<vmem>> -> memref<1x128x128xf32, #tpu.memory_space<vmem>>
      %dma_start3A_118 = tpu.memref_squeeze %dma_start3A_117 : memref<1x128x128xf32, #tpu.memory_space<vmem>> -> memref<128x128xf32, #tpu.memory_space<vmem>>
      %dma_start3A_119 = arith.constant 0 : i32
      %dma_start3A_120 = tpu.memref_slice %arg4[%add3A_113, %dma_start3A_119] : memref<262144x128xf32, #tpu.memory_space<hbm>> -> memref<128x128xf32, #tpu.memory_space<hbm>>
      %dma_start3A_121 = arith.constant 0 : i32
      %dma_start3A_122 = tpu.memref_slice %arg4[%add3A_113, %dma_start3A_121] : memref<262144x128xf32, #tpu.memory_space<hbm>> -> memref<128x128xf32, #tpu.memory_space<hbm>>
      %dma_start3A_123 = arith.constant 0 : i32
      %dma_start3A_124 = arith.constant 0 : i32
      %dma_start3A_125 = tpu.memref_slice %arg6[%dma_start3A_114, %dma_start3A_123, %dma_start3A_124] : memref<4x128x128xf32, #tpu.memory_space<vmem>> -> memref<1x128x128xf32, #tpu.memory_space<vmem>>
      %dma_start3A_126 = tpu.memref_squeeze %dma_start3A_125 : memref<1x128x128xf32, #tpu.memory_space<vmem>> -> memref<128x128xf32, #tpu.memory_space<vmem>>
      tpu.enqueue_dma source(%dma_start3A_126 : memref<128x128xf32, #tpu.memory_space<vmem>>) target(%dma_start3A_122 : memref<128x128xf32, #tpu.memory_space<hbm>>) target_semaphore(%arg8 : memref<!tpu.dma_semaphore, #tpu.memory_space<semaphore_mem>>)
      %mul3A_127 = arith.constant 4 : i32
      %mul3A_128 = arith.muli %scan3A_8, %mul3A_127 : i32
      %add3A_129 = arith.constant 1 : i32
      %add3A_130 = arith.addi %mul3A_128, %add3A_129 : i32
      %mul3A_131 = arith.constant 128 : i32
      %mul3A_132 = arith.muli %add3A_130, %mul3A_131 : i32
      %multiple_of3A_133 = tpu.assume_multiple %mul3A_132, 128 : i32
      %add3A_134 = arith.addi %mul3A_2, %multiple_of3A_133 : i32
      %dma_start3A_135 = arith.constant 1 : i32
      %dma_start3A_136 = arith.constant 0 : i32
      %dma_start3A_137 = arith.constant 0 : i32
      %dma_start3A_138 = tpu.memref_slice %arg6[%dma_start3A_135, %dma_start3A_136, %dma_start3A_137] : memref<4x128x128xf32, #tpu.memory_space<vmem>> -> memref<1x128x128xf32, #tpu.memory_space<vmem>>
      %dma_start3A_139 = tpu.memref_squeeze %dma_start3A_138 : memref<1x128x128xf32, #tpu.memory_space<vmem>> -> memref<128x128xf32, #tpu.memory_space<vmem>>
      %dma_start3A_140 = arith.constant 0 : i32
      %dma_start3A_141 = tpu.memref_slice %arg4[%add3A_134, %dma_start3A_140] : memref<262144x128xf32, #tpu.memory_space<hbm>> -> memref<128x128xf32, #tpu.memory_space<hbm>>
      %dma_start3A_142 = arith.constant 0 : i32
      %dma_start3A_143 = tpu.memref_slice %arg4[%add3A_134, %dma_start3A_142] : memref<262144x128xf32, #tpu.memory_space<hbm>> -> memref<128x128xf32, #tpu.memory_space<hbm>>
      %dma_start3A_144 = arith.constant 0 : i32
      %dma_start3A_145 = arith.constant 0 : i32
      %dma_start3A_146 = tpu.memref_slice %arg6[%dma_start3A_135, %dma_start3A_144, %dma_start3A_145] : memref<4x128x128xf32, #tpu.memory_space<vmem>> -> memref<1x128x128xf32, #tpu.memory_space<vmem>>
      %dma_start3A_147 = tpu.memref_squeeze %dma_start3A_146 : memref<1x128x128xf32, #tpu.memory_space<vmem>> -> memref<128x128xf32, #tpu.memory_space<vmem>>
      tpu.enqueue_dma source(%dma_start3A_147 : memref<128x128xf32, #tpu.memory_space<vmem>>) target(%dma_start3A_143 : memref<128x128xf32, #tpu.memory_space<hbm>>) target_semaphore(%arg8 : memref<!tpu.dma_semaphore, #tpu.memory_space<semaphore_mem>>)
      %mul3A_148 = arith.constant 4 : i32
      %mul3A_149 = arith.muli %scan3A_8, %mul3A_148 : i32
      %add3A_150 = arith.constant 2 : i32
      %add3A_151 = arith.addi %mul3A_149, %add3A_150 : i32
      %mul3A_152 = arith.constant 128 : i32
      %mul3A_153 = arith.muli %add3A_151, %mul3A_152 : i32
      %multiple_of3A_154 = tpu.assume_multiple %mul3A_153, 128 : i32
      %add3A_155 = arith.addi %mul3A_2, %multiple_of3A_154 : i32
      %dma_start3A_156 = arith.constant 2 : i32
      %dma_start3A_157 = arith.constant 0 : i32
      %dma_start3A_158 = arith.constant 0 : i32
      %dma_start3A_159 = tpu.memref_slice %arg6[%dma_start3A_156, %dma_start3A_157, %dma_start3A_158] : memref<4x128x128xf32, #tpu.memory_space<vmem>> -> memref<1x128x128xf32, #tpu.memory_space<vmem>>
      %dma_start3A_160 = tpu.memref_squeeze %dma_start3A_159 : memref<1x128x128xf32, #tpu.memory_space<vmem>> -> memref<128x128xf32, #tpu.memory_space<vmem>>
      %dma_start3A_161 = arith.constant 0 : i32
      %dma_start3A_162 = tpu.memref_slice %arg4[%add3A_155, %dma_start3A_161] : memref<262144x128xf32, #tpu.memory_space<hbm>> -> memref<128x128xf32, #tpu.memory_space<hbm>>
      %dma_start3A_163 = arith.constant 0 : i32
      %dma_start3A_164 = tpu.memref_slice %arg4[%add3A_155, %dma_start3A_163] : memref<262144x128xf32, #tpu.memory_space<hbm>> -> memref<128x128xf32, #tpu.memory_space<hbm>>
      %dma_start3A_165 = arith.constant 0 : i32
      %dma_start3A_166 = arith.constant 0 : i32
      %dma_start3A_167 = tpu.memref_slice %arg6[%dma_start3A_156, %dma_start3A_165, %dma_start3A_166] : memref<4x128x128xf32, #tpu.memory_space<vmem>> -> memref<1x128x128xf32, #tpu.memory_space<vmem>>
      %dma_start3A_168 = tpu.memref_squeeze %dma_start3A_167 : memref<1x128x128xf32, #tpu.memory_space<vmem>> -> memref<128x128xf32, #tpu.memory_space<vmem>>
      tpu.enqueue_dma source(%dma_start3A_168 : memref<128x128xf32, #tpu.memory_space<vmem>>) target(%dma_start3A_164 : memref<128x128xf32, #tpu.memory_space<hbm>>) target_semaphore(%arg8 : memref<!tpu.dma_semaphore, #tpu.memory_space<semaphore_mem>>)
      %mul3A_169 = arith.constant 4 : i32
      %mul3A_170 = arith.muli %scan3A_8, %mul3A_169 : i32
      %add3A_171 = arith.constant 3 : i32
      %add3A_172 = arith.addi %mul3A_170, %add3A_171 : i32
      %mul3A_173 = arith.constant 128 : i32
      %mul3A_174 = arith.muli %add3A_172, %mul3A_173 : i32
      %multiple_of3A_175 = tpu.assume_multiple %mul3A_174, 128 : i32
      %add3A_176 = arith.addi %mul3A_2, %multiple_of3A_175 : i32
      %dma_start3A_177 = arith.constant 3 : i32
      %dma_start3A_178 = arith.constant 0 : i32
      %dma_start3A_179 = arith.constant 0 : i32
      %dma_start3A_180 = tpu.memref_slice %arg6[%dma_start3A_177, %dma_start3A_178, %dma_start3A_179] : memref<4x128x128xf32, #tpu.memory_space<vmem>> -> memref<1x128x128xf32, #tpu.memory_space<vmem>>
      %dma_start3A_181 = tpu.memref_squeeze %dma_start3A_180 : memref<1x128x128xf32, #tpu.memory_space<vmem>> -> memref<128x128xf32, #tpu.memory_space<vmem>>
      %dma_start3A_182 = arith.constant 0 : i32
      %dma_start3A_183 = tpu.memref_slice %arg4[%add3A_176, %dma_start3A_182] : memref<262144x128xf32, #tpu.memory_space<hbm>> -> memref<128x128xf32, #tpu.memory_space<hbm>>
      %dma_start3A_184 = arith.constant 0 : i32
      %dma_start3A_185 = tpu.memref_slice %arg4[%add3A_176, %dma_start3A_184] : memref<262144x128xf32, #tpu.memory_space<hbm>> -> memref<128x128xf32, #tpu.memory_space<hbm>>
      %dma_start3A_186 = arith.constant 0 : i32
      %dma_start3A_187 = arith.constant 0 : i32
      %dma_start3A_188 = tpu.memref_slice %arg6[%dma_start3A_177, %dma_start3A_186, %dma_start3A_187] : memref<4x128x128xf32, #tpu.memory_space<vmem>> -> memref<1x128x128xf32, #tpu.memory_space<vmem>>
      %dma_start3A_189 = tpu.memref_squeeze %dma_start3A_188 : memref<1x128x128xf32, #tpu.memory_space<vmem>> -> memref<128x128xf32, #tpu.memory_space<vmem>>
      tpu.enqueue_dma source(%dma_start3A_189 : memref<128x128xf32, #tpu.memory_space<vmem>>) target(%dma_start3A_185 : memref<128x128xf32, #tpu.memory_space<hbm>>) target_semaphore(%arg8 : memref<!tpu.dma_semaphore, #tpu.memory_space<semaphore_mem>>)
      %dma_wait3A_190 = arith.constant 0 : i32
      %dma_wait3A_191 = arith.constant 0 : i32
      %dma_wait3A_192 = arith.constant 0 : i32
      %dma_wait3A_193 = tpu.memref_slice %arg6[%dma_wait3A_190, %dma_wait3A_191, %dma_wait3A_192] : memref<4x128x128xf32, #tpu.memory_space<vmem>> -> memref<1x128x128xf32, #tpu.memory_space<vmem>>
      %dma_wait3A_194 = tpu.memref_squeeze %dma_wait3A_193 : memref<1x128x128xf32, #tpu.memory_space<vmem>> -> memref<128x128xf32, #tpu.memory_space<vmem>>
      %dma_wait3A_195 = arith.constant 0 : i32
      %dma_wait3A_196 = tpu.memref_slice %arg4[%add3A_113, %dma_wait3A_195] : memref<262144x128xf32, #tpu.memory_space<hbm>> -> memref<128x128xf32, #tpu.memory_space<hbm>>
      %dma_wait3A_197 = arith.constant 0 : i32
      %dma_wait3A_198 = tpu.memref_slice %arg4[%add3A_113, %dma_wait3A_197] : memref<262144x128xf32, #tpu.memory_space<hbm>> -> memref<128x128xf32, #tpu.memory_space<hbm>>
      %dma_wait3A_199 = arith.constant 0 : i32
      %dma_wait3A_200 = arith.constant 0 : i32
      %dma_wait3A_201 = tpu.memref_slice %arg6[%dma_wait3A_190, %dma_wait3A_199, %dma_wait3A_200] : memref<4x128x128xf32, #tpu.memory_space<vmem>> -> memref<1x128x128xf32, #tpu.memory_space<vmem>>
      %dma_wait3A_202 = tpu.memref_squeeze %dma_wait3A_201 : memref<1x128x128xf32, #tpu.memory_space<vmem>> -> memref<128x128xf32, #tpu.memory_space<vmem>>
      tpu.wait_dma2 semaphore(%arg8 : memref<!tpu.dma_semaphore, #tpu.memory_space<semaphore_mem>>) src(%dma_wait3A_202 : memref<128x128xf32, #tpu.memory_space<vmem>>) dst(%dma_wait3A_198 : memref<128x128xf32, #tpu.memory_space<hbm>>)
      %dma_wait3A_203 = arith.constant 1 : i32
      %dma_wait3A_204 = arith.constant 0 : i32
      %dma_wait3A_205 = arith.constant 0 : i32
      %dma_wait3A_206 = tpu.memref_slice %arg6[%dma_wait3A_203, %dma_wait3A_204, %dma_wait3A_205] : memref<4x128x128xf32, #tpu.memory_space<vmem>> -> memref<1x128x128xf32, #tpu.memory_space<vmem>>
      %dma_wait3A_207 = tpu.memref_squeeze %dma_wait3A_206 : memref<1x128x128xf32, #tpu.memory_space<vmem>> -> memref<128x128xf32, #tpu.memory_space<vmem>>
      %dma_wait3A_208 = arith.constant 0 : i32
      %dma_wait3A_209 = tpu.memref_slice %arg4[%add3A_134, %dma_wait3A_208] : memref<262144x128xf32, #tpu.memory_space<hbm>> -> memref<128x128xf32, #tpu.memory_space<hbm>>
      %dma_wait3A_210 = arith.constant 0 : i32
      %dma_wait3A_211 = tpu.memref_slice %arg4[%add3A_134, %dma_wait3A_210] : memref<262144x128xf32, #tpu.memory_space<hbm>> -> memref<128x128xf32, #tpu.memory_space<hbm>>
      %dma_wait3A_212 = arith.constant 0 : i32
      %dma_wait3A_213 = arith.constant 0 : i32
      %dma_wait3A_214 = tpu.memref_slice %arg6[%dma_wait3A_203, %dma_wait3A_212, %dma_wait3A_213] : memref<4x128x128xf32, #tpu.memory_space<vmem>> -> memref<1x128x128xf32, #tpu.memory_space<vmem>>
      %dma_wait3A_215 = tpu.memref_squeeze %dma_wait3A_214 : memref<1x128x128xf32, #tpu.memory_space<vmem>> -> memref<128x128xf32, #tpu.memory_space<vmem>>
      tpu.wait_dma2 semaphore(%arg8 : memref<!tpu.dma_semaphore, #tpu.memory_space<semaphore_mem>>) src(%dma_wait3A_215 : memref<128x128xf32, #tpu.memory_space<vmem>>) dst(%dma_wait3A_211 : memref<128x128xf32, #tpu.memory_space<hbm>>)
      %dma_wait3A_216 = arith.constant 2 : i32
      %dma_wait3A_217 = arith.constant 0 : i32
      %dma_wait3A_218 = arith.constant 0 : i32
      %dma_wait3A_219 = tpu.memref_slice %arg6[%dma_wait3A_216, %dma_wait3A_217, %dma_wait3A_218] : memref<4x128x128xf32, #tpu.memory_space<vmem>> -> memref<1x128x128xf32, #tpu.memory_space<vmem>>
      %dma_wait3A_220 = tpu.memref_squeeze %dma_wait3A_219 : memref<1x128x128xf32, #tpu.memory_space<vmem>> -> memref<128x128xf32, #tpu.memory_space<vmem>>
      %dma_wait3A_221 = arith.constant 0 : i32
      %dma_wait3A_222 = tpu.memref_slice %arg4[%add3A_155, %dma_wait3A_221] : memref<262144x128xf32, #tpu.memory_space<hbm>> -> memref<128x128xf32, #tpu.memory_space<hbm>>
      %dma_wait3A_223 = arith.constant 0 : i32
      %dma_wait3A_224 = tpu.memref_slice %arg4[%add3A_155, %dma_wait3A_223] : memref<262144x128xf32, #tpu.memory_space<hbm>> -> memref<128x128xf32, #tpu.memory_space<hbm>>
      %dma_wait3A_225 = arith.constant 0 : i32
      %dma_wait3A_226 = arith.constant 0 : i32
      %dma_wait3A_227 = tpu.memref_slice %arg6[%dma_wait3A_216, %dma_wait3A_225, %dma_wait3A_226] : memref<4x128x128xf32, #tpu.memory_space<vmem>> -> memref<1x128x128xf32, #tpu.memory_space<vmem>>
      %dma_wait3A_228 = tpu.memref_squeeze %dma_wait3A_227 : memref<1x128x128xf32, #tpu.memory_space<vmem>> -> memref<128x128xf32, #tpu.memory_space<vmem>>
      tpu.wait_dma2 semaphore(%arg8 : memref<!tpu.dma_semaphore, #tpu.memory_space<semaphore_mem>>) src(%dma_wait3A_228 : memref<128x128xf32, #tpu.memory_space<vmem>>) dst(%dma_wait3A_224 : memref<128x128xf32, #tpu.memory_space<hbm>>)
      %dma_wait3A_229 = arith.constant 3 : i32
      %dma_wait3A_230 = arith.constant 0 : i32
      %dma_wait3A_231 = arith.constant 0 : i32
      %dma_wait3A_232 = tpu.memref_slice %arg6[%dma_wait3A_229, %dma_wait3A_230, %dma_wait3A_231] : memref<4x128x128xf32, #tpu.memory_space<vmem>> -> memref<1x128x128xf32, #tpu.memory_space<vmem>>
      %dma_wait3A_233 = tpu.memref_squeeze %dma_wait3A_232 : memref<1x128x128xf32, #tpu.memory_space<vmem>> -> memref<128x128xf32, #tpu.memory_space<vmem>>
      %dma_wait3A_234 = arith.constant 0 : i32
      %dma_wait3A_235 = tpu.memref_slice %arg4[%add3A_176, %dma_wait3A_234] : memref<262144x128xf32, #tpu.memory_space<hbm>> -> memref<128x128xf32, #tpu.memory_space<hbm>>
      %dma_wait3A_236 = arith.constant 0 : i32
      %dma_wait3A_237 = tpu.memref_slice %arg4[%add3A_176, %dma_wait3A_236] : memref<262144x128xf32, #tpu.memory_space<hbm>> -> memref<128x128xf32, #tpu.memory_space<hbm>>
      %dma_wait3A_238 = arith.constant 0 : i32
      %dma_wait3A_239 = arith.constant 0 : i32
      %dma_wait3A_240 = tpu.memref_slice %arg6[%dma_wait3A_229, %dma_wait3A_238, %dma_wait3A_239] : memref<4x128x128xf32, #tpu.memory_space<vmem>> -> memref<1x128x128xf32, #tpu.memory_space<vmem>>
      %dma_wait3A_241 = tpu.memref_squeeze %dma_wait3A_240 : memref<1x128x128xf32, #tpu.memory_space<vmem>> -> memref<128x128xf32, #tpu.memory_space<vmem>>
      tpu.wait_dma2 semaphore(%arg8 : memref<!tpu.dma_semaphore, #tpu.memory_space<semaphore_mem>>) src(%dma_wait3A_241 : memref<128x128xf32, #tpu.memory_space<vmem>>) dst(%dma_wait3A_237 : memref<128x128xf32, #tpu.memory_space<hbm>>)
    }
    %scan3A_7 = arith.constant 16 : i32
    return
  }
}

module attributes {stable_mosaic.version = 14 : i64} {
  func.func @_fps_body(%arg0: memref<3x8x1024xf32, #tpu.memory_space<vmem>>, %arg1: memref<512x8x128xf32, #tpu.memory_space<vmem>>) attributes {dimension_semantics = [], scalar_prefetch = 0 : i64, scratch_operands = 0 : i64, tpu.core_type = #tpu.core_type<tc>} {
    %get3A = arith.constant 0 : index
    %get3A_0 = arith.constant 0 : index
    %get3A_1 = arith.constant 0 : index
    %get3A_2 = vector.load %arg0[%get3A, %get3A_0, %get3A_1] : memref<3x8x1024xf32, #tpu.memory_space<vmem>>, vector<1x8x1024xf32>
    %get3A_3 = vector.shape_cast %get3A_2 : vector<1x8x1024xf32> to vector<8x1024xf32>
    %get3A_4 = arith.constant 1 : index
    %get3A_5 = arith.constant 0 : index
    %get3A_6 = arith.constant 0 : index
    %get3A_7 = vector.load %arg0[%get3A_4, %get3A_5, %get3A_6] : memref<3x8x1024xf32, #tpu.memory_space<vmem>>, vector<1x8x1024xf32>
    %get3A_8 = vector.shape_cast %get3A_7 : vector<1x8x1024xf32> to vector<8x1024xf32>
    %get3A_9 = arith.constant 2 : index
    %get3A_10 = arith.constant 0 : index
    %get3A_11 = arith.constant 0 : index
    %get3A_12 = vector.load %arg0[%get3A_9, %get3A_10, %get3A_11] : memref<3x8x1024xf32, #tpu.memory_space<vmem>>, vector<1x8x1024xf32>
    %get3A_13 = vector.shape_cast %get3A_12 : vector<1x8x1024xf32> to vector<8x1024xf32>
    %iota3A = tpu.iota {dimensions = array<i32: 1>} : vector<8x1024xi32>
    %convert_element_type3A = arith.sitofp %iota3A : vector<8x1024xi32> to vector<8x1024xf32>
    %iota3A_14 = tpu.iota {dimensions = array<i32: 1>} : vector<8x128xi32>
    %broadcast_in_dim3A = arith.constant 0x7F800000 : f32
    %broadcast_in_dim3A_15 = vector.broadcast %broadcast_in_dim3A : f32 to vector<8x1024xf32>
    %broadcast_in_dim3A_16 = arith.constant 0.000000e+00 : f32
    %broadcast_in_dim3A_17 = vector.broadcast %broadcast_in_dim3A_16 : f32 to vector<8x1xf32>
    %scan3A = arith.constant 0 : i32
    %scan3A_18 = arith.constant 512 : i32
    %scan3A_19 = arith.addi %scan3A, %scan3A_18 : i32
    %scan3A_20 = arith.constant 1 : i32
    %scan3A_21:2 = scf.for %scan3A_23 = %scan3A to %scan3A_19 step %scan3A_20 iter_args(%scan3A_24 = %broadcast_in_dim3A_15, %scan3A_25 = %broadcast_in_dim3A_17) -> (vector<8x1024xf32>, vector<8x1xf32>)  : i32 {
      %eq3A = vector.broadcast %scan3A_25 : vector<8x1xf32> to vector<8x1024xf32>
      %eq3A_26 = arith.cmpf oeq, %convert_element_type3A, %eq3A : vector<8x1024xf32>
      %jit3A = arith.constant 0.000000e+00 : f32
      %broadcast_in_dim3A_27 = vector.broadcast %jit3A : f32 to vector<8x1024xf32>
      %select_n3A = arith.select %eq3A_26, %get3A_3, %broadcast_in_dim3A_27 : vector<8x1024xi1>, vector<8x1024xf32>
      %reduce_sum3A = arith.constant dense<0.000000e+00> : vector<8xf32>
      %reduce_sum3A_28 = vector.multi_reduction <add>, %select_n3A, %reduce_sum3A [1] : vector<8x1024xf32> to vector<8xf32>
      %broadcast_in_dim3A_29 = vector.shape_cast %reduce_sum3A_28 : vector<8xf32> to vector<8x1xf32>
      %jit3A_30 = arith.constant 0.000000e+00 : f32
      %broadcast_in_dim3A_31 = vector.broadcast %jit3A_30 : f32 to vector<8x1024xf32>
      %select_n3A_32 = arith.select %eq3A_26, %get3A_8, %broadcast_in_dim3A_31 : vector<8x1024xi1>, vector<8x1024xf32>
      %reduce_sum3A_33 = arith.constant dense<0.000000e+00> : vector<8xf32>
      %reduce_sum3A_34 = vector.multi_reduction <add>, %select_n3A_32, %reduce_sum3A_33 [1] : vector<8x1024xf32> to vector<8xf32>
      %broadcast_in_dim3A_35 = vector.shape_cast %reduce_sum3A_34 : vector<8xf32> to vector<8x1xf32>
      %jit3A_36 = arith.constant 0.000000e+00 : f32
      %broadcast_in_dim3A_37 = vector.broadcast %jit3A_36 : f32 to vector<8x1024xf32>
      %select_n3A_38 = arith.select %eq3A_26, %get3A_13, %broadcast_in_dim3A_37 : vector<8x1024xi1>, vector<8x1024xf32>
      %reduce_sum3A_39 = arith.constant dense<0.000000e+00> : vector<8xf32>
      %reduce_sum3A_40 = vector.multi_reduction <add>, %select_n3A_38, %reduce_sum3A_39 [1] : vector<8x1024xf32> to vector<8xf32>
      %broadcast_in_dim3A_41 = vector.shape_cast %reduce_sum3A_40 : vector<8xf32> to vector<8x1xf32>
      %eq3A_42 = arith.constant 0 : i32
      %eq3A_43 = vector.broadcast %eq3A_42 : i32 to vector<8x128xi32>
      %eq3A_44 = arith.cmpi eq, %iota3A_14, %eq3A_43 : vector<8x128xi32>
      %jit3A_45 = arith.constant 0.000000e+00 : f32
      %broadcast_in_dim3A_46 = vector.shape_cast %broadcast_in_dim3A_29 : vector<8x1xf32> to vector<8x1xf32>
      %broadcast_in_dim3A_47 = vector.broadcast %broadcast_in_dim3A_46 : vector<8x1xf32> to vector<8x128xf32>
      %broadcast_in_dim3A_48 = vector.broadcast %jit3A_45 : f32 to vector<8x128xf32>
      %select_n3A_49 = arith.select %eq3A_44, %broadcast_in_dim3A_47, %broadcast_in_dim3A_48 : vector<8x128xi1>, vector<8x128xf32>
      %eq3A_50 = arith.constant 1 : i32
      %eq3A_51 = vector.broadcast %eq3A_50 : i32 to vector<8x128xi32>
      %eq3A_52 = arith.cmpi eq, %iota3A_14, %eq3A_51 : vector<8x128xi32>
      %jit3A_53 = arith.constant 0.000000e+00 : f32
      %broadcast_in_dim3A_54 = vector.shape_cast %broadcast_in_dim3A_35 : vector<8x1xf32> to vector<8x1xf32>
      %broadcast_in_dim3A_55 = vector.broadcast %broadcast_in_dim3A_54 : vector<8x1xf32> to vector<8x128xf32>
      %broadcast_in_dim3A_56 = vector.broadcast %jit3A_53 : f32 to vector<8x128xf32>
      %select_n3A_57 = arith.select %eq3A_52, %broadcast_in_dim3A_55, %broadcast_in_dim3A_56 : vector<8x128xi1>, vector<8x128xf32>
      %add3A = arith.addf %select_n3A_49, %select_n3A_57 : vector<8x128xf32>
      %eq3A_58 = arith.constant 2 : i32
      %eq3A_59 = vector.broadcast %eq3A_58 : i32 to vector<8x128xi32>
      %eq3A_60 = arith.cmpi eq, %iota3A_14, %eq3A_59 : vector<8x128xi32>
      %jit3A_61 = arith.constant 0.000000e+00 : f32
      %broadcast_in_dim3A_62 = vector.shape_cast %broadcast_in_dim3A_41 : vector<8x1xf32> to vector<8x1xf32>
      %broadcast_in_dim3A_63 = vector.broadcast %broadcast_in_dim3A_62 : vector<8x1xf32> to vector<8x128xf32>
      %broadcast_in_dim3A_64 = vector.broadcast %jit3A_61 : f32 to vector<8x128xf32>
      %select_n3A_65 = arith.select %eq3A_60, %broadcast_in_dim3A_63, %broadcast_in_dim3A_64 : vector<8x128xi1>, vector<8x128xf32>
      %add3A_66 = arith.addf %add3A, %select_n3A_65 : vector<8x128xf32>
      %reshape3A = vector.shape_cast %add3A_66 : vector<8x128xf32> to vector<1x8x128xf32>
      %swap3A = arith.index_cast %scan3A_23 : i32 to index
      %swap3A_67 = arith.constant 0 : index
      %swap3A_68 = arith.constant 0 : index
      %swap3A_69 = vector.load %arg1[%swap3A, %swap3A_67, %swap3A_68] : memref<512x8x128xf32, #tpu.memory_space<vmem>>, vector<1x8x128xf32>
      tpu.vector_store %arg1[%swap3A, %swap3A_67, %swap3A_68], %reshape3A {strides = array<i32>} : memref<512x8x128xf32, #tpu.memory_space<vmem>>, vector<1x8x128xf32>,
      %sub3A = vector.broadcast %broadcast_in_dim3A_29 : vector<8x1xf32> to vector<8x1024xf32>
      %sub3A_70 = arith.subf %get3A_3, %sub3A : vector<8x1024xf32>
      %integer_pow3A = arith.mulf %sub3A_70, %sub3A_70 : vector<8x1024xf32>
      %sub3A_71 = vector.broadcast %broadcast_in_dim3A_35 : vector<8x1xf32> to vector<8x1024xf32>
      %sub3A_72 = arith.subf %get3A_8, %sub3A_71 : vector<8x1024xf32>
      %integer_pow3A_73 = arith.mulf %sub3A_72, %sub3A_72 : vector<8x1024xf32>
      %add3A_74 = arith.addf %integer_pow3A, %integer_pow3A_73 : vector<8x1024xf32>
      %sub3A_75 = vector.broadcast %broadcast_in_dim3A_41 : vector<8x1xf32> to vector<8x1024xf32>
      %sub3A_76 = arith.subf %get3A_13, %sub3A_75 : vector<8x1024xf32>
      %integer_pow3A_77 = arith.mulf %sub3A_76, %sub3A_76 : vector<8x1024xf32>
      %add3A_78 = arith.addf %add3A_74, %integer_pow3A_77 : vector<8x1024xf32>
      %min3A = arith.minimumf %scan3A_24, %add3A_78 : vector<8x1024xf32>
      %reduce_max3A = arith.constant dense<0xFF800000> : vector<8xf32>
      %reduce_max3A_79 = vector.multi_reduction <maximumf>, %min3A, %reduce_max3A [1] : vector<8x1024xf32> to vector<8xf32>
      %broadcast_in_dim3A_80 = vector.shape_cast %reduce_max3A_79 : vector<8xf32> to vector<8x1xf32>
      %eq3A_81 = vector.broadcast %broadcast_in_dim3A_80 : vector<8x1xf32> to vector<8x1024xf32>
      %eq3A_82 = arith.cmpf oeq, %min3A, %eq3A_81 : vector<8x1024xf32>
      %jit3A_83 = arith.constant 1.024000e+03 : f32
      %broadcast_in_dim3A_84 = vector.broadcast %jit3A_83 : f32 to vector<8x1024xf32>
      %select_n3A_85 = arith.select %eq3A_82, %convert_element_type3A, %broadcast_in_dim3A_84 : vector<8x1024xi1>, vector<8x1024xf32>
      %reduce_min3A = arith.constant dense<0x7F800000> : vector<8xf32>
      %reduce_min3A_86 = vector.multi_reduction <minimumf>, %select_n3A_85, %reduce_min3A [1] : vector<8x1024xf32> to vector<8xf32>
      %broadcast_in_dim3A_87 = vector.shape_cast %reduce_min3A_86 : vector<8xf32> to vector<8x1xf32>
      scf.yield %min3A, %broadcast_in_dim3A_87 : vector<8x1024xf32>, vector<8x1xf32>
    }
    %scan3A_22 = arith.constant 512 : i32
    return
  }
}

module attributes {stable_mosaic.version = 14 : i64} {
  func.func @_sel_body(%arg0: i32, %arg1: memref<1x3x1024xf32, #tpu.memory_space<vmem>>, %arg2: memref<1x1024x3xf32, #tpu.memory_space<vmem>>, %arg3: memref<1x1024x3xf32, #tpu.memory_space<vmem>>, %arg4: memref<1x512x3xf32, #tpu.memory_space<vmem>>, %arg5: memref<3x64xf32, #tpu.memory_space<vmem>>, %arg6: memref<3x64xf32, #tpu.memory_space<vmem>>, %arg7: memref<1x512x64xi32, #tpu.memory_space<vmem>>, %arg8: memref<1x512x64xf32, #tpu.memory_space<vmem>>, %arg9: memref<1x1024x128xf32, #tpu.memory_space<vmem>>) attributes {dimension_semantics = [#tpu.dimension_semantics<arbitrary>], iteration_bounds = array<i64: 8>, scalar_prefetch = 0 : i64, scratch_operands = 0 : i64, tpu.core_type = #tpu.core_type<tc>, window_params = [{transform_indices = @transform_0, window_bounds = array<i64: 1, 3, 1024>}, {transform_indices = @transform_1, window_bounds = array<i64: 1, 1024, 3>}, {transform_indices = @transform_2, window_bounds = array<i64: 1, 1024, 3>}, {transform_indices = @transform_3, window_bounds = array<i64: 1, 512, 3>}, {pipeline_mode = #tpu.pipeline_mode<synchronous>, transform_indices = @transform_4, window_bounds = array<i64: 3, 64>}, {pipeline_mode = #tpu.pipeline_mode<synchronous>, transform_indices = @transform_5, window_bounds = array<i64: 3, 64>}, {transform_indices = @transform_6, window_bounds = array<i64: 1, 512, 64>}, {transform_indices = @transform_7, window_bounds = array<i64: 1, 512, 64>}, {transform_indices = @transform_8, window_bounds = array<i64: 1, 1024, 128>}]} {
    %get3A = arith.constant 0 : index
    %get3A_0 = arith.constant 0 : index
    %get3A_1 = arith.constant 0 : index
    %get3A_2 = vector.load %arg1[%get3A, %get3A_0, %get3A_1] : memref<1x3x1024xf32, #tpu.memory_space<vmem>>, vector<1x1x1024xf32>
    %get3A_3 = vector.shape_cast %get3A_2 : vector<1x1x1024xf32> to vector<1x1024xf32>
    %get3A_4 = arith.constant 0 : index
    %get3A_5 = arith.constant 1 : index
    %get3A_6 = arith.constant 0 : index
    %get3A_7 = vector.load %arg1[%get3A_4, %get3A_5, %get3A_6] : memref<1x3x1024xf32, #tpu.memory_space<vmem>>, vector<1x1x1024xf32>
    %get3A_8 = vector.shape_cast %get3A_7 : vector<1x1x1024xf32> to vector<1x1024xf32>
    %get3A_9 = arith.constant 0 : index
    %get3A_10 = arith.constant 2 : index
    %get3A_11 = arith.constant 0 : index
    %get3A_12 = vector.load %arg1[%get3A_9, %get3A_10, %get3A_11] : memref<1x3x1024xf32, #tpu.memory_space<vmem>>, vector<1x1x1024xf32>
    %get3A_13 = vector.shape_cast %get3A_12 : vector<1x1x1024xf32> to vector<1x1024xf32>
    %get3A_14 = arith.constant 0 : index
    %get3A_15 = arith.constant 0 : index
    %get3A_16 = arith.constant 0 : index
    %get3A_17 = vector.load %arg4[%get3A_14, %get3A_15, %get3A_16] : memref<1x512x3xf32, #tpu.memory_space<vmem>>, vector<1x512x1xf32>
    %get3A_18 = vector.shape_cast %get3A_17 : vector<1x512x1xf32> to vector<512x1xf32>
    %get3A_19 = arith.constant 0 : index
    %get3A_20 = arith.constant 0 : index
    %get3A_21 = arith.constant 1 : index
    %get3A_22 = vector.load %arg4[%get3A_19, %get3A_20, %get3A_21] : memref<1x512x3xf32, #tpu.memory_space<vmem>>, vector<1x512x1xf32>
    %get3A_23 = vector.shape_cast %get3A_22 : vector<1x512x1xf32> to vector<512x1xf32>
    %get3A_24 = arith.constant 0 : index
    %get3A_25 = arith.constant 0 : index
    %get3A_26 = arith.constant 2 : index
    %get3A_27 = vector.load %arg4[%get3A_24, %get3A_25, %get3A_26] : memref<1x512x3xf32, #tpu.memory_space<vmem>>, vector<1x512x1xf32>
    %get3A_28 = vector.shape_cast %get3A_27 : vector<1x512x1xf32> to vector<512x1xf32>
    %sub3A = vector.broadcast %get3A_18 : vector<512x1xf32> to vector<512x1024xf32>
    %sub3A_29 = vector.broadcast %get3A_3 : vector<1x1024xf32> to vector<512x1024xf32>
    %sub3A_30 = arith.subf %sub3A, %sub3A_29 : vector<512x1024xf32>
    %integer_pow3A = arith.mulf %sub3A_30, %sub3A_30 : vector<512x1024xf32>
    %sub3A_31 = vector.broadcast %get3A_23 : vector<512x1xf32> to vector<512x1024xf32>
    %sub3A_32 = vector.broadcast %get3A_8 : vector<1x1024xf32> to vector<512x1024xf32>
    %sub3A_33 = arith.subf %sub3A_31, %sub3A_32 : vector<512x1024xf32>
    %integer_pow3A_34 = arith.mulf %sub3A_33, %sub3A_33 : vector<512x1024xf32>
    %add3A = arith.addf %integer_pow3A, %integer_pow3A_34 : vector<512x1024xf32>
    %sub3A_35 = vector.broadcast %get3A_28 : vector<512x1xf32> to vector<512x1024xf32>
    %sub3A_36 = vector.broadcast %get3A_13 : vector<1x1024xf32> to vector<512x1024xf32>
    %sub3A_37 = arith.subf %sub3A_35, %sub3A_36 : vector<512x1024xf32>
    %integer_pow3A_38 = arith.mulf %sub3A_37, %sub3A_37 : vector<512x1024xf32>
    %add3A_39 = arith.addf %add3A, %integer_pow3A_38 : vector<512x1024xf32>
    %le3A = arith.constant 4.000000e-02 : f32
    %le3A_40 = vector.broadcast %le3A : f32 to vector<512x1024xf32>
    %le3A_41 = arith.cmpf ole, %add3A_39, %le3A_40 : vector<512x1024xf32>
    %jit3A = arith.constant 0x7F800000 : f32
    %broadcast_in_dim3A = vector.broadcast %jit3A : f32 to vector<512x1024xf32>
    %select_n3A = arith.select %le3A_41, %add3A_39, %broadcast_in_dim3A : vector<512x1024xi1>, vector<512x1024xf32>
    %iota3A = tpu.iota {dimensions = array<i32: 1>} : vector<512x1024xi32>
    %convert_element_type3A = arith.sitofp %iota3A : vector<512x1024xi32> to vector<512x1024xf32>
    %mul3A = arith.constant 1024 : i32
    %mul3A_42 = arith.muli %arg0, %mul3A : i32
    %reduce_min3A = arith.constant dense<0x7F800000> : vector<512xf32>
    %reduce_min3A_43 = vector.multi_reduction <minimumf>, %select_n3A, %reduce_min3A [1] : vector<512x1024xf32> to vector<512xf32>
    %broadcast_in_dim3A_44 = vector.shape_cast %reduce_min3A_43 : vector<512xf32> to vector<512x1xf32>
    %eq3A = vector.broadcast %broadcast_in_dim3A_44 : vector<512x1xf32> to vector<512x1024xf32>
    %eq3A_45 = arith.cmpf oeq, %select_n3A, %eq3A : vector<512x1024xf32>
    %jit3A_46 = arith.constant 1.024000e+03 : f32
    %broadcast_in_dim3A_47 = vector.broadcast %jit3A_46 : f32 to vector<512x1024xf32>
    %select_n3A_48 = arith.select %eq3A_45, %convert_element_type3A, %broadcast_in_dim3A_47 : vector<512x1024xi1>, vector<512x1024xf32>
    %reduce_min3A_49 = arith.constant dense<0x7F800000> : vector<512xf32>
    %reduce_min3A_50 = vector.multi_reduction <minimumf>, %select_n3A_48, %reduce_min3A_49 [1] : vector<512x1024xf32> to vector<512xf32>
    %broadcast_in_dim3A_51 = vector.shape_cast %reduce_min3A_50 : vector<512xf32> to vector<512x1xf32>
    %eq3A_52 = vector.broadcast %broadcast_in_dim3A_51 : vector<512x1xf32> to vector<512x1024xf32>
    %eq3A_53 = arith.cmpf oeq, %convert_element_type3A, %eq3A_52 : vector<512x1024xf32>
    %jit3A_54 = arith.constant 0x7F800000 : f32
    %broadcast_in_dim3A_55 = vector.broadcast %jit3A_54 : f32 to vector<512x1024xf32>
    %select_n3A_56 = arith.select %eq3A_53, %broadcast_in_dim3A_55, %select_n3A : vector<512x1024xi1>, vector<512x1024xf32>
    %convert_element_type3A_57 = arith.fptosi %broadcast_in_dim3A_51 : vector<512x1xf32> to vector<512x1xi32>
    %add3A_58 = vector.broadcast %mul3A_42 : i32 to vector<512x1xi32>
    %add3A_59 = arith.addi %convert_element_type3A_57, %add3A_58 : vector<512x1xi32>
    %lt3A = arith.constant 0x7F800000 : f32
    %lt3A_60 = vector.broadcast %lt3A : f32 to vector<512x1xf32>
    %lt3A_61 = arith.cmpf olt, %broadcast_in_dim3A_44, %lt3A_60 : vector<512x1xf32>
    %jit3A_62 = arith.constant 1.000000e+00 : f32
    %jit3A_63 = arith.constant 0.000000e+00 : f32
    %broadcast_in_dim3A_64 = vector.broadcast %jit3A_62 : f32 to vector<512x1xf32>
    %broadcast_in_dim3A_65 = vector.broadcast %jit3A_63 : f32 to vector<512x1xf32>
    %select_n3A_66 = arith.select %lt3A_61, %broadcast_in_dim3A_64, %broadcast_in_dim3A_65 : vector<512x1xi1>, vector<512x1xf32>
    %reduce_min3A_67 = arith.constant dense<0x7F800000> : vector<512xf32>
    %reduce_min3A_68 = vector.multi_reduction <minimumf>, %select_n3A_56, %reduce_min3A_67 [1] : vector<512x1024xf32> to vector<512xf32>
    %broadcast_in_dim3A_69 = vector.shape_cast %reduce_min3A_68 : vector<512xf32> to vector<512x1xf32>
    %eq3A_70 = vector.broadcast %broadcast_in_dim3A_69 : vector<512x1xf32> to vector<512x1024xf32>
    %eq3A_71 = arith.cmpf oeq, %select_n3A_56, %eq3A_70 : vector<512x1024xf32>
    %jit3A_72 = arith.constant 1.024000e+03 : f32
    %broadcast_in_dim3A_73 = vector.broadcast %jit3A_72 : f32 to vector<512x1024xf32>
    %select_n3A_74 = arith.select %eq3A_71, %convert_element_type3A, %broadcast_in_dim3A_73 : vector<512x1024xi1>, vector<512x1024xf32>
    %reduce_min3A_75 = arith.constant dense<0x7F800000> : vector<512xf32>
    %reduce_min3A_76 = vector.multi_reduction <minimumf>, %select_n3A_74, %reduce_min3A_75 [1] : vector<512x1024xf32> to vector<512xf32>
    %broadcast_in_dim3A_77 = vector.shape_cast %reduce_min3A_76 : vector<512xf32> to vector<512x1xf32>
    %eq3A_78 = vector.broadcast %broadcast_in_dim3A_77 : vector<512x1xf32> to vector<512x1024xf32>
    %eq3A_79 = arith.cmpf oeq, %convert_element_type3A, %eq3A_78 : vector<512x1024xf32>
    %jit3A_80 = arith.constant 0x7F800000 : f32
    %broadcast_in_dim3A_81 = vector.broadcast %jit3A_80 : f32 to vector<512x1024xf32>
    %select_n3A_82 = arith.select %eq3A_79, %broadcast_in_dim3A_81, %select_n3A_56 : vector<512x1024xi1>, vector<512x1024xf32>
    %convert_element_type3A_83 = arith.fptosi %broadcast_in_dim3A_77 : vector<512x1xf32> to vector<512x1xi32>
    %add3A_84 = vector.broadcast %mul3A_42 : i32 to vector<512x1xi32>
    %add3A_85 = arith.addi %convert_element_type3A_83, %add3A_84 : vector<512x1xi32>
    %lt3A_86 = arith.constant 0x7F800000 : f32
    %lt3A_87 = vector.broadcast %lt3A_86 : f32 to vector<512x1xf32>
    %lt3A_88 = arith.cmpf olt, %broadcast_in_dim3A_69, %lt3A_87 : vector<512x1xf32>
    %jit3A_89 = arith.constant 1.000000e+00 : f32
    %jit3A_90 = arith.constant 0.000000e+00 : f32
    %broadcast_in_dim3A_91 = vector.broadcast %jit3A_89 : f32 to vector<512x1xf32>
    %broadcast_in_dim3A_92 = vector.broadcast %jit3A_90 : f32 to vector<512x1xf32>
    %select_n3A_93 = arith.select %lt3A_88, %broadcast_in_dim3A_91, %broadcast_in_dim3A_92 : vector<512x1xi1>, vector<512x1xf32>
    %reduce_min3A_94 = arith.constant dense<0x7F800000> : vector<512xf32>
    %reduce_min3A_95 = vector.multi_reduction <minimumf>, %select_n3A_82, %reduce_min3A_94 [1] : vector<512x1024xf32> to vector<512xf32>
    %broadcast_in_dim3A_96 = vector.shape_cast %reduce_min3A_95 : vector<512xf32> to vector<512x1xf32>
    %eq3A_97 = vector.broadcast %broadcast_in_dim3A_96 : vector<512x1xf32> to vector<512x1024xf32>
    %eq3A_98 = arith.cmpf oeq, %select_n3A_82, %eq3A_97 : vector<512x1024xf32>
    %jit3A_99 = arith.constant 1.024000e+03 : f32
    %broadcast_in_dim3A_100 = vector.broadcast %jit3A_99 : f32 to vector<512x1024xf32>
    %select_n3A_101 = arith.select %eq3A_98, %convert_element_type3A, %broadcast_in_dim3A_100 : vector<512x1024xi1>, vector<512x1024xf32>
    %reduce_min3A_102 = arith.constant dense<0x7F800000> : vector<512xf32>
    %reduce_min3A_103 = vector.multi_reduction <minimumf>, %select_n3A_101, %reduce_min3A_102 [1] : vector<512x1024xf32> to vector<512xf32>
    %broadcast_in_dim3A_104 = vector.shape_cast %reduce_min3A_103 : vector<512xf32> to vector<512x1xf32>
    %eq3A_105 = vector.broadcast %broadcast_in_dim3A_104 : vector<512x1xf32> to vector<512x1024xf32>
    %eq3A_106 = arith.cmpf oeq, %convert_element_type3A, %eq3A_105 : vector<512x1024xf32>
    %jit3A_107 = arith.constant 0x7F800000 : f32
    %broadcast_in_dim3A_108 = vector.broadcast %jit3A_107 : f32 to vector<512x1024xf32>
    %select_n3A_109 = arith.select %eq3A_106, %broadcast_in_dim3A_108, %select_n3A_82 : vector<512x1024xi1>, vector<512x1024xf32>
    %convert_element_type3A_110 = arith.fptosi %broadcast_in_dim3A_104 : vector<512x1xf32> to vector<512x1xi32>
    %add3A_111 = vector.broadcast %mul3A_42 : i32 to vector<512x1xi32>
    %add3A_112 = arith.addi %convert_element_type3A_110, %add3A_111 : vector<512x1xi32>
    %lt3A_113 = arith.constant 0x7F800000 : f32
    %lt3A_114 = vector.broadcast %lt3A_113 : f32 to vector<512x1xf32>
    %lt3A_115 = arith.cmpf olt, %broadcast_in_dim3A_96, %lt3A_114 : vector<512x1xf32>
    %jit3A_116 = arith.constant 1.000000e+00 : f32
    %jit3A_117 = arith.constant 0.000000e+00 : f32
    %broadcast_in_dim3A_118 = vector.broadcast %jit3A_116 : f32 to vector<512x1xf32>
    %broadcast_in_dim3A_119 = vector.broadcast %jit3A_117 : f32 to vector<512x1xf32>
    %select_n3A_120 = arith.select %lt3A_115, %broadcast_in_dim3A_118, %broadcast_in_dim3A_119 : vector<512x1xi1>, vector<512x1xf32>
    %reduce_min3A_121 = arith.constant dense<0x7F800000> : vector<512xf32>
    %reduce_min3A_122 = vector.multi_reduction <minimumf>, %select_n3A_109, %reduce_min3A_121 [1] : vector<512x1024xf32> to vector<512xf32>
    %broadcast_in_dim3A_123 = vector.shape_cast %reduce_min3A_122 : vector<512xf32> to vector<512x1xf32>
    %eq3A_124 = vector.broadcast %broadcast_in_dim3A_123 : vector<512x1xf32> to vector<512x1024xf32>
    %eq3A_125 = arith.cmpf oeq, %select_n3A_109, %eq3A_124 : vector<512x1024xf32>
    %jit3A_126 = arith.constant 1.024000e+03 : f32
    %broadcast_in_dim3A_127 = vector.broadcast %jit3A_126 : f32 to vector<512x1024xf32>
    %select_n3A_128 = arith.select %eq3A_125, %convert_element_type3A, %broadcast_in_dim3A_127 : vector<512x1024xi1>, vector<512x1024xf32>
    %reduce_min3A_129 = arith.constant dense<0x7F800000> : vector<512xf32>
    %reduce_min3A_130 = vector.multi_reduction <minimumf>, %select_n3A_128, %reduce_min3A_129 [1] : vector<512x1024xf32> to vector<512xf32>
    %broadcast_in_dim3A_131 = vector.shape_cast %reduce_min3A_130 : vector<512xf32> to vector<512x1xf32>
    %eq3A_132 = vector.broadcast %broadcast_in_dim3A_131 : vector<512x1xf32> to vector<512x1024xf32>
    %eq3A_133 = arith.cmpf oeq, %convert_element_type3A, %eq3A_132 : vector<512x1024xf32>
    %jit3A_134 = arith.constant 0x7F800000 : f32
    %broadcast_in_dim3A_135 = vector.broadcast %jit3A_134 : f32 to vector<512x1024xf32>
    %select_n3A_136 = arith.select %eq3A_133, %broadcast_in_dim3A_135, %select_n3A_109 : vector<512x1024xi1>, vector<512x1024xf32>
    %convert_element_type3A_137 = arith.fptosi %broadcast_in_dim3A_131 : vector<512x1xf32> to vector<512x1xi32>
    %add3A_138 = vector.broadcast %mul3A_42 : i32 to vector<512x1xi32>
    %add3A_139 = arith.addi %convert_element_type3A_137, %add3A_138 : vector<512x1xi32>
    %lt3A_140 = arith.constant 0x7F800000 : f32
    %lt3A_141 = vector.broadcast %lt3A_140 : f32 to vector<512x1xf32>
    %lt3A_142 = arith.cmpf olt, %broadcast_in_dim3A_123, %lt3A_141 : vector<512x1xf32>
    %jit3A_143 = arith.constant 1.000000e+00 : f32
    %jit3A_144 = arith.constant 0.000000e+00 : f32
    %broadcast_in_dim3A_145 = vector.broadcast %jit3A_143 : f32 to vector<512x1xf32>
    %broadcast_in_dim3A_146 = vector.broadcast %jit3A_144 : f32 to vector<512x1xf32>
    %select_n3A_147 = arith.select %lt3A_142, %broadcast_in_dim3A_145, %broadcast_in_dim3A_146 : vector<512x1xi1>, vector<512x1xf32>
    %reduce_min3A_148 = arith.constant dense<0x7F800000> : vector<512xf32>
    %reduce_min3A_149 = vector.multi_reduction <minimumf>, %select_n3A_136, %reduce_min3A_148 [1] : vector<512x1024xf32> to vector<512xf32>
    %broadcast_in_dim3A_150 = vector.shape_cast %reduce_min3A_149 : vector<512xf32> to vector<512x1xf32>
    %eq3A_151 = vector.broadcast %broadcast_in_dim3A_150 : vector<512x1xf32> to vector<512x1024xf32>
    %eq3A_152 = arith.cmpf oeq, %select_n3A_136, %eq3A_151 : vector<512x1024xf32>
    %jit3A_153 = arith.constant 1.024000e+03 : f32
    %broadcast_in_dim3A_154 = vector.broadcast %jit3A_153 : f32 to vector<512x1024xf32>
    %select_n3A_155 = arith.select %eq3A_152, %convert_element_type3A, %broadcast_in_dim3A_154 : vector<512x1024xi1>, vector<512x1024xf32>
    %reduce_min3A_156 = arith.constant dense<0x7F800000> : vector<512xf32>
    %reduce_min3A_157 = vector.multi_reduction <minimumf>, %select_n3A_155, %reduce_min3A_156 [1] : vector<512x1024xf32> to vector<512xf32>
    %broadcast_in_dim3A_158 = vector.shape_cast %reduce_min3A_157 : vector<512xf32> to vector<512x1xf32>
    %eq3A_159 = vector.broadcast %broadcast_in_dim3A_158 : vector<512x1xf32> to vector<512x1024xf32>
    %eq3A_160 = arith.cmpf oeq, %convert_element_type3A, %eq3A_159 : vector<512x1024xf32>
    %jit3A_161 = arith.constant 0x7F800000 : f32
    %broadcast_in_dim3A_162 = vector.broadcast %jit3A_161 : f32 to vector<512x1024xf32>
    %select_n3A_163 = arith.select %eq3A_160, %broadcast_in_dim3A_162, %select_n3A_136 : vector<512x1024xi1>, vector<512x1024xf32>
    %convert_element_type3A_164 = arith.fptosi %broadcast_in_dim3A_158 : vector<512x1xf32> to vector<512x1xi32>
    %add3A_165 = vector.broadcast %mul3A_42 : i32 to vector<512x1xi32>
    %add3A_166 = arith.addi %convert_element_type3A_164, %add3A_165 : vector<512x1xi32>
    %lt3A_167 = arith.constant 0x7F800000 : f32
    %lt3A_168 = vector.broadcast %lt3A_167 : f32 to vector<512x1xf32>
    %lt3A_169 = arith.cmpf olt, %broadcast_in_dim3A_150, %lt3A_168 : vector<512x1xf32>
    %jit3A_170 = arith.constant 1.000000e+00 : f32
    %jit3A_171 = arith.constant 0.000000e+00 : f32
    %broadcast_in_dim3A_172 = vector.broadcast %jit3A_170 : f32 to vector<512x1xf32>
    %broadcast_in_dim3A_173 = vector.broadcast %jit3A_171 : f32 to vector<512x1xf32>
    %select_n3A_174 = arith.select %lt3A_169, %broadcast_in_dim3A_172, %broadcast_in_dim3A_173 : vector<512x1xi1>, vector<512x1xf32>
    %reduce_min3A_175 = arith.constant dense<0x7F800000> : vector<512xf32>
    %reduce_min3A_176 = vector.multi_reduction <minimumf>, %select_n3A_163, %reduce_min3A_175 [1] : vector<512x1024xf32> to vector<512xf32>
    %broadcast_in_dim3A_177 = vector.shape_cast %reduce_min3A_176 : vector<512xf32> to vector<512x1xf32>
    %eq3A_178 = vector.broadcast %broadcast_in_dim3A_177 : vector<512x1xf32> to vector<512x1024xf32>
    %eq3A_179 = arith.cmpf oeq, %select_n3A_163, %eq3A_178 : vector<512x1024xf32>
    %jit3A_180 = arith.constant 1.024000e+03 : f32
    %broadcast_in_dim3A_181 = vector.broadcast %jit3A_180 : f32 to vector<512x1024xf32>
    %select_n3A_182 = arith.select %eq3A_179, %convert_element_type3A, %broadcast_in_dim3A_181 : vector<512x1024xi1>, vector<512x1024xf32>
    %reduce_min3A_183 = arith.constant dense<0x7F800000> : vector<512xf32>
    %reduce_min3A_184 = vector.multi_reduction <minimumf>, %select_n3A_182, %reduce_min3A_183 [1] : vector<512x1024xf32> to vector<512xf32>
    %broadcast_in_dim3A_185 = vector.shape_cast %reduce_min3A_184 : vector<512xf32> to vector<512x1xf32>
    %eq3A_186 = vector.broadcast %broadcast_in_dim3A_185 : vector<512x1xf32> to vector<512x1024xf32>
    %eq3A_187 = arith.cmpf oeq, %convert_element_type3A, %eq3A_186 : vector<512x1024xf32>
    %jit3A_188 = arith.constant 0x7F800000 : f32
    %broadcast_in_dim3A_189 = vector.broadcast %jit3A_188 : f32 to vector<512x1024xf32>
    %select_n3A_190 = arith.select %eq3A_187, %broadcast_in_dim3A_189, %select_n3A_163 : vector<512x1024xi1>, vector<512x1024xf32>
    %convert_element_type3A_191 = arith.fptosi %broadcast_in_dim3A_185 : vector<512x1xf32> to vector<512x1xi32>
    %add3A_192 = vector.broadcast %mul3A_42 : i32 to vector<512x1xi32>
    %add3A_193 = arith.addi %convert_element_type3A_191, %add3A_192 : vector<512x1xi32>
    %lt3A_194 = arith.constant 0x7F800000 : f32
    %lt3A_195 = vector.broadcast %lt3A_194 : f32 to vector<512x1xf32>
    %lt3A_196 = arith.cmpf olt, %broadcast_in_dim3A_177, %lt3A_195 : vector<512x1xf32>
    %jit3A_197 = arith.constant 1.000000e+00 : f32
    %jit3A_198 = arith.constant 0.000000e+00 : f32
    %broadcast_in_dim3A_199 = vector.broadcast %jit3A_197 : f32 to vector<512x1xf32>
    %broadcast_in_dim3A_200 = vector.broadcast %jit3A_198 : f32 to vector<512x1xf32>
    %select_n3A_201 = arith.select %lt3A_196, %broadcast_in_dim3A_199, %broadcast_in_dim3A_200 : vector<512x1xi1>, vector<512x1xf32>
    %reduce_min3A_202 = arith.constant dense<0x7F800000> : vector<512xf32>
    %reduce_min3A_203 = vector.multi_reduction <minimumf>, %select_n3A_190, %reduce_min3A_202 [1] : vector<512x1024xf32> to vector<512xf32>
    %broadcast_in_dim3A_204 = vector.shape_cast %reduce_min3A_203 : vector<512xf32> to vector<512x1xf32>
    %eq3A_205 = vector.broadcast %broadcast_in_dim3A_204 : vector<512x1xf32> to vector<512x1024xf32>
    %eq3A_206 = arith.cmpf oeq, %select_n3A_190, %eq3A_205 : vector<512x1024xf32>
    %jit3A_207 = arith.constant 1.024000e+03 : f32
    %broadcast_in_dim3A_208 = vector.broadcast %jit3A_207 : f32 to vector<512x1024xf32>
    %select_n3A_209 = arith.select %eq3A_206, %convert_element_type3A, %broadcast_in_dim3A_208 : vector<512x1024xi1>, vector<512x1024xf32>
    %reduce_min3A_210 = arith.constant dense<0x7F800000> : vector<512xf32>
    %reduce_min3A_211 = vector.multi_reduction <minimumf>, %select_n3A_209, %reduce_min3A_210 [1] : vector<512x1024xf32> to vector<512xf32>
    %broadcast_in_dim3A_212 = vector.shape_cast %reduce_min3A_211 : vector<512xf32> to vector<512x1xf32>
    %eq3A_213 = vector.broadcast %broadcast_in_dim3A_212 : vector<512x1xf32> to vector<512x1024xf32>
    %eq3A_214 = arith.cmpf oeq, %convert_element_type3A, %eq3A_213 : vector<512x1024xf32>
    %jit3A_215 = arith.constant 0x7F800000 : f32
    %broadcast_in_dim3A_216 = vector.broadcast %jit3A_215 : f32 to vector<512x1024xf32>
    %select_n3A_217 = arith.select %eq3A_214, %broadcast_in_dim3A_216, %select_n3A_190 : vector<512x1024xi1>, vector<512x1024xf32>
    %convert_element_type3A_218 = arith.fptosi %broadcast_in_dim3A_212 : vector<512x1xf32> to vector<512x1xi32>
    %add3A_219 = vector.broadcast %mul3A_42 : i32 to vector<512x1xi32>
    %add3A_220 = arith.addi %convert_element_type3A_218, %add3A_219 : vector<512x1xi32>
    %lt3A_221 = arith.constant 0x7F800000 : f32
    %lt3A_222 = vector.broadcast %lt3A_221 : f32 to vector<512x1xf32>
    %lt3A_223 = arith.cmpf olt, %broadcast_in_dim3A_204, %lt3A_222 : vector<512x1xf32>
    %jit3A_224 = arith.constant 1.000000e+00 : f32
    %jit3A_225 = arith.constant 0.000000e+00 : f32
    %broadcast_in_dim3A_226 = vector.broadcast %jit3A_224 : f32 to vector<512x1xf32>
    %broadcast_in_dim3A_227 = vector.broadcast %jit3A_225 : f32 to vector<512x1xf32>
    %select_n3A_228 = arith.select %lt3A_223, %broadcast_in_dim3A_226, %broadcast_in_dim3A_227 : vector<512x1xi1>, vector<512x1xf32>
    %reduce_min3A_229 = arith.constant dense<0x7F800000> : vector<512xf32>
    %reduce_min3A_230 = vector.multi_reduction <minimumf>, %select_n3A_217, %reduce_min3A_229 [1] : vector<512x1024xf32> to vector<512xf32>
    %broadcast_in_dim3A_231 = vector.shape_cast %reduce_min3A_230 : vector<512xf32> to vector<512x1xf32>
    %eq3A_232 = vector.broadcast %broadcast_in_dim3A_231 : vector<512x1xf32> to vector<512x1024xf32>
    %eq3A_233 = arith.cmpf oeq, %select_n3A_217, %eq3A_232 : vector<512x1024xf32>
    %jit3A_234 = arith.constant 1.024000e+03 : f32
    %broadcast_in_dim3A_235 = vector.broadcast %jit3A_234 : f32 to vector<512x1024xf32>
    %select_n3A_236 = arith.select %eq3A_233, %convert_element_type3A, %broadcast_in_dim3A_235 : vector<512x1024xi1>, vector<512x1024xf32>
    %reduce_min3A_237 = arith.constant dense<0x7F800000> : vector<512xf32>
    %reduce_min3A_238 = vector.multi_reduction <minimumf>, %select_n3A_236, %reduce_min3A_237 [1] : vector<512x1024xf32> to vector<512xf32>
    %broadcast_in_dim3A_239 = vector.shape_cast %reduce_min3A_238 : vector<512xf32> to vector<512x1xf32>
    %eq3A_240 = vector.broadcast %broadcast_in_dim3A_239 : vector<512x1xf32> to vector<512x1024xf32>
    %eq3A_241 = arith.cmpf oeq, %convert_element_type3A, %eq3A_240 : vector<512x1024xf32>
    %jit3A_242 = arith.constant 0x7F800000 : f32
    %broadcast_in_dim3A_243 = vector.broadcast %jit3A_242 : f32 to vector<512x1024xf32>
    %select_n3A_244 = arith.select %eq3A_241, %broadcast_in_dim3A_243, %select_n3A_217 : vector<512x1024xi1>, vector<512x1024xf32>
    %convert_element_type3A_245 = arith.fptosi %broadcast_in_dim3A_239 : vector<512x1xf32> to vector<512x1xi32>
    %add3A_246 = vector.broadcast %mul3A_42 : i32 to vector<512x1xi32>
    %add3A_247 = arith.addi %convert_element_type3A_245, %add3A_246 : vector<512x1xi32>
    %lt3A_248 = arith.constant 0x7F800000 : f32
    %lt3A_249 = vector.broadcast %lt3A_248 : f32 to vector<512x1xf32>
    %lt3A_250 = arith.cmpf olt, %broadcast_in_dim3A_231, %lt3A_249 : vector<512x1xf32>
    %jit3A_251 = arith.constant 1.000000e+00 : f32
    %jit3A_252 = arith.constant 0.000000e+00 : f32
    %broadcast_in_dim3A_253 = vector.broadcast %jit3A_251 : f32 to vector<512x1xf32>
    %broadcast_in_dim3A_254 = vector.broadcast %jit3A_252 : f32 to vector<512x1xf32>
    %select_n3A_255 = arith.select %lt3A_250, %broadcast_in_dim3A_253, %broadcast_in_dim3A_254 : vector<512x1xi1>, vector<512x1xf32>
    %reduce_min3A_256 = arith.constant dense<0x7F800000> : vector<512xf32>
    %reduce_min3A_257 = vector.multi_reduction <minimumf>, %select_n3A_244, %reduce_min3A_256 [1] : vector<512x1024xf32> to vector<512xf32>
    %broadcast_in_dim3A_258 = vector.shape_cast %reduce_min3A_257 : vector<512xf32> to vector<512x1xf32>
    %eq3A_259 = vector.broadcast %broadcast_in_dim3A_258 : vector<512x1xf32> to vector<512x1024xf32>
    %eq3A_260 = arith.cmpf oeq, %select_n3A_244, %eq3A_259 : vector<512x1024xf32>
    %jit3A_261 = arith.constant 1.024000e+03 : f32
    %broadcast_in_dim3A_262 = vector.broadcast %jit3A_261 : f32 to vector<512x1024xf32>
    %select_n3A_263 = arith.select %eq3A_260, %convert_element_type3A, %broadcast_in_dim3A_262 : vector<512x1024xi1>, vector<512x1024xf32>
    %reduce_min3A_264 = arith.constant dense<0x7F800000> : vector<512xf32>
    %reduce_min3A_265 = vector.multi_reduction <minimumf>, %select_n3A_263, %reduce_min3A_264 [1] : vector<512x1024xf32> to vector<512xf32>
    %broadcast_in_dim3A_266 = vector.shape_cast %reduce_min3A_265 : vector<512xf32> to vector<512x1xf32>
    %eq3A_267 = vector.broadcast %broadcast_in_dim3A_266 : vector<512x1xf32> to vector<512x1024xf32>
    %eq3A_268 = arith.cmpf oeq, %convert_element_type3A, %eq3A_267 : vector<512x1024xf32>
    %jit3A_269 = arith.constant 0x7F800000 : f32
    %broadcast_in_dim3A_270 = vector.broadcast %jit3A_269 : f32 to vector<512x1024xf32>
    %select_n3A_271 = arith.select %eq3A_268, %broadcast_in_dim3A_270, %select_n3A_244 : vector<512x1024xi1>, vector<512x1024xf32>
    %convert_element_type3A_272 = arith.fptosi %broadcast_in_dim3A_266 : vector<512x1xf32> to vector<512x1xi32>
    %add3A_273 = vector.broadcast %mul3A_42 : i32 to vector<512x1xi32>
    %add3A_274 = arith.addi %convert_element_type3A_272, %add3A_273 : vector<512x1xi32>
    %lt3A_275 = arith.constant 0x7F800000 : f32
    %lt3A_276 = vector.broadcast %lt3A_275 : f32 to vector<512x1xf32>
    %lt3A_277 = arith.cmpf olt, %broadcast_in_dim3A_258, %lt3A_276 : vector<512x1xf32>
    %jit3A_278 = arith.constant 1.000000e+00 : f32
    %jit3A_279 = arith.constant 0.000000e+00 : f32
    %broadcast_in_dim3A_280 = vector.broadcast %jit3A_278 : f32 to vector<512x1xf32>
    %broadcast_in_dim3A_281 = vector.broadcast %jit3A_279 : f32 to vector<512x1xf32>
    %select_n3A_282 = arith.select %lt3A_277, %broadcast_in_dim3A_280, %broadcast_in_dim3A_281 : vector<512x1xi1>, vector<512x1xf32>
    %reduce_min3A_283 = arith.constant dense<0x7F800000> : vector<512xf32>
    %reduce_min3A_284 = vector.multi_reduction <minimumf>, %select_n3A_271, %reduce_min3A_283 [1] : vector<512x1024xf32> to vector<512xf32>
    %broadcast_in_dim3A_285 = vector.shape_cast %reduce_min3A_284 : vector<512xf32> to vector<512x1xf32>
    %eq3A_286 = vector.broadcast %broadcast_in_dim3A_285 : vector<512x1xf32> to vector<512x1024xf32>
    %eq3A_287 = arith.cmpf oeq, %select_n3A_271, %eq3A_286 : vector<512x1024xf32>
    %jit3A_288 = arith.constant 1.024000e+03 : f32
    %broadcast_in_dim3A_289 = vector.broadcast %jit3A_288 : f32 to vector<512x1024xf32>
    %select_n3A_290 = arith.select %eq3A_287, %convert_element_type3A, %broadcast_in_dim3A_289 : vector<512x1024xi1>, vector<512x1024xf32>
    %reduce_min3A_291 = arith.constant dense<0x7F800000> : vector<512xf32>
    %reduce_min3A_292 = vector.multi_reduction <minimumf>, %select_n3A_290, %reduce_min3A_291 [1] : vector<512x1024xf32> to vector<512xf32>
    %broadcast_in_dim3A_293 = vector.shape_cast %reduce_min3A_292 : vector<512xf32> to vector<512x1xf32>
    %eq3A_294 = vector.broadcast %broadcast_in_dim3A_293 : vector<512x1xf32> to vector<512x1024xf32>
    %eq3A_295 = arith.cmpf oeq, %convert_element_type3A, %eq3A_294 : vector<512x1024xf32>
    %jit3A_296 = arith.constant 0x7F800000 : f32
    %broadcast_in_dim3A_297 = vector.broadcast %jit3A_296 : f32 to vector<512x1024xf32>
    %select_n3A_298 = arith.select %eq3A_295, %broadcast_in_dim3A_297, %select_n3A_271 : vector<512x1024xi1>, vector<512x1024xf32>
    %convert_element_type3A_299 = arith.fptosi %broadcast_in_dim3A_293 : vector<512x1xf32> to vector<512x1xi32>
    %add3A_300 = vector.broadcast %mul3A_42 : i32 to vector<512x1xi32>
    %add3A_301 = arith.addi %convert_element_type3A_299, %add3A_300 : vector<512x1xi32>
    %lt3A_302 = arith.constant 0x7F800000 : f32
    %lt3A_303 = vector.broadcast %lt3A_302 : f32 to vector<512x1xf32>
    %lt3A_304 = arith.cmpf olt, %broadcast_in_dim3A_285, %lt3A_303 : vector<512x1xf32>
    %jit3A_305 = arith.constant 1.000000e+00 : f32
    %jit3A_306 = arith.constant 0.000000e+00 : f32
    %broadcast_in_dim3A_307 = vector.broadcast %jit3A_305 : f32 to vector<512x1xf32>
    %broadcast_in_dim3A_308 = vector.broadcast %jit3A_306 : f32 to vector<512x1xf32>
    %select_n3A_309 = arith.select %lt3A_304, %broadcast_in_dim3A_307, %broadcast_in_dim3A_308 : vector<512x1xi1>, vector<512x1xf32>
    %reduce_min3A_310 = arith.constant dense<0x7F800000> : vector<512xf32>
    %reduce_min3A_311 = vector.multi_reduction <minimumf>, %select_n3A_298, %reduce_min3A_310 [1] : vector<512x1024xf32> to vector<512xf32>
    %broadcast_in_dim3A_312 = vector.shape_cast %reduce_min3A_311 : vector<512xf32> to vector<512x1xf32>
    %eq3A_313 = vector.broadcast %broadcast_in_dim3A_312 : vector<512x1xf32> to vector<512x1024xf32>
    %eq3A_314 = arith.cmpf oeq, %select_n3A_298, %eq3A_313 : vector<512x1024xf32>
    %jit3A_315 = arith.constant 1.024000e+03 : f32
    %broadcast_in_dim3A_316 = vector.broadcast %jit3A_315 : f32 to vector<512x1024xf32>
    %select_n3A_317 = arith.select %eq3A_314, %convert_element_type3A, %broadcast_in_dim3A_316 : vector<512x1024xi1>, vector<512x1024xf32>
    %reduce_min3A_318 = arith.constant dense<0x7F800000> : vector<512xf32>
    %reduce_min3A_319 = vector.multi_reduction <minimumf>, %select_n3A_317, %reduce_min3A_318 [1] : vector<512x1024xf32> to vector<512xf32>
    %broadcast_in_dim3A_320 = vector.shape_cast %reduce_min3A_319 : vector<512xf32> to vector<512x1xf32>
    %eq3A_321 = vector.broadcast %broadcast_in_dim3A_320 : vector<512x1xf32> to vector<512x1024xf32>
    %eq3A_322 = arith.cmpf oeq, %convert_element_type3A, %eq3A_321 : vector<512x1024xf32>
    %jit3A_323 = arith.constant 0x7F800000 : f32
    %broadcast_in_dim3A_324 = vector.broadcast %jit3A_323 : f32 to vector<512x1024xf32>
    %select_n3A_325 = arith.select %eq3A_322, %broadcast_in_dim3A_324, %select_n3A_298 : vector<512x1024xi1>, vector<512x1024xf32>
    %convert_element_type3A_326 = arith.fptosi %broadcast_in_dim3A_320 : vector<512x1xf32> to vector<512x1xi32>
    %add3A_327 = vector.broadcast %mul3A_42 : i32 to vector<512x1xi32>
    %add3A_328 = arith.addi %convert_element_type3A_326, %add3A_327 : vector<512x1xi32>
    %lt3A_329 = arith.constant 0x7F800000 : f32
    %lt3A_330 = vector.broadcast %lt3A_329 : f32 to vector<512x1xf32>
    %lt3A_331 = arith.cmpf olt, %broadcast_in_dim3A_312, %lt3A_330 : vector<512x1xf32>
    %jit3A_332 = arith.constant 1.000000e+00 : f32
    %jit3A_333 = arith.constant 0.000000e+00 : f32
    %broadcast_in_dim3A_334 = vector.broadcast %jit3A_332 : f32 to vector<512x1xf32>
    %broadcast_in_dim3A_335 = vector.broadcast %jit3A_333 : f32 to vector<512x1xf32>
    %select_n3A_336 = arith.select %lt3A_331, %broadcast_in_dim3A_334, %broadcast_in_dim3A_335 : vector<512x1xi1>, vector<512x1xf32>
    %reduce_min3A_337 = arith.constant dense<0x7F800000> : vector<512xf32>
    %reduce_min3A_338 = vector.multi_reduction <minimumf>, %select_n3A_325, %reduce_min3A_337 [1] : vector<512x1024xf32> to vector<512xf32>
    %broadcast_in_dim3A_339 = vector.shape_cast %reduce_min3A_338 : vector<512xf32> to vector<512x1xf32>
    %eq3A_340 = vector.broadcast %broadcast_in_dim3A_339 : vector<512x1xf32> to vector<512x1024xf32>
    %eq3A_341 = arith.cmpf oeq, %select_n3A_325, %eq3A_340 : vector<512x1024xf32>
    %jit3A_342 = arith.constant 1.024000e+03 : f32
    %broadcast_in_dim3A_343 = vector.broadcast %jit3A_342 : f32 to vector<512x1024xf32>
    %select_n3A_344 = arith.select %eq3A_341, %convert_element_type3A, %broadcast_in_dim3A_343 : vector<512x1024xi1>, vector<512x1024xf32>
    %reduce_min3A_345 = arith.constant dense<0x7F800000> : vector<512xf32>
    %reduce_min3A_346 = vector.multi_reduction <minimumf>, %select_n3A_344, %reduce_min3A_345 [1] : vector<512x1024xf32> to vector<512xf32>
    %broadcast_in_dim3A_347 = vector.shape_cast %reduce_min3A_346 : vector<512xf32> to vector<512x1xf32>
    %eq3A_348 = vector.broadcast %broadcast_in_dim3A_347 : vector<512x1xf32> to vector<512x1024xf32>
    %eq3A_349 = arith.cmpf oeq, %convert_element_type3A, %eq3A_348 : vector<512x1024xf32>
    %jit3A_350 = arith.constant 0x7F800000 : f32
    %broadcast_in_dim3A_351 = vector.broadcast %jit3A_350 : f32 to vector<512x1024xf32>
    %select_n3A_352 = arith.select %eq3A_349, %broadcast_in_dim3A_351, %select_n3A_325 : vector<512x1024xi1>, vector<512x1024xf32>
    %convert_element_type3A_353 = arith.fptosi %broadcast_in_dim3A_347 : vector<512x1xf32> to vector<512x1xi32>
    %add3A_354 = vector.broadcast %mul3A_42 : i32 to vector<512x1xi32>
    %add3A_355 = arith.addi %convert_element_type3A_353, %add3A_354 : vector<512x1xi32>
    %lt3A_356 = arith.constant 0x7F800000 : f32
    %lt3A_357 = vector.broadcast %lt3A_356 : f32 to vector<512x1xf32>
    %lt3A_358 = arith.cmpf olt, %broadcast_in_dim3A_339, %lt3A_357 : vector<512x1xf32>
    %jit3A_359 = arith.constant 1.000000e+00 : f32
    %jit3A_360 = arith.constant 0.000000e+00 : f32
    %broadcast_in_dim3A_361 = vector.broadcast %jit3A_359 : f32 to vector<512x1xf32>
    %broadcast_in_dim3A_362 = vector.broadcast %jit3A_360 : f32 to vector<512x1xf32>
    %select_n3A_363 = arith.select %lt3A_358, %broadcast_in_dim3A_361, %broadcast_in_dim3A_362 : vector<512x1xi1>, vector<512x1xf32>
    %reduce_min3A_364 = arith.constant dense<0x7F800000> : vector<512xf32>
    %reduce_min3A_365 = vector.multi_reduction <minimumf>, %select_n3A_352, %reduce_min3A_364 [1] : vector<512x1024xf32> to vector<512xf32>
    %broadcast_in_dim3A_366 = vector.shape_cast %reduce_min3A_365 : vector<512xf32> to vector<512x1xf32>
    %eq3A_367 = vector.broadcast %broadcast_in_dim3A_366 : vector<512x1xf32> to vector<512x1024xf32>
    %eq3A_368 = arith.cmpf oeq, %select_n3A_352, %eq3A_367 : vector<512x1024xf32>
    %jit3A_369 = arith.constant 1.024000e+03 : f32
    %broadcast_in_dim3A_370 = vector.broadcast %jit3A_369 : f32 to vector<512x1024xf32>
    %select_n3A_371 = arith.select %eq3A_368, %convert_element_type3A, %broadcast_in_dim3A_370 : vector<512x1024xi1>, vector<512x1024xf32>
    %reduce_min3A_372 = arith.constant dense<0x7F800000> : vector<512xf32>
    %reduce_min3A_373 = vector.multi_reduction <minimumf>, %select_n3A_371, %reduce_min3A_372 [1] : vector<512x1024xf32> to vector<512xf32>
    %broadcast_in_dim3A_374 = vector.shape_cast %reduce_min3A_373 : vector<512xf32> to vector<512x1xf32>
    %eq3A_375 = vector.broadcast %broadcast_in_dim3A_374 : vector<512x1xf32> to vector<512x1024xf32>
    %eq3A_376 = arith.cmpf oeq, %convert_element_type3A, %eq3A_375 : vector<512x1024xf32>
    %jit3A_377 = arith.constant 0x7F800000 : f32
    %broadcast_in_dim3A_378 = vector.broadcast %jit3A_377 : f32 to vector<512x1024xf32>
    %select_n3A_379 = arith.select %eq3A_376, %broadcast_in_dim3A_378, %select_n3A_352 : vector<512x1024xi1>, vector<512x1024xf32>
    %convert_element_type3A_380 = arith.fptosi %broadcast_in_dim3A_374 : vector<512x1xf32> to vector<512x1xi32>
    %add3A_381 = vector.broadcast %mul3A_42 : i32 to vector<512x1xi32>
    %add3A_382 = arith.addi %convert_element_type3A_380, %add3A_381 : vector<512x1xi32>
    %lt3A_383 = arith.constant 0x7F800000 : f32
    %lt3A_384 = vector.broadcast %lt3A_383 : f32 to vector<512x1xf32>
    %lt3A_385 = arith.cmpf olt, %broadcast_in_dim3A_366, %lt3A_384 : vector<512x1xf32>
    %jit3A_386 = arith.constant 1.000000e+00 : f32
    %jit3A_387 = arith.constant 0.000000e+00 : f32
    %broadcast_in_dim3A_388 = vector.broadcast %jit3A_386 : f32 to vector<512x1xf32>
    %broadcast_in_dim3A_389 = vector.broadcast %jit3A_387 : f32 to vector<512x1xf32>
    %select_n3A_390 = arith.select %lt3A_385, %broadcast_in_dim3A_388, %broadcast_in_dim3A_389 : vector<512x1xi1>, vector<512x1xf32>
    %reduce_min3A_391 = arith.constant dense<0x7F800000> : vector<512xf32>
    %reduce_min3A_392 = vector.multi_reduction <minimumf>, %select_n3A_379, %reduce_min3A_391 [1] : vector<512x1024xf32> to vector<512xf32>
    %broadcast_in_dim3A_393 = vector.shape_cast %reduce_min3A_392 : vector<512xf32> to vector<512x1xf32>
    %eq3A_394 = vector.broadcast %broadcast_in_dim3A_393 : vector<512x1xf32> to vector<512x1024xf32>
    %eq3A_395 = arith.cmpf oeq, %select_n3A_379, %eq3A_394 : vector<512x1024xf32>
    %jit3A_396 = arith.constant 1.024000e+03 : f32
    %broadcast_in_dim3A_397 = vector.broadcast %jit3A_396 : f32 to vector<512x1024xf32>
    %select_n3A_398 = arith.select %eq3A_395, %convert_element_type3A, %broadcast_in_dim3A_397 : vector<512x1024xi1>, vector<512x1024xf32>
    %reduce_min3A_399 = arith.constant dense<0x7F800000> : vector<512xf32>
    %reduce_min3A_400 = vector.multi_reduction <minimumf>, %select_n3A_398, %reduce_min3A_399 [1] : vector<512x1024xf32> to vector<512xf32>
    %broadcast_in_dim3A_401 = vector.shape_cast %reduce_min3A_400 : vector<512xf32> to vector<512x1xf32>
    %eq3A_402 = vector.broadcast %broadcast_in_dim3A_401 : vector<512x1xf32> to vector<512x1024xf32>
    %eq3A_403 = arith.cmpf oeq, %convert_element_type3A, %eq3A_402 : vector<512x1024xf32>
    %jit3A_404 = arith.constant 0x7F800000 : f32
    %broadcast_in_dim3A_405 = vector.broadcast %jit3A_404 : f32 to vector<512x1024xf32>
    %select_n3A_406 = arith.select %eq3A_403, %broadcast_in_dim3A_405, %select_n3A_379 : vector<512x1024xi1>, vector<512x1024xf32>
    %convert_element_type3A_407 = arith.fptosi %broadcast_in_dim3A_401 : vector<512x1xf32> to vector<512x1xi32>
    %add3A_408 = vector.broadcast %mul3A_42 : i32 to vector<512x1xi32>
    %add3A_409 = arith.addi %convert_element_type3A_407, %add3A_408 : vector<512x1xi32>
    %lt3A_410 = arith.constant 0x7F800000 : f32
    %lt3A_411 = vector.broadcast %lt3A_410 : f32 to vector<512x1xf32>
    %lt3A_412 = arith.cmpf olt, %broadcast_in_dim3A_393, %lt3A_411 : vector<512x1xf32>
    %jit3A_413 = arith.constant 1.000000e+00 : f32
    %jit3A_414 = arith.constant 0.000000e+00 : f32
    %broadcast_in_dim3A_415 = vector.broadcast %jit3A_413 : f32 to vector<512x1xf32>
    %broadcast_in_dim3A_416 = vector.broadcast %jit3A_414 : f32 to vector<512x1xf32>
    %select_n3A_417 = arith.select %lt3A_412, %broadcast_in_dim3A_415, %broadcast_in_dim3A_416 : vector<512x1xi1>, vector<512x1xf32>
    %reduce_min3A_418 = arith.constant dense<0x7F800000> : vector<512xf32>
    %reduce_min3A_419 = vector.multi_reduction <minimumf>, %select_n3A_406, %reduce_min3A_418 [1] : vector<512x1024xf32> to vector<512xf32>
    %broadcast_in_dim3A_420 = vector.shape_cast %reduce_min3A_419 : vector<512xf32> to vector<512x1xf32>
    %eq3A_421 = vector.broadcast %broadcast_in_dim3A_420 : vector<512x1xf32> to vector<512x1024xf32>
    %eq3A_422 = arith.cmpf oeq, %select_n3A_406, %eq3A_421 : vector<512x1024xf32>
    %jit3A_423 = arith.constant 1.024000e+03 : f32
    %broadcast_in_dim3A_424 = vector.broadcast %jit3A_423 : f32 to vector<512x1024xf32>
    %select_n3A_425 = arith.select %eq3A_422, %convert_element_type3A, %broadcast_in_dim3A_424 : vector<512x1024xi1>, vector<512x1024xf32>
    %reduce_min3A_426 = arith.constant dense<0x7F800000> : vector<512xf32>
    %reduce_min3A_427 = vector.multi_reduction <minimumf>, %select_n3A_425, %reduce_min3A_426 [1] : vector<512x1024xf32> to vector<512xf32>
    %broadcast_in_dim3A_428 = vector.shape_cast %reduce_min3A_427 : vector<512xf32> to vector<512x1xf32>
    %eq3A_429 = vector.broadcast %broadcast_in_dim3A_428 : vector<512x1xf32> to vector<512x1024xf32>
    %eq3A_430 = arith.cmpf oeq, %convert_element_type3A, %eq3A_429 : vector<512x1024xf32>
    %jit3A_431 = arith.constant 0x7F800000 : f32
    %broadcast_in_dim3A_432 = vector.broadcast %jit3A_431 : f32 to vector<512x1024xf32>
    %select_n3A_433 = arith.select %eq3A_430, %broadcast_in_dim3A_432, %select_n3A_406 : vector<512x1024xi1>, vector<512x1024xf32>
    %convert_element_type3A_434 = arith.fptosi %broadcast_in_dim3A_428 : vector<512x1xf32> to vector<512x1xi32>
    %add3A_435 = vector.broadcast %mul3A_42 : i32 to vector<512x1xi32>
    %add3A_436 = arith.addi %convert_element_type3A_434, %add3A_435 : vector<512x1xi32>
    %lt3A_437 = arith.constant 0x7F800000 : f32
    %lt3A_438 = vector.broadcast %lt3A_437 : f32 to vector<512x1xf32>
    %lt3A_439 = arith.cmpf olt, %broadcast_in_dim3A_420, %lt3A_438 : vector<512x1xf32>
    %jit3A_440 = arith.constant 1.000000e+00 : f32
    %jit3A_441 = arith.constant 0.000000e+00 : f32
    %broadcast_in_dim3A_442 = vector.broadcast %jit3A_440 : f32 to vector<512x1xf32>
    %broadcast_in_dim3A_443 = vector.broadcast %jit3A_441 : f32 to vector<512x1xf32>
    %select_n3A_444 = arith.select %lt3A_439, %broadcast_in_dim3A_442, %broadcast_in_dim3A_443 : vector<512x1xi1>, vector<512x1xf32>
    %reduce_min3A_445 = arith.constant dense<0x7F800000> : vector<512xf32>
    %reduce_min3A_446 = vector.multi_reduction <minimumf>, %select_n3A_433, %reduce_min3A_445 [1] : vector<512x1024xf32> to vector<512xf32>
    %broadcast_in_dim3A_447 = vector.shape_cast %reduce_min3A_446 : vector<512xf32> to vector<512x1xf32>
    %eq3A_448 = vector.broadcast %broadcast_in_dim3A_447 : vector<512x1xf32> to vector<512x1024xf32>
    %eq3A_449 = arith.cmpf oeq, %select_n3A_433, %eq3A_448 : vector<512x1024xf32>
    %jit3A_450 = arith.constant 1.024000e+03 : f32
    %broadcast_in_dim3A_451 = vector.broadcast %jit3A_450 : f32 to vector<512x1024xf32>
    %select_n3A_452 = arith.select %eq3A_449, %convert_element_type3A, %broadcast_in_dim3A_451 : vector<512x1024xi1>, vector<512x1024xf32>
    %reduce_min3A_453 = arith.constant dense<0x7F800000> : vector<512xf32>
    %reduce_min3A_454 = vector.multi_reduction <minimumf>, %select_n3A_452, %reduce_min3A_453 [1] : vector<512x1024xf32> to vector<512xf32>
    %broadcast_in_dim3A_455 = vector.shape_cast %reduce_min3A_454 : vector<512xf32> to vector<512x1xf32>
    %eq3A_456 = vector.broadcast %broadcast_in_dim3A_455 : vector<512x1xf32> to vector<512x1024xf32>
    %eq3A_457 = arith.cmpf oeq, %convert_element_type3A, %eq3A_456 : vector<512x1024xf32>
    %jit3A_458 = arith.constant 0x7F800000 : f32
    %broadcast_in_dim3A_459 = vector.broadcast %jit3A_458 : f32 to vector<512x1024xf32>
    %select_n3A_460 = arith.select %eq3A_457, %broadcast_in_dim3A_459, %select_n3A_433 : vector<512x1024xi1>, vector<512x1024xf32>
    %convert_element_type3A_461 = arith.fptosi %broadcast_in_dim3A_455 : vector<512x1xf32> to vector<512x1xi32>
    %add3A_462 = vector.broadcast %mul3A_42 : i32 to vector<512x1xi32>
    %add3A_463 = arith.addi %convert_element_type3A_461, %add3A_462 : vector<512x1xi32>
    %lt3A_464 = arith.constant 0x7F800000 : f32
    %lt3A_465 = vector.broadcast %lt3A_464 : f32 to vector<512x1xf32>
    %lt3A_466 = arith.cmpf olt, %broadcast_in_dim3A_447, %lt3A_465 : vector<512x1xf32>
    %jit3A_467 = arith.constant 1.000000e+00 : f32
    %jit3A_468 = arith.constant 0.000000e+00 : f32
    %broadcast_in_dim3A_469 = vector.broadcast %jit3A_467 : f32 to vector<512x1xf32>
    %broadcast_in_dim3A_470 = vector.broadcast %jit3A_468 : f32 to vector<512x1xf32>
    %select_n3A_471 = arith.select %lt3A_466, %broadcast_in_dim3A_469, %broadcast_in_dim3A_470 : vector<512x1xi1>, vector<512x1xf32>
    %reduce_min3A_472 = arith.constant dense<0x7F800000> : vector<512xf32>
    %reduce_min3A_473 = vector.multi_reduction <minimumf>, %select_n3A_460, %reduce_min3A_472 [1] : vector<512x1024xf32> to vector<512xf32>
    %broadcast_in_dim3A_474 = vector.shape_cast %reduce_min3A_473 : vector<512xf32> to vector<512x1xf32>
    %eq3A_475 = vector.broadcast %broadcast_in_dim3A_474 : vector<512x1xf32> to vector<512x1024xf32>
    %eq3A_476 = arith.cmpf oeq, %select_n3A_460, %eq3A_475 : vector<512x1024xf32>
    %jit3A_477 = arith.constant 1.024000e+03 : f32
    %broadcast_in_dim3A_478 = vector.broadcast %jit3A_477 : f32 to vector<512x1024xf32>
    %select_n3A_479 = arith.select %eq3A_476, %convert_element_type3A, %broadcast_in_dim3A_478 : vector<512x1024xi1>, vector<512x1024xf32>
    %reduce_min3A_480 = arith.constant dense<0x7F800000> : vector<512xf32>
    %reduce_min3A_481 = vector.multi_reduction <minimumf>, %select_n3A_479, %reduce_min3A_480 [1] : vector<512x1024xf32> to vector<512xf32>
    %broadcast_in_dim3A_482 = vector.shape_cast %reduce_min3A_481 : vector<512xf32> to vector<512x1xf32>
    %eq3A_483 = vector.broadcast %broadcast_in_dim3A_482 : vector<512x1xf32> to vector<512x1024xf32>
    %eq3A_484 = arith.cmpf oeq, %convert_element_type3A, %eq3A_483 : vector<512x1024xf32>
    %jit3A_485 = arith.constant 0x7F800000 : f32
    %broadcast_in_dim3A_486 = vector.broadcast %jit3A_485 : f32 to vector<512x1024xf32>
    %select_n3A_487 = arith.select %eq3A_484, %broadcast_in_dim3A_486, %select_n3A_460 : vector<512x1024xi1>, vector<512x1024xf32>
    %convert_element_type3A_488 = arith.fptosi %broadcast_in_dim3A_482 : vector<512x1xf32> to vector<512x1xi32>
    %add3A_489 = vector.broadcast %mul3A_42 : i32 to vector<512x1xi32>
    %add3A_490 = arith.addi %convert_element_type3A_488, %add3A_489 : vector<512x1xi32>
    %lt3A_491 = arith.constant 0x7F800000 : f32
    %lt3A_492 = vector.broadcast %lt3A_491 : f32 to vector<512x1xf32>
    %lt3A_493 = arith.cmpf olt, %broadcast_in_dim3A_474, %lt3A_492 : vector<512x1xf32>
    %jit3A_494 = arith.constant 1.000000e+00 : f32
    %jit3A_495 = arith.constant 0.000000e+00 : f32
    %broadcast_in_dim3A_496 = vector.broadcast %jit3A_494 : f32 to vector<512x1xf32>
    %broadcast_in_dim3A_497 = vector.broadcast %jit3A_495 : f32 to vector<512x1xf32>
    %select_n3A_498 = arith.select %lt3A_493, %broadcast_in_dim3A_496, %broadcast_in_dim3A_497 : vector<512x1xi1>, vector<512x1xf32>
    %reduce_min3A_499 = arith.constant dense<0x7F800000> : vector<512xf32>
    %reduce_min3A_500 = vector.multi_reduction <minimumf>, %select_n3A_487, %reduce_min3A_499 [1] : vector<512x1024xf32> to vector<512xf32>
    %broadcast_in_dim3A_501 = vector.shape_cast %reduce_min3A_500 : vector<512xf32> to vector<512x1xf32>
    %eq3A_502 = vector.broadcast %broadcast_in_dim3A_501 : vector<512x1xf32> to vector<512x1024xf32>
    %eq3A_503 = arith.cmpf oeq, %select_n3A_487, %eq3A_502 : vector<512x1024xf32>
    %jit3A_504 = arith.constant 1.024000e+03 : f32
    %broadcast_in_dim3A_505 = vector.broadcast %jit3A_504 : f32 to vector<512x1024xf32>
    %select_n3A_506 = arith.select %eq3A_503, %convert_element_type3A, %broadcast_in_dim3A_505 : vector<512x1024xi1>, vector<512x1024xf32>
    %reduce_min3A_507 = arith.constant dense<0x7F800000> : vector<512xf32>
    %reduce_min3A_508 = vector.multi_reduction <minimumf>, %select_n3A_506, %reduce_min3A_507 [1] : vector<512x1024xf32> to vector<512xf32>
    %broadcast_in_dim3A_509 = vector.shape_cast %reduce_min3A_508 : vector<512xf32> to vector<512x1xf32>
    %eq3A_510 = vector.broadcast %broadcast_in_dim3A_509 : vector<512x1xf32> to vector<512x1024xf32>
    %eq3A_511 = arith.cmpf oeq, %convert_element_type3A, %eq3A_510 : vector<512x1024xf32>
    %jit3A_512 = arith.constant 0x7F800000 : f32
    %broadcast_in_dim3A_513 = vector.broadcast %jit3A_512 : f32 to vector<512x1024xf32>
    %select_n3A_514 = arith.select %eq3A_511, %broadcast_in_dim3A_513, %select_n3A_487 : vector<512x1024xi1>, vector<512x1024xf32>
    %convert_element_type3A_515 = arith.fptosi %broadcast_in_dim3A_509 : vector<512x1xf32> to vector<512x1xi32>
    %add3A_516 = vector.broadcast %mul3A_42 : i32 to vector<512x1xi32>
    %add3A_517 = arith.addi %convert_element_type3A_515, %add3A_516 : vector<512x1xi32>
    %lt3A_518 = arith.constant 0x7F800000 : f32
    %lt3A_519 = vector.broadcast %lt3A_518 : f32 to vector<512x1xf32>
    %lt3A_520 = arith.cmpf olt, %broadcast_in_dim3A_501, %lt3A_519 : vector<512x1xf32>
    %jit3A_521 = arith.constant 1.000000e+00 : f32
    %jit3A_522 = arith.constant 0.000000e+00 : f32
    %broadcast_in_dim3A_523 = vector.broadcast %jit3A_521 : f32 to vector<512x1xf32>
    %broadcast_in_dim3A_524 = vector.broadcast %jit3A_522 : f32 to vector<512x1xf32>
    %select_n3A_525 = arith.select %lt3A_520, %broadcast_in_dim3A_523, %broadcast_in_dim3A_524 : vector<512x1xi1>, vector<512x1xf32>
    %reduce_min3A_526 = arith.constant dense<0x7F800000> : vector<512xf32>
    %reduce_min3A_527 = vector.multi_reduction <minimumf>, %select_n3A_514, %reduce_min3A_526 [1] : vector<512x1024xf32> to vector<512xf32>
    %broadcast_in_dim3A_528 = vector.shape_cast %reduce_min3A_527 : vector<512xf32> to vector<512x1xf32>
    %eq3A_529 = vector.broadcast %broadcast_in_dim3A_528 : vector<512x1xf32> to vector<512x1024xf32>
    %eq3A_530 = arith.cmpf oeq, %select_n3A_514, %eq3A_529 : vector<512x1024xf32>
    %jit3A_531 = arith.constant 1.024000e+03 : f32
    %broadcast_in_dim3A_532 = vector.broadcast %jit3A_531 : f32 to vector<512x1024xf32>
    %select_n3A_533 = arith.select %eq3A_530, %convert_element_type3A, %broadcast_in_dim3A_532 : vector<512x1024xi1>, vector<512x1024xf32>
    %reduce_min3A_534 = arith.constant dense<0x7F800000> : vector<512xf32>
    %reduce_min3A_535 = vector.multi_reduction <minimumf>, %select_n3A_533, %reduce_min3A_534 [1] : vector<512x1024xf32> to vector<512xf32>
    %broadcast_in_dim3A_536 = vector.shape_cast %reduce_min3A_535 : vector<512xf32> to vector<512x1xf32>
    %eq3A_537 = vector.broadcast %broadcast_in_dim3A_536 : vector<512x1xf32> to vector<512x1024xf32>
    %eq3A_538 = arith.cmpf oeq, %convert_element_type3A, %eq3A_537 : vector<512x1024xf32>
    %jit3A_539 = arith.constant 0x7F800000 : f32
    %broadcast_in_dim3A_540 = vector.broadcast %jit3A_539 : f32 to vector<512x1024xf32>
    %select_n3A_541 = arith.select %eq3A_538, %broadcast_in_dim3A_540, %select_n3A_514 : vector<512x1024xi1>, vector<512x1024xf32>
    %convert_element_type3A_542 = arith.fptosi %broadcast_in_dim3A_536 : vector<512x1xf32> to vector<512x1xi32>
    %add3A_543 = vector.broadcast %mul3A_42 : i32 to vector<512x1xi32>
    %add3A_544 = arith.addi %convert_element_type3A_542, %add3A_543 : vector<512x1xi32>
    %lt3A_545 = arith.constant 0x7F800000 : f32
    %lt3A_546 = vector.broadcast %lt3A_545 : f32 to vector<512x1xf32>
    %lt3A_547 = arith.cmpf olt, %broadcast_in_dim3A_528, %lt3A_546 : vector<512x1xf32>
    %jit3A_548 = arith.constant 1.000000e+00 : f32
    %jit3A_549 = arith.constant 0.000000e+00 : f32
    %broadcast_in_dim3A_550 = vector.broadcast %jit3A_548 : f32 to vector<512x1xf32>
    %broadcast_in_dim3A_551 = vector.broadcast %jit3A_549 : f32 to vector<512x1xf32>
    %select_n3A_552 = arith.select %lt3A_547, %broadcast_in_dim3A_550, %broadcast_in_dim3A_551 : vector<512x1xi1>, vector<512x1xf32>
    %reduce_min3A_553 = arith.constant dense<0x7F800000> : vector<512xf32>
    %reduce_min3A_554 = vector.multi_reduction <minimumf>, %select_n3A_541, %reduce_min3A_553 [1] : vector<512x1024xf32> to vector<512xf32>
    %broadcast_in_dim3A_555 = vector.shape_cast %reduce_min3A_554 : vector<512xf32> to vector<512x1xf32>
    %eq3A_556 = vector.broadcast %broadcast_in_dim3A_555 : vector<512x1xf32> to vector<512x1024xf32>
    %eq3A_557 = arith.cmpf oeq, %select_n3A_541, %eq3A_556 : vector<512x1024xf32>
    %jit3A_558 = arith.constant 1.024000e+03 : f32
    %broadcast_in_dim3A_559 = vector.broadcast %jit3A_558 : f32 to vector<512x1024xf32>
    %select_n3A_560 = arith.select %eq3A_557, %convert_element_type3A, %broadcast_in_dim3A_559 : vector<512x1024xi1>, vector<512x1024xf32>
    %reduce_min3A_561 = arith.constant dense<0x7F800000> : vector<512xf32>
    %reduce_min3A_562 = vector.multi_reduction <minimumf>, %select_n3A_560, %reduce_min3A_561 [1] : vector<512x1024xf32> to vector<512xf32>
    %broadcast_in_dim3A_563 = vector.shape_cast %reduce_min3A_562 : vector<512xf32> to vector<512x1xf32>
    %eq3A_564 = vector.broadcast %broadcast_in_dim3A_563 : vector<512x1xf32> to vector<512x1024xf32>
    %eq3A_565 = arith.cmpf oeq, %convert_element_type3A, %eq3A_564 : vector<512x1024xf32>
    %jit3A_566 = arith.constant 0x7F800000 : f32
    %broadcast_in_dim3A_567 = vector.broadcast %jit3A_566 : f32 to vector<512x1024xf32>
    %select_n3A_568 = arith.select %eq3A_565, %broadcast_in_dim3A_567, %select_n3A_541 : vector<512x1024xi1>, vector<512x1024xf32>
    %convert_element_type3A_569 = arith.fptosi %broadcast_in_dim3A_563 : vector<512x1xf32> to vector<512x1xi32>
    %add3A_570 = vector.broadcast %mul3A_42 : i32 to vector<512x1xi32>
    %add3A_571 = arith.addi %convert_element_type3A_569, %add3A_570 : vector<512x1xi32>
    %lt3A_572 = arith.constant 0x7F800000 : f32
    %lt3A_573 = vector.broadcast %lt3A_572 : f32 to vector<512x1xf32>
    %lt3A_574 = arith.cmpf olt, %broadcast_in_dim3A_555, %lt3A_573 : vector<512x1xf32>
    %jit3A_575 = arith.constant 1.000000e+00 : f32
    %jit3A_576 = arith.constant 0.000000e+00 : f32
    %broadcast_in_dim3A_577 = vector.broadcast %jit3A_575 : f32 to vector<512x1xf32>
    %broadcast_in_dim3A_578 = vector.broadcast %jit3A_576 : f32 to vector<512x1xf32>
    %select_n3A_579 = arith.select %lt3A_574, %broadcast_in_dim3A_577, %broadcast_in_dim3A_578 : vector<512x1xi1>, vector<512x1xf32>
    %reduce_min3A_580 = arith.constant dense<0x7F800000> : vector<512xf32>
    %reduce_min3A_581 = vector.multi_reduction <minimumf>, %select_n3A_568, %reduce_min3A_580 [1] : vector<512x1024xf32> to vector<512xf32>
    %broadcast_in_dim3A_582 = vector.shape_cast %reduce_min3A_581 : vector<512xf32> to vector<512x1xf32>
    %eq3A_583 = vector.broadcast %broadcast_in_dim3A_582 : vector<512x1xf32> to vector<512x1024xf32>
    %eq3A_584 = arith.cmpf oeq, %select_n3A_568, %eq3A_583 : vector<512x1024xf32>
    %jit3A_585 = arith.constant 1.024000e+03 : f32
    %broadcast_in_dim3A_586 = vector.broadcast %jit3A_585 : f32 to vector<512x1024xf32>
    %select_n3A_587 = arith.select %eq3A_584, %convert_element_type3A, %broadcast_in_dim3A_586 : vector<512x1024xi1>, vector<512x1024xf32>
    %reduce_min3A_588 = arith.constant dense<0x7F800000> : vector<512xf32>
    %reduce_min3A_589 = vector.multi_reduction <minimumf>, %select_n3A_587, %reduce_min3A_588 [1] : vector<512x1024xf32> to vector<512xf32>
    %broadcast_in_dim3A_590 = vector.shape_cast %reduce_min3A_589 : vector<512xf32> to vector<512x1xf32>
    %eq3A_591 = vector.broadcast %broadcast_in_dim3A_590 : vector<512x1xf32> to vector<512x1024xf32>
    %eq3A_592 = arith.cmpf oeq, %convert_element_type3A, %eq3A_591 : vector<512x1024xf32>
    %jit3A_593 = arith.constant 0x7F800000 : f32
    %broadcast_in_dim3A_594 = vector.broadcast %jit3A_593 : f32 to vector<512x1024xf32>
    %select_n3A_595 = arith.select %eq3A_592, %broadcast_in_dim3A_594, %select_n3A_568 : vector<512x1024xi1>, vector<512x1024xf32>
    %convert_element_type3A_596 = arith.fptosi %broadcast_in_dim3A_590 : vector<512x1xf32> to vector<512x1xi32>
    %add3A_597 = vector.broadcast %mul3A_42 : i32 to vector<512x1xi32>
    %add3A_598 = arith.addi %convert_element_type3A_596, %add3A_597 : vector<512x1xi32>
    %lt3A_599 = arith.constant 0x7F800000 : f32
    %lt3A_600 = vector.broadcast %lt3A_599 : f32 to vector<512x1xf32>
    %lt3A_601 = arith.cmpf olt, %broadcast_in_dim3A_582, %lt3A_600 : vector<512x1xf32>
    %jit3A_602 = arith.constant 1.000000e+00 : f32
    %jit3A_603 = arith.constant 0.000000e+00 : f32
    %broadcast_in_dim3A_604 = vector.broadcast %jit3A_602 : f32 to vector<512x1xf32>
    %broadcast_in_dim3A_605 = vector.broadcast %jit3A_603 : f32 to vector<512x1xf32>
    %select_n3A_606 = arith.select %lt3A_601, %broadcast_in_dim3A_604, %broadcast_in_dim3A_605 : vector<512x1xi1>, vector<512x1xf32>
    %reduce_min3A_607 = arith.constant dense<0x7F800000> : vector<512xf32>
    %reduce_min3A_608 = vector.multi_reduction <minimumf>, %select_n3A_595, %reduce_min3A_607 [1] : vector<512x1024xf32> to vector<512xf32>
    %broadcast_in_dim3A_609 = vector.shape_cast %reduce_min3A_608 : vector<512xf32> to vector<512x1xf32>
    %eq3A_610 = vector.broadcast %broadcast_in_dim3A_609 : vector<512x1xf32> to vector<512x1024xf32>
    %eq3A_611 = arith.cmpf oeq, %select_n3A_595, %eq3A_610 : vector<512x1024xf32>
    %jit3A_612 = arith.constant 1.024000e+03 : f32
    %broadcast_in_dim3A_613 = vector.broadcast %jit3A_612 : f32 to vector<512x1024xf32>
    %select_n3A_614 = arith.select %eq3A_611, %convert_element_type3A, %broadcast_in_dim3A_613 : vector<512x1024xi1>, vector<512x1024xf32>
    %reduce_min3A_615 = arith.constant dense<0x7F800000> : vector<512xf32>
    %reduce_min3A_616 = vector.multi_reduction <minimumf>, %select_n3A_614, %reduce_min3A_615 [1] : vector<512x1024xf32> to vector<512xf32>
    %broadcast_in_dim3A_617 = vector.shape_cast %reduce_min3A_616 : vector<512xf32> to vector<512x1xf32>
    %eq3A_618 = vector.broadcast %broadcast_in_dim3A_617 : vector<512x1xf32> to vector<512x1024xf32>
    %eq3A_619 = arith.cmpf oeq, %convert_element_type3A, %eq3A_618 : vector<512x1024xf32>
    %jit3A_620 = arith.constant 0x7F800000 : f32
    %broadcast_in_dim3A_621 = vector.broadcast %jit3A_620 : f32 to vector<512x1024xf32>
    %select_n3A_622 = arith.select %eq3A_619, %broadcast_in_dim3A_621, %select_n3A_595 : vector<512x1024xi1>, vector<512x1024xf32>
    %convert_element_type3A_623 = arith.fptosi %broadcast_in_dim3A_617 : vector<512x1xf32> to vector<512x1xi32>
    %add3A_624 = vector.broadcast %mul3A_42 : i32 to vector<512x1xi32>
    %add3A_625 = arith.addi %convert_element_type3A_623, %add3A_624 : vector<512x1xi32>
    %lt3A_626 = arith.constant 0x7F800000 : f32
    %lt3A_627 = vector.broadcast %lt3A_626 : f32 to vector<512x1xf32>
    %lt3A_628 = arith.cmpf olt, %broadcast_in_dim3A_609, %lt3A_627 : vector<512x1xf32>
    %jit3A_629 = arith.constant 1.000000e+00 : f32
    %jit3A_630 = arith.constant 0.000000e+00 : f32
    %broadcast_in_dim3A_631 = vector.broadcast %jit3A_629 : f32 to vector<512x1xf32>
    %broadcast_in_dim3A_632 = vector.broadcast %jit3A_630 : f32 to vector<512x1xf32>
    %select_n3A_633 = arith.select %lt3A_628, %broadcast_in_dim3A_631, %broadcast_in_dim3A_632 : vector<512x1xi1>, vector<512x1xf32>
    %reduce_min3A_634 = arith.constant dense<0x7F800000> : vector<512xf32>
    %reduce_min3A_635 = vector.multi_reduction <minimumf>, %select_n3A_622, %reduce_min3A_634 [1] : vector<512x1024xf32> to vector<512xf32>
    %broadcast_in_dim3A_636 = vector.shape_cast %reduce_min3A_635 : vector<512xf32> to vector<512x1xf32>
    %eq3A_637 = vector.broadcast %broadcast_in_dim3A_636 : vector<512x1xf32> to vector<512x1024xf32>
    %eq3A_638 = arith.cmpf oeq, %select_n3A_622, %eq3A_637 : vector<512x1024xf32>
    %jit3A_639 = arith.constant 1.024000e+03 : f32
    %broadcast_in_dim3A_640 = vector.broadcast %jit3A_639 : f32 to vector<512x1024xf32>
    %select_n3A_641 = arith.select %eq3A_638, %convert_element_type3A, %broadcast_in_dim3A_640 : vector<512x1024xi1>, vector<512x1024xf32>
    %reduce_min3A_642 = arith.constant dense<0x7F800000> : vector<512xf32>
    %reduce_min3A_643 = vector.multi_reduction <minimumf>, %select_n3A_641, %reduce_min3A_642 [1] : vector<512x1024xf32> to vector<512xf32>
    %broadcast_in_dim3A_644 = vector.shape_cast %reduce_min3A_643 : vector<512xf32> to vector<512x1xf32>
    %eq3A_645 = vector.broadcast %broadcast_in_dim3A_644 : vector<512x1xf32> to vector<512x1024xf32>
    %eq3A_646 = arith.cmpf oeq, %convert_element_type3A, %eq3A_645 : vector<512x1024xf32>
    %jit3A_647 = arith.constant 0x7F800000 : f32
    %broadcast_in_dim3A_648 = vector.broadcast %jit3A_647 : f32 to vector<512x1024xf32>
    %select_n3A_649 = arith.select %eq3A_646, %broadcast_in_dim3A_648, %select_n3A_622 : vector<512x1024xi1>, vector<512x1024xf32>
    %convert_element_type3A_650 = arith.fptosi %broadcast_in_dim3A_644 : vector<512x1xf32> to vector<512x1xi32>
    %add3A_651 = vector.broadcast %mul3A_42 : i32 to vector<512x1xi32>
    %add3A_652 = arith.addi %convert_element_type3A_650, %add3A_651 : vector<512x1xi32>
    %lt3A_653 = arith.constant 0x7F800000 : f32
    %lt3A_654 = vector.broadcast %lt3A_653 : f32 to vector<512x1xf32>
    %lt3A_655 = arith.cmpf olt, %broadcast_in_dim3A_636, %lt3A_654 : vector<512x1xf32>
    %jit3A_656 = arith.constant 1.000000e+00 : f32
    %jit3A_657 = arith.constant 0.000000e+00 : f32
    %broadcast_in_dim3A_658 = vector.broadcast %jit3A_656 : f32 to vector<512x1xf32>
    %broadcast_in_dim3A_659 = vector.broadcast %jit3A_657 : f32 to vector<512x1xf32>
    %select_n3A_660 = arith.select %lt3A_655, %broadcast_in_dim3A_658, %broadcast_in_dim3A_659 : vector<512x1xi1>, vector<512x1xf32>
    %reduce_min3A_661 = arith.constant dense<0x7F800000> : vector<512xf32>
    %reduce_min3A_662 = vector.multi_reduction <minimumf>, %select_n3A_649, %reduce_min3A_661 [1] : vector<512x1024xf32> to vector<512xf32>
    %broadcast_in_dim3A_663 = vector.shape_cast %reduce_min3A_662 : vector<512xf32> to vector<512x1xf32>
    %eq3A_664 = vector.broadcast %broadcast_in_dim3A_663 : vector<512x1xf32> to vector<512x1024xf32>
    %eq3A_665 = arith.cmpf oeq, %select_n3A_649, %eq3A_664 : vector<512x1024xf32>
    %jit3A_666 = arith.constant 1.024000e+03 : f32
    %broadcast_in_dim3A_667 = vector.broadcast %jit3A_666 : f32 to vector<512x1024xf32>
    %select_n3A_668 = arith.select %eq3A_665, %convert_element_type3A, %broadcast_in_dim3A_667 : vector<512x1024xi1>, vector<512x1024xf32>
    %reduce_min3A_669 = arith.constant dense<0x7F800000> : vector<512xf32>
    %reduce_min3A_670 = vector.multi_reduction <minimumf>, %select_n3A_668, %reduce_min3A_669 [1] : vector<512x1024xf32> to vector<512xf32>
    %broadcast_in_dim3A_671 = vector.shape_cast %reduce_min3A_670 : vector<512xf32> to vector<512x1xf32>
    %eq3A_672 = vector.broadcast %broadcast_in_dim3A_671 : vector<512x1xf32> to vector<512x1024xf32>
    %eq3A_673 = arith.cmpf oeq, %convert_element_type3A, %eq3A_672 : vector<512x1024xf32>
    %jit3A_674 = arith.constant 0x7F800000 : f32
    %broadcast_in_dim3A_675 = vector.broadcast %jit3A_674 : f32 to vector<512x1024xf32>
    %select_n3A_676 = arith.select %eq3A_673, %broadcast_in_dim3A_675, %select_n3A_649 : vector<512x1024xi1>, vector<512x1024xf32>
    %convert_element_type3A_677 = arith.fptosi %broadcast_in_dim3A_671 : vector<512x1xf32> to vector<512x1xi32>
    %add3A_678 = vector.broadcast %mul3A_42 : i32 to vector<512x1xi32>
    %add3A_679 = arith.addi %convert_element_type3A_677, %add3A_678 : vector<512x1xi32>
    %lt3A_680 = arith.constant 0x7F800000 : f32
    %lt3A_681 = vector.broadcast %lt3A_680 : f32 to vector<512x1xf32>
    %lt3A_682 = arith.cmpf olt, %broadcast_in_dim3A_663, %lt3A_681 : vector<512x1xf32>
    %jit3A_683 = arith.constant 1.000000e+00 : f32
    %jit3A_684 = arith.constant 0.000000e+00 : f32
    %broadcast_in_dim3A_685 = vector.broadcast %jit3A_683 : f32 to vector<512x1xf32>
    %broadcast_in_dim3A_686 = vector.broadcast %jit3A_684 : f32 to vector<512x1xf32>
    %select_n3A_687 = arith.select %lt3A_682, %broadcast_in_dim3A_685, %broadcast_in_dim3A_686 : vector<512x1xi1>, vector<512x1xf32>
    %reduce_min3A_688 = arith.constant dense<0x7F800000> : vector<512xf32>
    %reduce_min3A_689 = vector.multi_reduction <minimumf>, %select_n3A_676, %reduce_min3A_688 [1] : vector<512x1024xf32> to vector<512xf32>
    %broadcast_in_dim3A_690 = vector.shape_cast %reduce_min3A_689 : vector<512xf32> to vector<512x1xf32>
    %eq3A_691 = vector.broadcast %broadcast_in_dim3A_690 : vector<512x1xf32> to vector<512x1024xf32>
    %eq3A_692 = arith.cmpf oeq, %select_n3A_676, %eq3A_691 : vector<512x1024xf32>
    %jit3A_693 = arith.constant 1.024000e+03 : f32
    %broadcast_in_dim3A_694 = vector.broadcast %jit3A_693 : f32 to vector<512x1024xf32>
    %select_n3A_695 = arith.select %eq3A_692, %convert_element_type3A, %broadcast_in_dim3A_694 : vector<512x1024xi1>, vector<512x1024xf32>
    %reduce_min3A_696 = arith.constant dense<0x7F800000> : vector<512xf32>
    %reduce_min3A_697 = vector.multi_reduction <minimumf>, %select_n3A_695, %reduce_min3A_696 [1] : vector<512x1024xf32> to vector<512xf32>
    %broadcast_in_dim3A_698 = vector.shape_cast %reduce_min3A_697 : vector<512xf32> to vector<512x1xf32>
    %eq3A_699 = vector.broadcast %broadcast_in_dim3A_698 : vector<512x1xf32> to vector<512x1024xf32>
    %eq3A_700 = arith.cmpf oeq, %convert_element_type3A, %eq3A_699 : vector<512x1024xf32>
    %jit3A_701 = arith.constant 0x7F800000 : f32
    %broadcast_in_dim3A_702 = vector.broadcast %jit3A_701 : f32 to vector<512x1024xf32>
    %select_n3A_703 = arith.select %eq3A_700, %broadcast_in_dim3A_702, %select_n3A_676 : vector<512x1024xi1>, vector<512x1024xf32>
    %convert_element_type3A_704 = arith.fptosi %broadcast_in_dim3A_698 : vector<512x1xf32> to vector<512x1xi32>
    %add3A_705 = vector.broadcast %mul3A_42 : i32 to vector<512x1xi32>
    %add3A_706 = arith.addi %convert_element_type3A_704, %add3A_705 : vector<512x1xi32>
    %lt3A_707 = arith.constant 0x7F800000 : f32
    %lt3A_708 = vector.broadcast %lt3A_707 : f32 to vector<512x1xf32>
    %lt3A_709 = arith.cmpf olt, %broadcast_in_dim3A_690, %lt3A_708 : vector<512x1xf32>
    %jit3A_710 = arith.constant 1.000000e+00 : f32
    %jit3A_711 = arith.constant 0.000000e+00 : f32
    %broadcast_in_dim3A_712 = vector.broadcast %jit3A_710 : f32 to vector<512x1xf32>
    %broadcast_in_dim3A_713 = vector.broadcast %jit3A_711 : f32 to vector<512x1xf32>
    %select_n3A_714 = arith.select %lt3A_709, %broadcast_in_dim3A_712, %broadcast_in_dim3A_713 : vector<512x1xi1>, vector<512x1xf32>
    %reduce_min3A_715 = arith.constant dense<0x7F800000> : vector<512xf32>
    %reduce_min3A_716 = vector.multi_reduction <minimumf>, %select_n3A_703, %reduce_min3A_715 [1] : vector<512x1024xf32> to vector<512xf32>
    %broadcast_in_dim3A_717 = vector.shape_cast %reduce_min3A_716 : vector<512xf32> to vector<512x1xf32>
    %eq3A_718 = vector.broadcast %broadcast_in_dim3A_717 : vector<512x1xf32> to vector<512x1024xf32>
    %eq3A_719 = arith.cmpf oeq, %select_n3A_703, %eq3A_718 : vector<512x1024xf32>
    %jit3A_720 = arith.constant 1.024000e+03 : f32
    %broadcast_in_dim3A_721 = vector.broadcast %jit3A_720 : f32 to vector<512x1024xf32>
    %select_n3A_722 = arith.select %eq3A_719, %convert_element_type3A, %broadcast_in_dim3A_721 : vector<512x1024xi1>, vector<512x1024xf32>
    %reduce_min3A_723 = arith.constant dense<0x7F800000> : vector<512xf32>
    %reduce_min3A_724 = vector.multi_reduction <minimumf>, %select_n3A_722, %reduce_min3A_723 [1] : vector<512x1024xf32> to vector<512xf32>
    %broadcast_in_dim3A_725 = vector.shape_cast %reduce_min3A_724 : vector<512xf32> to vector<512x1xf32>
    %eq3A_726 = vector.broadcast %broadcast_in_dim3A_725 : vector<512x1xf32> to vector<512x1024xf32>
    %eq3A_727 = arith.cmpf oeq, %convert_element_type3A, %eq3A_726 : vector<512x1024xf32>
    %jit3A_728 = arith.constant 0x7F800000 : f32
    %broadcast_in_dim3A_729 = vector.broadcast %jit3A_728 : f32 to vector<512x1024xf32>
    %select_n3A_730 = arith.select %eq3A_727, %broadcast_in_dim3A_729, %select_n3A_703 : vector<512x1024xi1>, vector<512x1024xf32>
    %convert_element_type3A_731 = arith.fptosi %broadcast_in_dim3A_725 : vector<512x1xf32> to vector<512x1xi32>
    %add3A_732 = vector.broadcast %mul3A_42 : i32 to vector<512x1xi32>
    %add3A_733 = arith.addi %convert_element_type3A_731, %add3A_732 : vector<512x1xi32>
    %lt3A_734 = arith.constant 0x7F800000 : f32
    %lt3A_735 = vector.broadcast %lt3A_734 : f32 to vector<512x1xf32>
    %lt3A_736 = arith.cmpf olt, %broadcast_in_dim3A_717, %lt3A_735 : vector<512x1xf32>
    %jit3A_737 = arith.constant 1.000000e+00 : f32
    %jit3A_738 = arith.constant 0.000000e+00 : f32
    %broadcast_in_dim3A_739 = vector.broadcast %jit3A_737 : f32 to vector<512x1xf32>
    %broadcast_in_dim3A_740 = vector.broadcast %jit3A_738 : f32 to vector<512x1xf32>
    %select_n3A_741 = arith.select %lt3A_736, %broadcast_in_dim3A_739, %broadcast_in_dim3A_740 : vector<512x1xi1>, vector<512x1xf32>
    %reduce_min3A_742 = arith.constant dense<0x7F800000> : vector<512xf32>
    %reduce_min3A_743 = vector.multi_reduction <minimumf>, %select_n3A_730, %reduce_min3A_742 [1] : vector<512x1024xf32> to vector<512xf32>
    %broadcast_in_dim3A_744 = vector.shape_cast %reduce_min3A_743 : vector<512xf32> to vector<512x1xf32>
    %eq3A_745 = vector.broadcast %broadcast_in_dim3A_744 : vector<512x1xf32> to vector<512x1024xf32>
    %eq3A_746 = arith.cmpf oeq, %select_n3A_730, %eq3A_745 : vector<512x1024xf32>
    %jit3A_747 = arith.constant 1.024000e+03 : f32
    %broadcast_in_dim3A_748 = vector.broadcast %jit3A_747 : f32 to vector<512x1024xf32>
    %select_n3A_749 = arith.select %eq3A_746, %convert_element_type3A, %broadcast_in_dim3A_748 : vector<512x1024xi1>, vector<512x1024xf32>
    %reduce_min3A_750 = arith.constant dense<0x7F800000> : vector<512xf32>
    %reduce_min3A_751 = vector.multi_reduction <minimumf>, %select_n3A_749, %reduce_min3A_750 [1] : vector<512x1024xf32> to vector<512xf32>
    %broadcast_in_dim3A_752 = vector.shape_cast %reduce_min3A_751 : vector<512xf32> to vector<512x1xf32>
    %eq3A_753 = vector.broadcast %broadcast_in_dim3A_752 : vector<512x1xf32> to vector<512x1024xf32>
    %eq3A_754 = arith.cmpf oeq, %convert_element_type3A, %eq3A_753 : vector<512x1024xf32>
    %jit3A_755 = arith.constant 0x7F800000 : f32
    %broadcast_in_dim3A_756 = vector.broadcast %jit3A_755 : f32 to vector<512x1024xf32>
    %select_n3A_757 = arith.select %eq3A_754, %broadcast_in_dim3A_756, %select_n3A_730 : vector<512x1024xi1>, vector<512x1024xf32>
    %convert_element_type3A_758 = arith.fptosi %broadcast_in_dim3A_752 : vector<512x1xf32> to vector<512x1xi32>
    %add3A_759 = vector.broadcast %mul3A_42 : i32 to vector<512x1xi32>
    %add3A_760 = arith.addi %convert_element_type3A_758, %add3A_759 : vector<512x1xi32>
    %lt3A_761 = arith.constant 0x7F800000 : f32
    %lt3A_762 = vector.broadcast %lt3A_761 : f32 to vector<512x1xf32>
    %lt3A_763 = arith.cmpf olt, %broadcast_in_dim3A_744, %lt3A_762 : vector<512x1xf32>
    %jit3A_764 = arith.constant 1.000000e+00 : f32
    %jit3A_765 = arith.constant 0.000000e+00 : f32
    %broadcast_in_dim3A_766 = vector.broadcast %jit3A_764 : f32 to vector<512x1xf32>
    %broadcast_in_dim3A_767 = vector.broadcast %jit3A_765 : f32 to vector<512x1xf32>
    %select_n3A_768 = arith.select %lt3A_763, %broadcast_in_dim3A_766, %broadcast_in_dim3A_767 : vector<512x1xi1>, vector<512x1xf32>
    %reduce_min3A_769 = arith.constant dense<0x7F800000> : vector<512xf32>
    %reduce_min3A_770 = vector.multi_reduction <minimumf>, %select_n3A_757, %reduce_min3A_769 [1] : vector<512x1024xf32> to vector<512xf32>
    %broadcast_in_dim3A_771 = vector.shape_cast %reduce_min3A_770 : vector<512xf32> to vector<512x1xf32>
    %eq3A_772 = vector.broadcast %broadcast_in_dim3A_771 : vector<512x1xf32> to vector<512x1024xf32>
    %eq3A_773 = arith.cmpf oeq, %select_n3A_757, %eq3A_772 : vector<512x1024xf32>
    %jit3A_774 = arith.constant 1.024000e+03 : f32
    %broadcast_in_dim3A_775 = vector.broadcast %jit3A_774 : f32 to vector<512x1024xf32>
    %select_n3A_776 = arith.select %eq3A_773, %convert_element_type3A, %broadcast_in_dim3A_775 : vector<512x1024xi1>, vector<512x1024xf32>
    %reduce_min3A_777 = arith.constant dense<0x7F800000> : vector<512xf32>
    %reduce_min3A_778 = vector.multi_reduction <minimumf>, %select_n3A_776, %reduce_min3A_777 [1] : vector<512x1024xf32> to vector<512xf32>
    %broadcast_in_dim3A_779 = vector.shape_cast %reduce_min3A_778 : vector<512xf32> to vector<512x1xf32>
    %eq3A_780 = vector.broadcast %broadcast_in_dim3A_779 : vector<512x1xf32> to vector<512x1024xf32>
    %eq3A_781 = arith.cmpf oeq, %convert_element_type3A, %eq3A_780 : vector<512x1024xf32>
    %jit3A_782 = arith.constant 0x7F800000 : f32
    %broadcast_in_dim3A_783 = vector.broadcast %jit3A_782 : f32 to vector<512x1024xf32>
    %select_n3A_784 = arith.select %eq3A_781, %broadcast_in_dim3A_783, %select_n3A_757 : vector<512x1024xi1>, vector<512x1024xf32>
    %convert_element_type3A_785 = arith.fptosi %broadcast_in_dim3A_779 : vector<512x1xf32> to vector<512x1xi32>
    %add3A_786 = vector.broadcast %mul3A_42 : i32 to vector<512x1xi32>
    %add3A_787 = arith.addi %convert_element_type3A_785, %add3A_786 : vector<512x1xi32>
    %lt3A_788 = arith.constant 0x7F800000 : f32
    %lt3A_789 = vector.broadcast %lt3A_788 : f32 to vector<512x1xf32>
    %lt3A_790 = arith.cmpf olt, %broadcast_in_dim3A_771, %lt3A_789 : vector<512x1xf32>
    %jit3A_791 = arith.constant 1.000000e+00 : f32
    %jit3A_792 = arith.constant 0.000000e+00 : f32
    %broadcast_in_dim3A_793 = vector.broadcast %jit3A_791 : f32 to vector<512x1xf32>
    %broadcast_in_dim3A_794 = vector.broadcast %jit3A_792 : f32 to vector<512x1xf32>
    %select_n3A_795 = arith.select %lt3A_790, %broadcast_in_dim3A_793, %broadcast_in_dim3A_794 : vector<512x1xi1>, vector<512x1xf32>
    %reduce_min3A_796 = arith.constant dense<0x7F800000> : vector<512xf32>
    %reduce_min3A_797 = vector.multi_reduction <minimumf>, %select_n3A_784, %reduce_min3A_796 [1] : vector<512x1024xf32> to vector<512xf32>
    %broadcast_in_dim3A_798 = vector.shape_cast %reduce_min3A_797 : vector<512xf32> to vector<512x1xf32>
    %eq3A_799 = vector.broadcast %broadcast_in_dim3A_798 : vector<512x1xf32> to vector<512x1024xf32>
    %eq3A_800 = arith.cmpf oeq, %select_n3A_784, %eq3A_799 : vector<512x1024xf32>
    %jit3A_801 = arith.constant 1.024000e+03 : f32
    %broadcast_in_dim3A_802 = vector.broadcast %jit3A_801 : f32 to vector<512x1024xf32>
    %select_n3A_803 = arith.select %eq3A_800, %convert_element_type3A, %broadcast_in_dim3A_802 : vector<512x1024xi1>, vector<512x1024xf32>
    %reduce_min3A_804 = arith.constant dense<0x7F800000> : vector<512xf32>
    %reduce_min3A_805 = vector.multi_reduction <minimumf>, %select_n3A_803, %reduce_min3A_804 [1] : vector<512x1024xf32> to vector<512xf32>
    %broadcast_in_dim3A_806 = vector.shape_cast %reduce_min3A_805 : vector<512xf32> to vector<512x1xf32>
    %eq3A_807 = vector.broadcast %broadcast_in_dim3A_806 : vector<512x1xf32> to vector<512x1024xf32>
    %eq3A_808 = arith.cmpf oeq, %convert_element_type3A, %eq3A_807 : vector<512x1024xf32>
    %jit3A_809 = arith.constant 0x7F800000 : f32
    %broadcast_in_dim3A_810 = vector.broadcast %jit3A_809 : f32 to vector<512x1024xf32>
    %select_n3A_811 = arith.select %eq3A_808, %broadcast_in_dim3A_810, %select_n3A_784 : vector<512x1024xi1>, vector<512x1024xf32>
    %convert_element_type3A_812 = arith.fptosi %broadcast_in_dim3A_806 : vector<512x1xf32> to vector<512x1xi32>
    %add3A_813 = vector.broadcast %mul3A_42 : i32 to vector<512x1xi32>
    %add3A_814 = arith.addi %convert_element_type3A_812, %add3A_813 : vector<512x1xi32>
    %lt3A_815 = arith.constant 0x7F800000 : f32
    %lt3A_816 = vector.broadcast %lt3A_815 : f32 to vector<512x1xf32>
    %lt3A_817 = arith.cmpf olt, %broadcast_in_dim3A_798, %lt3A_816 : vector<512x1xf32>
    %jit3A_818 = arith.constant 1.000000e+00 : f32
    %jit3A_819 = arith.constant 0.000000e+00 : f32
    %broadcast_in_dim3A_820 = vector.broadcast %jit3A_818 : f32 to vector<512x1xf32>
    %broadcast_in_dim3A_821 = vector.broadcast %jit3A_819 : f32 to vector<512x1xf32>
    %select_n3A_822 = arith.select %lt3A_817, %broadcast_in_dim3A_820, %broadcast_in_dim3A_821 : vector<512x1xi1>, vector<512x1xf32>
    %reduce_min3A_823 = arith.constant dense<0x7F800000> : vector<512xf32>
    %reduce_min3A_824 = vector.multi_reduction <minimumf>, %select_n3A_811, %reduce_min3A_823 [1] : vector<512x1024xf32> to vector<512xf32>
    %broadcast_in_dim3A_825 = vector.shape_cast %reduce_min3A_824 : vector<512xf32> to vector<512x1xf32>
    %eq3A_826 = vector.broadcast %broadcast_in_dim3A_825 : vector<512x1xf32> to vector<512x1024xf32>
    %eq3A_827 = arith.cmpf oeq, %select_n3A_811, %eq3A_826 : vector<512x1024xf32>
    %jit3A_828 = arith.constant 1.024000e+03 : f32
    %broadcast_in_dim3A_829 = vector.broadcast %jit3A_828 : f32 to vector<512x1024xf32>
    %select_n3A_830 = arith.select %eq3A_827, %convert_element_type3A, %broadcast_in_dim3A_829 : vector<512x1024xi1>, vector<512x1024xf32>
    %reduce_min3A_831 = arith.constant dense<0x7F800000> : vector<512xf32>
    %reduce_min3A_832 = vector.multi_reduction <minimumf>, %select_n3A_830, %reduce_min3A_831 [1] : vector<512x1024xf32> to vector<512xf32>
    %broadcast_in_dim3A_833 = vector.shape_cast %reduce_min3A_832 : vector<512xf32> to vector<512x1xf32>
    %eq3A_834 = vector.broadcast %broadcast_in_dim3A_833 : vector<512x1xf32> to vector<512x1024xf32>
    %eq3A_835 = arith.cmpf oeq, %convert_element_type3A, %eq3A_834 : vector<512x1024xf32>
    %jit3A_836 = arith.constant 0x7F800000 : f32
    %broadcast_in_dim3A_837 = vector.broadcast %jit3A_836 : f32 to vector<512x1024xf32>
    %select_n3A_838 = arith.select %eq3A_835, %broadcast_in_dim3A_837, %select_n3A_811 : vector<512x1024xi1>, vector<512x1024xf32>
    %convert_element_type3A_839 = arith.fptosi %broadcast_in_dim3A_833 : vector<512x1xf32> to vector<512x1xi32>
    %add3A_840 = vector.broadcast %mul3A_42 : i32 to vector<512x1xi32>
    %add3A_841 = arith.addi %convert_element_type3A_839, %add3A_840 : vector<512x1xi32>
    %lt3A_842 = arith.constant 0x7F800000 : f32
    %lt3A_843 = vector.broadcast %lt3A_842 : f32 to vector<512x1xf32>
    %lt3A_844 = arith.cmpf olt, %broadcast_in_dim3A_825, %lt3A_843 : vector<512x1xf32>
    %jit3A_845 = arith.constant 1.000000e+00 : f32
    %jit3A_846 = arith.constant 0.000000e+00 : f32
    %broadcast_in_dim3A_847 = vector.broadcast %jit3A_845 : f32 to vector<512x1xf32>
    %broadcast_in_dim3A_848 = vector.broadcast %jit3A_846 : f32 to vector<512x1xf32>
    %select_n3A_849 = arith.select %lt3A_844, %broadcast_in_dim3A_847, %broadcast_in_dim3A_848 : vector<512x1xi1>, vector<512x1xf32>
    %reduce_min3A_850 = arith.constant dense<0x7F800000> : vector<512xf32>
    %reduce_min3A_851 = vector.multi_reduction <minimumf>, %select_n3A_838, %reduce_min3A_850 [1] : vector<512x1024xf32> to vector<512xf32>
    %broadcast_in_dim3A_852 = vector.shape_cast %reduce_min3A_851 : vector<512xf32> to vector<512x1xf32>
    %eq3A_853 = vector.broadcast %broadcast_in_dim3A_852 : vector<512x1xf32> to vector<512x1024xf32>
    %eq3A_854 = arith.cmpf oeq, %select_n3A_838, %eq3A_853 : vector<512x1024xf32>
    %jit3A_855 = arith.constant 1.024000e+03 : f32
    %broadcast_in_dim3A_856 = vector.broadcast %jit3A_855 : f32 to vector<512x1024xf32>
    %select_n3A_857 = arith.select %eq3A_854, %convert_element_type3A, %broadcast_in_dim3A_856 : vector<512x1024xi1>, vector<512x1024xf32>
    %reduce_min3A_858 = arith.constant dense<0x7F800000> : vector<512xf32>
    %reduce_min3A_859 = vector.multi_reduction <minimumf>, %select_n3A_857, %reduce_min3A_858 [1] : vector<512x1024xf32> to vector<512xf32>
    %broadcast_in_dim3A_860 = vector.shape_cast %reduce_min3A_859 : vector<512xf32> to vector<512x1xf32>
    %eq3A_861 = vector.broadcast %broadcast_in_dim3A_860 : vector<512x1xf32> to vector<512x1024xf32>
    %eq3A_862 = arith.cmpf oeq, %convert_element_type3A, %eq3A_861 : vector<512x1024xf32>
    %jit3A_863 = arith.constant 0x7F800000 : f32
    %broadcast_in_dim3A_864 = vector.broadcast %jit3A_863 : f32 to vector<512x1024xf32>
    %select_n3A_865 = arith.select %eq3A_862, %broadcast_in_dim3A_864, %select_n3A_838 : vector<512x1024xi1>, vector<512x1024xf32>
    %convert_element_type3A_866 = arith.fptosi %broadcast_in_dim3A_860 : vector<512x1xf32> to vector<512x1xi32>
    %add3A_867 = vector.broadcast %mul3A_42 : i32 to vector<512x1xi32>
    %add3A_868 = arith.addi %convert_element_type3A_866, %add3A_867 : vector<512x1xi32>
    %lt3A_869 = arith.constant 0x7F800000 : f32
    %lt3A_870 = vector.broadcast %lt3A_869 : f32 to vector<512x1xf32>
    %lt3A_871 = arith.cmpf olt, %broadcast_in_dim3A_852, %lt3A_870 : vector<512x1xf32>
    %jit3A_872 = arith.constant 1.000000e+00 : f32
    %jit3A_873 = arith.constant 0.000000e+00 : f32
    %broadcast_in_dim3A_874 = vector.broadcast %jit3A_872 : f32 to vector<512x1xf32>
    %broadcast_in_dim3A_875 = vector.broadcast %jit3A_873 : f32 to vector<512x1xf32>
    %select_n3A_876 = arith.select %lt3A_871, %broadcast_in_dim3A_874, %broadcast_in_dim3A_875 : vector<512x1xi1>, vector<512x1xf32>
    %reduce_min3A_877 = arith.constant dense<0x7F800000> : vector<512xf32>
    %reduce_min3A_878 = vector.multi_reduction <minimumf>, %select_n3A_865, %reduce_min3A_877 [1] : vector<512x1024xf32> to vector<512xf32>
    %broadcast_in_dim3A_879 = vector.shape_cast %reduce_min3A_878 : vector<512xf32> to vector<512x1xf32>
    %eq3A_880 = vector.broadcast %broadcast_in_dim3A_879 : vector<512x1xf32> to vector<512x1024xf32>
    %eq3A_881 = arith.cmpf oeq, %select_n3A_865, %eq3A_880 : vector<512x1024xf32>
    %jit3A_882 = arith.constant 1.024000e+03 : f32
    %broadcast_in_dim3A_883 = vector.broadcast %jit3A_882 : f32 to vector<512x1024xf32>
    %select_n3A_884 = arith.select %eq3A_881, %convert_element_type3A, %broadcast_in_dim3A_883 : vector<512x1024xi1>, vector<512x1024xf32>
    %reduce_min3A_885 = arith.constant dense<0x7F800000> : vector<512xf32>
    %reduce_min3A_886 = vector.multi_reduction <minimumf>, %select_n3A_884, %reduce_min3A_885 [1] : vector<512x1024xf32> to vector<512xf32>
    %broadcast_in_dim3A_887 = vector.shape_cast %reduce_min3A_886 : vector<512xf32> to vector<512x1xf32>
    %eq3A_888 = vector.broadcast %broadcast_in_dim3A_887 : vector<512x1xf32> to vector<512x1024xf32>
    %eq3A_889 = arith.cmpf oeq, %convert_element_type3A, %eq3A_888 : vector<512x1024xf32>
    %jit3A_890 = arith.constant 0x7F800000 : f32
    %broadcast_in_dim3A_891 = vector.broadcast %jit3A_890 : f32 to vector<512x1024xf32>
    %select_n3A_892 = arith.select %eq3A_889, %broadcast_in_dim3A_891, %select_n3A_865 : vector<512x1024xi1>, vector<512x1024xf32>
    %convert_element_type3A_893 = arith.fptosi %broadcast_in_dim3A_887 : vector<512x1xf32> to vector<512x1xi32>
    %add3A_894 = vector.broadcast %mul3A_42 : i32 to vector<512x1xi32>
    %add3A_895 = arith.addi %convert_element_type3A_893, %add3A_894 : vector<512x1xi32>
    %lt3A_896 = arith.constant 0x7F800000 : f32
    %lt3A_897 = vector.broadcast %lt3A_896 : f32 to vector<512x1xf32>
    %lt3A_898 = arith.cmpf olt, %broadcast_in_dim3A_879, %lt3A_897 : vector<512x1xf32>
    %jit3A_899 = arith.constant 1.000000e+00 : f32
    %jit3A_900 = arith.constant 0.000000e+00 : f32
    %broadcast_in_dim3A_901 = vector.broadcast %jit3A_899 : f32 to vector<512x1xf32>
    %broadcast_in_dim3A_902 = vector.broadcast %jit3A_900 : f32 to vector<512x1xf32>
    %select_n3A_903 = arith.select %lt3A_898, %broadcast_in_dim3A_901, %broadcast_in_dim3A_902 : vector<512x1xi1>, vector<512x1xf32>
    %reduce_min3A_904 = arith.constant dense<0x7F800000> : vector<512xf32>
    %reduce_min3A_905 = vector.multi_reduction <minimumf>, %select_n3A_892, %reduce_min3A_904 [1] : vector<512x1024xf32> to vector<512xf32>
    %broadcast_in_dim3A_906 = vector.shape_cast %reduce_min3A_905 : vector<512xf32> to vector<512x1xf32>
    %eq3A_907 = vector.broadcast %broadcast_in_dim3A_906 : vector<512x1xf32> to vector<512x1024xf32>
    %eq3A_908 = arith.cmpf oeq, %select_n3A_892, %eq3A_907 : vector<512x1024xf32>
    %jit3A_909 = arith.constant 1.024000e+03 : f32
    %broadcast_in_dim3A_910 = vector.broadcast %jit3A_909 : f32 to vector<512x1024xf32>
    %select_n3A_911 = arith.select %eq3A_908, %convert_element_type3A, %broadcast_in_dim3A_910 : vector<512x1024xi1>, vector<512x1024xf32>
    %reduce_min3A_912 = arith.constant dense<0x7F800000> : vector<512xf32>
    %reduce_min3A_913 = vector.multi_reduction <minimumf>, %select_n3A_911, %reduce_min3A_912 [1] : vector<512x1024xf32> to vector<512xf32>
    %broadcast_in_dim3A_914 = vector.shape_cast %reduce_min3A_913 : vector<512xf32> to vector<512x1xf32>
    %eq3A_915 = vector.broadcast %broadcast_in_dim3A_914 : vector<512x1xf32> to vector<512x1024xf32>
    %eq3A_916 = arith.cmpf oeq, %convert_element_type3A, %eq3A_915 : vector<512x1024xf32>
    %jit3A_917 = arith.constant 0x7F800000 : f32
    %broadcast_in_dim3A_918 = vector.broadcast %jit3A_917 : f32 to vector<512x1024xf32>
    %select_n3A_919 = arith.select %eq3A_916, %broadcast_in_dim3A_918, %select_n3A_892 : vector<512x1024xi1>, vector<512x1024xf32>
    %convert_element_type3A_920 = arith.fptosi %broadcast_in_dim3A_914 : vector<512x1xf32> to vector<512x1xi32>
    %add3A_921 = vector.broadcast %mul3A_42 : i32 to vector<512x1xi32>
    %add3A_922 = arith.addi %convert_element_type3A_920, %add3A_921 : vector<512x1xi32>
    %lt3A_923 = arith.constant 0x7F800000 : f32
    %lt3A_924 = vector.broadcast %lt3A_923 : f32 to vector<512x1xf32>
    %lt3A_925 = arith.cmpf olt, %broadcast_in_dim3A_906, %lt3A_924 : vector<512x1xf32>
    %jit3A_926 = arith.constant 1.000000e+00 : f32
    %jit3A_927 = arith.constant 0.000000e+00 : f32
    %broadcast_in_dim3A_928 = vector.broadcast %jit3A_926 : f32 to vector<512x1xf32>
    %broadcast_in_dim3A_929 = vector.broadcast %jit3A_927 : f32 to vector<512x1xf32>
    %select_n3A_930 = arith.select %lt3A_925, %broadcast_in_dim3A_928, %broadcast_in_dim3A_929 : vector<512x1xi1>, vector<512x1xf32>
    %reduce_min3A_931 = arith.constant dense<0x7F800000> : vector<512xf32>
    %reduce_min3A_932 = vector.multi_reduction <minimumf>, %select_n3A_919, %reduce_min3A_931 [1] : vector<512x1024xf32> to vector<512xf32>
    %broadcast_in_dim3A_933 = vector.shape_cast %reduce_min3A_932 : vector<512xf32> to vector<512x1xf32>
    %eq3A_934 = vector.broadcast %broadcast_in_dim3A_933 : vector<512x1xf32> to vector<512x1024xf32>
    %eq3A_935 = arith.cmpf oeq, %select_n3A_919, %eq3A_934 : vector<512x1024xf32>
    %jit3A_936 = arith.constant 1.024000e+03 : f32
    %broadcast_in_dim3A_937 = vector.broadcast %jit3A_936 : f32 to vector<512x1024xf32>
    %select_n3A_938 = arith.select %eq3A_935, %convert_element_type3A, %broadcast_in_dim3A_937 : vector<512x1024xi1>, vector<512x1024xf32>
    %reduce_min3A_939 = arith.constant dense<0x7F800000> : vector<512xf32>
    %reduce_min3A_940 = vector.multi_reduction <minimumf>, %select_n3A_938, %reduce_min3A_939 [1] : vector<512x1024xf32> to vector<512xf32>
    %broadcast_in_dim3A_941 = vector.shape_cast %reduce_min3A_940 : vector<512xf32> to vector<512x1xf32>
    %eq3A_942 = vector.broadcast %broadcast_in_dim3A_941 : vector<512x1xf32> to vector<512x1024xf32>
    %eq3A_943 = arith.cmpf oeq, %convert_element_type3A, %eq3A_942 : vector<512x1024xf32>
    %jit3A_944 = arith.constant 0x7F800000 : f32
    %broadcast_in_dim3A_945 = vector.broadcast %jit3A_944 : f32 to vector<512x1024xf32>
    %select_n3A_946 = arith.select %eq3A_943, %broadcast_in_dim3A_945, %select_n3A_919 : vector<512x1024xi1>, vector<512x1024xf32>
    %convert_element_type3A_947 = arith.fptosi %broadcast_in_dim3A_941 : vector<512x1xf32> to vector<512x1xi32>
    %add3A_948 = vector.broadcast %mul3A_42 : i32 to vector<512x1xi32>
    %add3A_949 = arith.addi %convert_element_type3A_947, %add3A_948 : vector<512x1xi32>
    %lt3A_950 = arith.constant 0x7F800000 : f32
    %lt3A_951 = vector.broadcast %lt3A_950 : f32 to vector<512x1xf32>
    %lt3A_952 = arith.cmpf olt, %broadcast_in_dim3A_933, %lt3A_951 : vector<512x1xf32>
    %jit3A_953 = arith.constant 1.000000e+00 : f32
    %jit3A_954 = arith.constant 0.000000e+00 : f32
    %broadcast_in_dim3A_955 = vector.broadcast %jit3A_953 : f32 to vector<512x1xf32>
    %broadcast_in_dim3A_956 = vector.broadcast %jit3A_954 : f32 to vector<512x1xf32>
    %select_n3A_957 = arith.select %lt3A_952, %broadcast_in_dim3A_955, %broadcast_in_dim3A_956 : vector<512x1xi1>, vector<512x1xf32>
    %reduce_min3A_958 = arith.constant dense<0x7F800000> : vector<512xf32>
    %reduce_min3A_959 = vector.multi_reduction <minimumf>, %select_n3A_946, %reduce_min3A_958 [1] : vector<512x1024xf32> to vector<512xf32>
    %broadcast_in_dim3A_960 = vector.shape_cast %reduce_min3A_959 : vector<512xf32> to vector<512x1xf32>
    %eq3A_961 = vector.broadcast %broadcast_in_dim3A_960 : vector<512x1xf32> to vector<512x1024xf32>
    %eq3A_962 = arith.cmpf oeq, %select_n3A_946, %eq3A_961 : vector<512x1024xf32>
    %jit3A_963 = arith.constant 1.024000e+03 : f32
    %broadcast_in_dim3A_964 = vector.broadcast %jit3A_963 : f32 to vector<512x1024xf32>
    %select_n3A_965 = arith.select %eq3A_962, %convert_element_type3A, %broadcast_in_dim3A_964 : vector<512x1024xi1>, vector<512x1024xf32>
    %reduce_min3A_966 = arith.constant dense<0x7F800000> : vector<512xf32>
    %reduce_min3A_967 = vector.multi_reduction <minimumf>, %select_n3A_965, %reduce_min3A_966 [1] : vector<512x1024xf32> to vector<512xf32>
    %broadcast_in_dim3A_968 = vector.shape_cast %reduce_min3A_967 : vector<512xf32> to vector<512x1xf32>
    %eq3A_969 = vector.broadcast %broadcast_in_dim3A_968 : vector<512x1xf32> to vector<512x1024xf32>
    %eq3A_970 = arith.cmpf oeq, %convert_element_type3A, %eq3A_969 : vector<512x1024xf32>
    %jit3A_971 = arith.constant 0x7F800000 : f32
    %broadcast_in_dim3A_972 = vector.broadcast %jit3A_971 : f32 to vector<512x1024xf32>
    %select_n3A_973 = arith.select %eq3A_970, %broadcast_in_dim3A_972, %select_n3A_946 : vector<512x1024xi1>, vector<512x1024xf32>
    %convert_element_type3A_974 = arith.fptosi %broadcast_in_dim3A_968 : vector<512x1xf32> to vector<512x1xi32>
    %add3A_975 = vector.broadcast %mul3A_42 : i32 to vector<512x1xi32>
    %add3A_976 = arith.addi %convert_element_type3A_974, %add3A_975 : vector<512x1xi32>
    %lt3A_977 = arith.constant 0x7F800000 : f32
    %lt3A_978 = vector.broadcast %lt3A_977 : f32 to vector<512x1xf32>
    %lt3A_979 = arith.cmpf olt, %broadcast_in_dim3A_960, %lt3A_978 : vector<512x1xf32>
    %jit3A_980 = arith.constant 1.000000e+00 : f32
    %jit3A_981 = arith.constant 0.000000e+00 : f32
    %broadcast_in_dim3A_982 = vector.broadcast %jit3A_980 : f32 to vector<512x1xf32>
    %broadcast_in_dim3A_983 = vector.broadcast %jit3A_981 : f32 to vector<512x1xf32>
    %select_n3A_984 = arith.select %lt3A_979, %broadcast_in_dim3A_982, %broadcast_in_dim3A_983 : vector<512x1xi1>, vector<512x1xf32>
    %reduce_min3A_985 = arith.constant dense<0x7F800000> : vector<512xf32>
    %reduce_min3A_986 = vector.multi_reduction <minimumf>, %select_n3A_973, %reduce_min3A_985 [1] : vector<512x1024xf32> to vector<512xf32>
    %broadcast_in_dim3A_987 = vector.shape_cast %reduce_min3A_986 : vector<512xf32> to vector<512x1xf32>
    %eq3A_988 = vector.broadcast %broadcast_in_dim3A_987 : vector<512x1xf32> to vector<512x1024xf32>
    %eq3A_989 = arith.cmpf oeq, %select_n3A_973, %eq3A_988 : vector<512x1024xf32>
    %jit3A_990 = arith.constant 1.024000e+03 : f32
    %broadcast_in_dim3A_991 = vector.broadcast %jit3A_990 : f32 to vector<512x1024xf32>
    %select_n3A_992 = arith.select %eq3A_989, %convert_element_type3A, %broadcast_in_dim3A_991 : vector<512x1024xi1>, vector<512x1024xf32>
    %reduce_min3A_993 = arith.constant dense<0x7F800000> : vector<512xf32>
    %reduce_min3A_994 = vector.multi_reduction <minimumf>, %select_n3A_992, %reduce_min3A_993 [1] : vector<512x1024xf32> to vector<512xf32>
    %broadcast_in_dim3A_995 = vector.shape_cast %reduce_min3A_994 : vector<512xf32> to vector<512x1xf32>
    %eq3A_996 = vector.broadcast %broadcast_in_dim3A_995 : vector<512x1xf32> to vector<512x1024xf32>
    %eq3A_997 = arith.cmpf oeq, %convert_element_type3A, %eq3A_996 : vector<512x1024xf32>
    %jit3A_998 = arith.constant 0x7F800000 : f32
    %broadcast_in_dim3A_999 = vector.broadcast %jit3A_998 : f32 to vector<512x1024xf32>
    %select_n3A_1000 = arith.select %eq3A_997, %broadcast_in_dim3A_999, %select_n3A_973 : vector<512x1024xi1>, vector<512x1024xf32>
    %convert_element_type3A_1001 = arith.fptosi %broadcast_in_dim3A_995 : vector<512x1xf32> to vector<512x1xi32>
    %add3A_1002 = vector.broadcast %mul3A_42 : i32 to vector<512x1xi32>
    %add3A_1003 = arith.addi %convert_element_type3A_1001, %add3A_1002 : vector<512x1xi32>
    %lt3A_1004 = arith.constant 0x7F800000 : f32
    %lt3A_1005 = vector.broadcast %lt3A_1004 : f32 to vector<512x1xf32>
    %lt3A_1006 = arith.cmpf olt, %broadcast_in_dim3A_987, %lt3A_1005 : vector<512x1xf32>
    %jit3A_1007 = arith.constant 1.000000e+00 : f32
    %jit3A_1008 = arith.constant 0.000000e+00 : f32
    %broadcast_in_dim3A_1009 = vector.broadcast %jit3A_1007 : f32 to vector<512x1xf32>
    %broadcast_in_dim3A_1010 = vector.broadcast %jit3A_1008 : f32 to vector<512x1xf32>
    %select_n3A_1011 = arith.select %lt3A_1006, %broadcast_in_dim3A_1009, %broadcast_in_dim3A_1010 : vector<512x1xi1>, vector<512x1xf32>
    %reduce_min3A_1012 = arith.constant dense<0x7F800000> : vector<512xf32>
    %reduce_min3A_1013 = vector.multi_reduction <minimumf>, %select_n3A_1000, %reduce_min3A_1012 [1] : vector<512x1024xf32> to vector<512xf32>
    %broadcast_in_dim3A_1014 = vector.shape_cast %reduce_min3A_1013 : vector<512xf32> to vector<512x1xf32>
    %eq3A_1015 = vector.broadcast %broadcast_in_dim3A_1014 : vector<512x1xf32> to vector<512x1024xf32>
    %eq3A_1016 = arith.cmpf oeq, %select_n3A_1000, %eq3A_1015 : vector<512x1024xf32>
    %jit3A_1017 = arith.constant 1.024000e+03 : f32
    %broadcast_in_dim3A_1018 = vector.broadcast %jit3A_1017 : f32 to vector<512x1024xf32>
    %select_n3A_1019 = arith.select %eq3A_1016, %convert_element_type3A, %broadcast_in_dim3A_1018 : vector<512x1024xi1>, vector<512x1024xf32>
    %reduce_min3A_1020 = arith.constant dense<0x7F800000> : vector<512xf32>
    %reduce_min3A_1021 = vector.multi_reduction <minimumf>, %select_n3A_1019, %reduce_min3A_1020 [1] : vector<512x1024xf32> to vector<512xf32>
    %broadcast_in_dim3A_1022 = vector.shape_cast %reduce_min3A_1021 : vector<512xf32> to vector<512x1xf32>
    %eq3A_1023 = vector.broadcast %broadcast_in_dim3A_1022 : vector<512x1xf32> to vector<512x1024xf32>
    %eq3A_1024 = arith.cmpf oeq, %convert_element_type3A, %eq3A_1023 : vector<512x1024xf32>
    %jit3A_1025 = arith.constant 0x7F800000 : f32
    %broadcast_in_dim3A_1026 = vector.broadcast %jit3A_1025 : f32 to vector<512x1024xf32>
    %select_n3A_1027 = arith.select %eq3A_1024, %broadcast_in_dim3A_1026, %select_n3A_1000 : vector<512x1024xi1>, vector<512x1024xf32>
    %convert_element_type3A_1028 = arith.fptosi %broadcast_in_dim3A_1022 : vector<512x1xf32> to vector<512x1xi32>
    %add3A_1029 = vector.broadcast %mul3A_42 : i32 to vector<512x1xi32>
    %add3A_1030 = arith.addi %convert_element_type3A_1028, %add3A_1029 : vector<512x1xi32>
    %lt3A_1031 = arith.constant 0x7F800000 : f32
    %lt3A_1032 = vector.broadcast %lt3A_1031 : f32 to vector<512x1xf32>
    %lt3A_1033 = arith.cmpf olt, %broadcast_in_dim3A_1014, %lt3A_1032 : vector<512x1xf32>
    %jit3A_1034 = arith.constant 1.000000e+00 : f32
    %jit3A_1035 = arith.constant 0.000000e+00 : f32
    %broadcast_in_dim3A_1036 = vector.broadcast %jit3A_1034 : f32 to vector<512x1xf32>
    %broadcast_in_dim3A_1037 = vector.broadcast %jit3A_1035 : f32 to vector<512x1xf32>
    %select_n3A_1038 = arith.select %lt3A_1033, %broadcast_in_dim3A_1036, %broadcast_in_dim3A_1037 : vector<512x1xi1>, vector<512x1xf32>
    %reduce_min3A_1039 = arith.constant dense<0x7F800000> : vector<512xf32>
    %reduce_min3A_1040 = vector.multi_reduction <minimumf>, %select_n3A_1027, %reduce_min3A_1039 [1] : vector<512x1024xf32> to vector<512xf32>
    %broadcast_in_dim3A_1041 = vector.shape_cast %reduce_min3A_1040 : vector<512xf32> to vector<512x1xf32>
    %eq3A_1042 = vector.broadcast %broadcast_in_dim3A_1041 : vector<512x1xf32> to vector<512x1024xf32>
    %eq3A_1043 = arith.cmpf oeq, %select_n3A_1027, %eq3A_1042 : vector<512x1024xf32>
    %jit3A_1044 = arith.constant 1.024000e+03 : f32
    %broadcast_in_dim3A_1045 = vector.broadcast %jit3A_1044 : f32 to vector<512x1024xf32>
    %select_n3A_1046 = arith.select %eq3A_1043, %convert_element_type3A, %broadcast_in_dim3A_1045 : vector<512x1024xi1>, vector<512x1024xf32>
    %reduce_min3A_1047 = arith.constant dense<0x7F800000> : vector<512xf32>
    %reduce_min3A_1048 = vector.multi_reduction <minimumf>, %select_n3A_1046, %reduce_min3A_1047 [1] : vector<512x1024xf32> to vector<512xf32>
    %broadcast_in_dim3A_1049 = vector.shape_cast %reduce_min3A_1048 : vector<512xf32> to vector<512x1xf32>
    %eq3A_1050 = vector.broadcast %broadcast_in_dim3A_1049 : vector<512x1xf32> to vector<512x1024xf32>
    %eq3A_1051 = arith.cmpf oeq, %convert_element_type3A, %eq3A_1050 : vector<512x1024xf32>
    %jit3A_1052 = arith.constant 0x7F800000 : f32
    %broadcast_in_dim3A_1053 = vector.broadcast %jit3A_1052 : f32 to vector<512x1024xf32>
    %select_n3A_1054 = arith.select %eq3A_1051, %broadcast_in_dim3A_1053, %select_n3A_1027 : vector<512x1024xi1>, vector<512x1024xf32>
    %convert_element_type3A_1055 = arith.fptosi %broadcast_in_dim3A_1049 : vector<512x1xf32> to vector<512x1xi32>
    %add3A_1056 = vector.broadcast %mul3A_42 : i32 to vector<512x1xi32>
    %add3A_1057 = arith.addi %convert_element_type3A_1055, %add3A_1056 : vector<512x1xi32>
    %lt3A_1058 = arith.constant 0x7F800000 : f32
    %lt3A_1059 = vector.broadcast %lt3A_1058 : f32 to vector<512x1xf32>
    %lt3A_1060 = arith.cmpf olt, %broadcast_in_dim3A_1041, %lt3A_1059 : vector<512x1xf32>
    %jit3A_1061 = arith.constant 1.000000e+00 : f32
    %jit3A_1062 = arith.constant 0.000000e+00 : f32
    %broadcast_in_dim3A_1063 = vector.broadcast %jit3A_1061 : f32 to vector<512x1xf32>
    %broadcast_in_dim3A_1064 = vector.broadcast %jit3A_1062 : f32 to vector<512x1xf32>
    %select_n3A_1065 = arith.select %lt3A_1060, %broadcast_in_dim3A_1063, %broadcast_in_dim3A_1064 : vector<512x1xi1>, vector<512x1xf32>
    %reduce_min3A_1066 = arith.constant dense<0x7F800000> : vector<512xf32>
    %reduce_min3A_1067 = vector.multi_reduction <minimumf>, %select_n3A_1054, %reduce_min3A_1066 [1] : vector<512x1024xf32> to vector<512xf32>
    %broadcast_in_dim3A_1068 = vector.shape_cast %reduce_min3A_1067 : vector<512xf32> to vector<512x1xf32>
    %eq3A_1069 = vector.broadcast %broadcast_in_dim3A_1068 : vector<512x1xf32> to vector<512x1024xf32>
    %eq3A_1070 = arith.cmpf oeq, %select_n3A_1054, %eq3A_1069 : vector<512x1024xf32>
    %jit3A_1071 = arith.constant 1.024000e+03 : f32
    %broadcast_in_dim3A_1072 = vector.broadcast %jit3A_1071 : f32 to vector<512x1024xf32>
    %select_n3A_1073 = arith.select %eq3A_1070, %convert_element_type3A, %broadcast_in_dim3A_1072 : vector<512x1024xi1>, vector<512x1024xf32>
    %reduce_min3A_1074 = arith.constant dense<0x7F800000> : vector<512xf32>
    %reduce_min3A_1075 = vector.multi_reduction <minimumf>, %select_n3A_1073, %reduce_min3A_1074 [1] : vector<512x1024xf32> to vector<512xf32>
    %broadcast_in_dim3A_1076 = vector.shape_cast %reduce_min3A_1075 : vector<512xf32> to vector<512x1xf32>
    %eq3A_1077 = vector.broadcast %broadcast_in_dim3A_1076 : vector<512x1xf32> to vector<512x1024xf32>
    %eq3A_1078 = arith.cmpf oeq, %convert_element_type3A, %eq3A_1077 : vector<512x1024xf32>
    %jit3A_1079 = arith.constant 0x7F800000 : f32
    %broadcast_in_dim3A_1080 = vector.broadcast %jit3A_1079 : f32 to vector<512x1024xf32>
    %select_n3A_1081 = arith.select %eq3A_1078, %broadcast_in_dim3A_1080, %select_n3A_1054 : vector<512x1024xi1>, vector<512x1024xf32>
    %convert_element_type3A_1082 = arith.fptosi %broadcast_in_dim3A_1076 : vector<512x1xf32> to vector<512x1xi32>
    %add3A_1083 = vector.broadcast %mul3A_42 : i32 to vector<512x1xi32>
    %add3A_1084 = arith.addi %convert_element_type3A_1082, %add3A_1083 : vector<512x1xi32>
    %lt3A_1085 = arith.constant 0x7F800000 : f32
    %lt3A_1086 = vector.broadcast %lt3A_1085 : f32 to vector<512x1xf32>
    %lt3A_1087 = arith.cmpf olt, %broadcast_in_dim3A_1068, %lt3A_1086 : vector<512x1xf32>
    %jit3A_1088 = arith.constant 1.000000e+00 : f32
    %jit3A_1089 = arith.constant 0.000000e+00 : f32
    %broadcast_in_dim3A_1090 = vector.broadcast %jit3A_1088 : f32 to vector<512x1xf32>
    %broadcast_in_dim3A_1091 = vector.broadcast %jit3A_1089 : f32 to vector<512x1xf32>
    %select_n3A_1092 = arith.select %lt3A_1087, %broadcast_in_dim3A_1090, %broadcast_in_dim3A_1091 : vector<512x1xi1>, vector<512x1xf32>
    %reduce_min3A_1093 = arith.constant dense<0x7F800000> : vector<512xf32>
    %reduce_min3A_1094 = vector.multi_reduction <minimumf>, %select_n3A_1081, %reduce_min3A_1093 [1] : vector<512x1024xf32> to vector<512xf32>
    %broadcast_in_dim3A_1095 = vector.shape_cast %reduce_min3A_1094 : vector<512xf32> to vector<512x1xf32>
    %eq3A_1096 = vector.broadcast %broadcast_in_dim3A_1095 : vector<512x1xf32> to vector<512x1024xf32>
    %eq3A_1097 = arith.cmpf oeq, %select_n3A_1081, %eq3A_1096 : vector<512x1024xf32>
    %jit3A_1098 = arith.constant 1.024000e+03 : f32
    %broadcast_in_dim3A_1099 = vector.broadcast %jit3A_1098 : f32 to vector<512x1024xf32>
    %select_n3A_1100 = arith.select %eq3A_1097, %convert_element_type3A, %broadcast_in_dim3A_1099 : vector<512x1024xi1>, vector<512x1024xf32>
    %reduce_min3A_1101 = arith.constant dense<0x7F800000> : vector<512xf32>
    %reduce_min3A_1102 = vector.multi_reduction <minimumf>, %select_n3A_1100, %reduce_min3A_1101 [1] : vector<512x1024xf32> to vector<512xf32>
    %broadcast_in_dim3A_1103 = vector.shape_cast %reduce_min3A_1102 : vector<512xf32> to vector<512x1xf32>
    %eq3A_1104 = vector.broadcast %broadcast_in_dim3A_1103 : vector<512x1xf32> to vector<512x1024xf32>
    %eq3A_1105 = arith.cmpf oeq, %convert_element_type3A, %eq3A_1104 : vector<512x1024xf32>
    %jit3A_1106 = arith.constant 0x7F800000 : f32
    %broadcast_in_dim3A_1107 = vector.broadcast %jit3A_1106 : f32 to vector<512x1024xf32>
    %select_n3A_1108 = arith.select %eq3A_1105, %broadcast_in_dim3A_1107, %select_n3A_1081 : vector<512x1024xi1>, vector<512x1024xf32>
    %convert_element_type3A_1109 = arith.fptosi %broadcast_in_dim3A_1103 : vector<512x1xf32> to vector<512x1xi32>
    %add3A_1110 = vector.broadcast %mul3A_42 : i32 to vector<512x1xi32>
    %add3A_1111 = arith.addi %convert_element_type3A_1109, %add3A_1110 : vector<512x1xi32>
    %lt3A_1112 = arith.constant 0x7F800000 : f32
    %lt3A_1113 = vector.broadcast %lt3A_1112 : f32 to vector<512x1xf32>
    %lt3A_1114 = arith.cmpf olt, %broadcast_in_dim3A_1095, %lt3A_1113 : vector<512x1xf32>
    %jit3A_1115 = arith.constant 1.000000e+00 : f32
    %jit3A_1116 = arith.constant 0.000000e+00 : f32
    %broadcast_in_dim3A_1117 = vector.broadcast %jit3A_1115 : f32 to vector<512x1xf32>
    %broadcast_in_dim3A_1118 = vector.broadcast %jit3A_1116 : f32 to vector<512x1xf32>
    %select_n3A_1119 = arith.select %lt3A_1114, %broadcast_in_dim3A_1117, %broadcast_in_dim3A_1118 : vector<512x1xi1>, vector<512x1xf32>
    %reduce_min3A_1120 = arith.constant dense<0x7F800000> : vector<512xf32>
    %reduce_min3A_1121 = vector.multi_reduction <minimumf>, %select_n3A_1108, %reduce_min3A_1120 [1] : vector<512x1024xf32> to vector<512xf32>
    %broadcast_in_dim3A_1122 = vector.shape_cast %reduce_min3A_1121 : vector<512xf32> to vector<512x1xf32>
    %eq3A_1123 = vector.broadcast %broadcast_in_dim3A_1122 : vector<512x1xf32> to vector<512x1024xf32>
    %eq3A_1124 = arith.cmpf oeq, %select_n3A_1108, %eq3A_1123 : vector<512x1024xf32>
    %jit3A_1125 = arith.constant 1.024000e+03 : f32
    %broadcast_in_dim3A_1126 = vector.broadcast %jit3A_1125 : f32 to vector<512x1024xf32>
    %select_n3A_1127 = arith.select %eq3A_1124, %convert_element_type3A, %broadcast_in_dim3A_1126 : vector<512x1024xi1>, vector<512x1024xf32>
    %reduce_min3A_1128 = arith.constant dense<0x7F800000> : vector<512xf32>
    %reduce_min3A_1129 = vector.multi_reduction <minimumf>, %select_n3A_1127, %reduce_min3A_1128 [1] : vector<512x1024xf32> to vector<512xf32>
    %broadcast_in_dim3A_1130 = vector.shape_cast %reduce_min3A_1129 : vector<512xf32> to vector<512x1xf32>
    %eq3A_1131 = vector.broadcast %broadcast_in_dim3A_1130 : vector<512x1xf32> to vector<512x1024xf32>
    %eq3A_1132 = arith.cmpf oeq, %convert_element_type3A, %eq3A_1131 : vector<512x1024xf32>
    %jit3A_1133 = arith.constant 0x7F800000 : f32
    %broadcast_in_dim3A_1134 = vector.broadcast %jit3A_1133 : f32 to vector<512x1024xf32>
    %select_n3A_1135 = arith.select %eq3A_1132, %broadcast_in_dim3A_1134, %select_n3A_1108 : vector<512x1024xi1>, vector<512x1024xf32>
    %convert_element_type3A_1136 = arith.fptosi %broadcast_in_dim3A_1130 : vector<512x1xf32> to vector<512x1xi32>
    %add3A_1137 = vector.broadcast %mul3A_42 : i32 to vector<512x1xi32>
    %add3A_1138 = arith.addi %convert_element_type3A_1136, %add3A_1137 : vector<512x1xi32>
    %lt3A_1139 = arith.constant 0x7F800000 : f32
    %lt3A_1140 = vector.broadcast %lt3A_1139 : f32 to vector<512x1xf32>
    %lt3A_1141 = arith.cmpf olt, %broadcast_in_dim3A_1122, %lt3A_1140 : vector<512x1xf32>
    %jit3A_1142 = arith.constant 1.000000e+00 : f32
    %jit3A_1143 = arith.constant 0.000000e+00 : f32
    %broadcast_in_dim3A_1144 = vector.broadcast %jit3A_1142 : f32 to vector<512x1xf32>
    %broadcast_in_dim3A_1145 = vector.broadcast %jit3A_1143 : f32 to vector<512x1xf32>
    %select_n3A_1146 = arith.select %lt3A_1141, %broadcast_in_dim3A_1144, %broadcast_in_dim3A_1145 : vector<512x1xi1>, vector<512x1xf32>
    %reduce_min3A_1147 = arith.constant dense<0x7F800000> : vector<512xf32>
    %reduce_min3A_1148 = vector.multi_reduction <minimumf>, %select_n3A_1135, %reduce_min3A_1147 [1] : vector<512x1024xf32> to vector<512xf32>
    %broadcast_in_dim3A_1149 = vector.shape_cast %reduce_min3A_1148 : vector<512xf32> to vector<512x1xf32>
    %eq3A_1150 = vector.broadcast %broadcast_in_dim3A_1149 : vector<512x1xf32> to vector<512x1024xf32>
    %eq3A_1151 = arith.cmpf oeq, %select_n3A_1135, %eq3A_1150 : vector<512x1024xf32>
    %jit3A_1152 = arith.constant 1.024000e+03 : f32
    %broadcast_in_dim3A_1153 = vector.broadcast %jit3A_1152 : f32 to vector<512x1024xf32>
    %select_n3A_1154 = arith.select %eq3A_1151, %convert_element_type3A, %broadcast_in_dim3A_1153 : vector<512x1024xi1>, vector<512x1024xf32>
    %reduce_min3A_1155 = arith.constant dense<0x7F800000> : vector<512xf32>
    %reduce_min3A_1156 = vector.multi_reduction <minimumf>, %select_n3A_1154, %reduce_min3A_1155 [1] : vector<512x1024xf32> to vector<512xf32>
    %broadcast_in_dim3A_1157 = vector.shape_cast %reduce_min3A_1156 : vector<512xf32> to vector<512x1xf32>
    %eq3A_1158 = vector.broadcast %broadcast_in_dim3A_1157 : vector<512x1xf32> to vector<512x1024xf32>
    %eq3A_1159 = arith.cmpf oeq, %convert_element_type3A, %eq3A_1158 : vector<512x1024xf32>
    %jit3A_1160 = arith.constant 0x7F800000 : f32
    %broadcast_in_dim3A_1161 = vector.broadcast %jit3A_1160 : f32 to vector<512x1024xf32>
    %select_n3A_1162 = arith.select %eq3A_1159, %broadcast_in_dim3A_1161, %select_n3A_1135 : vector<512x1024xi1>, vector<512x1024xf32>
    %convert_element_type3A_1163 = arith.fptosi %broadcast_in_dim3A_1157 : vector<512x1xf32> to vector<512x1xi32>
    %add3A_1164 = vector.broadcast %mul3A_42 : i32 to vector<512x1xi32>
    %add3A_1165 = arith.addi %convert_element_type3A_1163, %add3A_1164 : vector<512x1xi32>
    %lt3A_1166 = arith.constant 0x7F800000 : f32
    %lt3A_1167 = vector.broadcast %lt3A_1166 : f32 to vector<512x1xf32>
    %lt3A_1168 = arith.cmpf olt, %broadcast_in_dim3A_1149, %lt3A_1167 : vector<512x1xf32>
    %jit3A_1169 = arith.constant 1.000000e+00 : f32
    %jit3A_1170 = arith.constant 0.000000e+00 : f32
    %broadcast_in_dim3A_1171 = vector.broadcast %jit3A_1169 : f32 to vector<512x1xf32>
    %broadcast_in_dim3A_1172 = vector.broadcast %jit3A_1170 : f32 to vector<512x1xf32>
    %select_n3A_1173 = arith.select %lt3A_1168, %broadcast_in_dim3A_1171, %broadcast_in_dim3A_1172 : vector<512x1xi1>, vector<512x1xf32>
    %reduce_min3A_1174 = arith.constant dense<0x7F800000> : vector<512xf32>
    %reduce_min3A_1175 = vector.multi_reduction <minimumf>, %select_n3A_1162, %reduce_min3A_1174 [1] : vector<512x1024xf32> to vector<512xf32>
    %broadcast_in_dim3A_1176 = vector.shape_cast %reduce_min3A_1175 : vector<512xf32> to vector<512x1xf32>
    %eq3A_1177 = vector.broadcast %broadcast_in_dim3A_1176 : vector<512x1xf32> to vector<512x1024xf32>
    %eq3A_1178 = arith.cmpf oeq, %select_n3A_1162, %eq3A_1177 : vector<512x1024xf32>
    %jit3A_1179 = arith.constant 1.024000e+03 : f32
    %broadcast_in_dim3A_1180 = vector.broadcast %jit3A_1179 : f32 to vector<512x1024xf32>
    %select_n3A_1181 = arith.select %eq3A_1178, %convert_element_type3A, %broadcast_in_dim3A_1180 : vector<512x1024xi1>, vector<512x1024xf32>
    %reduce_min3A_1182 = arith.constant dense<0x7F800000> : vector<512xf32>
    %reduce_min3A_1183 = vector.multi_reduction <minimumf>, %select_n3A_1181, %reduce_min3A_1182 [1] : vector<512x1024xf32> to vector<512xf32>
    %broadcast_in_dim3A_1184 = vector.shape_cast %reduce_min3A_1183 : vector<512xf32> to vector<512x1xf32>
    %eq3A_1185 = vector.broadcast %broadcast_in_dim3A_1184 : vector<512x1xf32> to vector<512x1024xf32>
    %eq3A_1186 = arith.cmpf oeq, %convert_element_type3A, %eq3A_1185 : vector<512x1024xf32>
    %jit3A_1187 = arith.constant 0x7F800000 : f32
    %broadcast_in_dim3A_1188 = vector.broadcast %jit3A_1187 : f32 to vector<512x1024xf32>
    %select_n3A_1189 = arith.select %eq3A_1186, %broadcast_in_dim3A_1188, %select_n3A_1162 : vector<512x1024xi1>, vector<512x1024xf32>
    %convert_element_type3A_1190 = arith.fptosi %broadcast_in_dim3A_1184 : vector<512x1xf32> to vector<512x1xi32>
    %add3A_1191 = vector.broadcast %mul3A_42 : i32 to vector<512x1xi32>
    %add3A_1192 = arith.addi %convert_element_type3A_1190, %add3A_1191 : vector<512x1xi32>
    %lt3A_1193 = arith.constant 0x7F800000 : f32
    %lt3A_1194 = vector.broadcast %lt3A_1193 : f32 to vector<512x1xf32>
    %lt3A_1195 = arith.cmpf olt, %broadcast_in_dim3A_1176, %lt3A_1194 : vector<512x1xf32>
    %jit3A_1196 = arith.constant 1.000000e+00 : f32
    %jit3A_1197 = arith.constant 0.000000e+00 : f32
    %broadcast_in_dim3A_1198 = vector.broadcast %jit3A_1196 : f32 to vector<512x1xf32>
    %broadcast_in_dim3A_1199 = vector.broadcast %jit3A_1197 : f32 to vector<512x1xf32>
    %select_n3A_1200 = arith.select %lt3A_1195, %broadcast_in_dim3A_1198, %broadcast_in_dim3A_1199 : vector<512x1xi1>, vector<512x1xf32>
    %reduce_min3A_1201 = arith.constant dense<0x7F800000> : vector<512xf32>
    %reduce_min3A_1202 = vector.multi_reduction <minimumf>, %select_n3A_1189, %reduce_min3A_1201 [1] : vector<512x1024xf32> to vector<512xf32>
    %broadcast_in_dim3A_1203 = vector.shape_cast %reduce_min3A_1202 : vector<512xf32> to vector<512x1xf32>
    %eq3A_1204 = vector.broadcast %broadcast_in_dim3A_1203 : vector<512x1xf32> to vector<512x1024xf32>
    %eq3A_1205 = arith.cmpf oeq, %select_n3A_1189, %eq3A_1204 : vector<512x1024xf32>
    %jit3A_1206 = arith.constant 1.024000e+03 : f32
    %broadcast_in_dim3A_1207 = vector.broadcast %jit3A_1206 : f32 to vector<512x1024xf32>
    %select_n3A_1208 = arith.select %eq3A_1205, %convert_element_type3A, %broadcast_in_dim3A_1207 : vector<512x1024xi1>, vector<512x1024xf32>
    %reduce_min3A_1209 = arith.constant dense<0x7F800000> : vector<512xf32>
    %reduce_min3A_1210 = vector.multi_reduction <minimumf>, %select_n3A_1208, %reduce_min3A_1209 [1] : vector<512x1024xf32> to vector<512xf32>
    %broadcast_in_dim3A_1211 = vector.shape_cast %reduce_min3A_1210 : vector<512xf32> to vector<512x1xf32>
    %eq3A_1212 = vector.broadcast %broadcast_in_dim3A_1211 : vector<512x1xf32> to vector<512x1024xf32>
    %eq3A_1213 = arith.cmpf oeq, %convert_element_type3A, %eq3A_1212 : vector<512x1024xf32>
    %jit3A_1214 = arith.constant 0x7F800000 : f32
    %broadcast_in_dim3A_1215 = vector.broadcast %jit3A_1214 : f32 to vector<512x1024xf32>
    %select_n3A_1216 = arith.select %eq3A_1213, %broadcast_in_dim3A_1215, %select_n3A_1189 : vector<512x1024xi1>, vector<512x1024xf32>
    %convert_element_type3A_1217 = arith.fptosi %broadcast_in_dim3A_1211 : vector<512x1xf32> to vector<512x1xi32>
    %add3A_1218 = vector.broadcast %mul3A_42 : i32 to vector<512x1xi32>
    %add3A_1219 = arith.addi %convert_element_type3A_1217, %add3A_1218 : vector<512x1xi32>
    %lt3A_1220 = arith.constant 0x7F800000 : f32
    %lt3A_1221 = vector.broadcast %lt3A_1220 : f32 to vector<512x1xf32>
    %lt3A_1222 = arith.cmpf olt, %broadcast_in_dim3A_1203, %lt3A_1221 : vector<512x1xf32>
    %jit3A_1223 = arith.constant 1.000000e+00 : f32
    %jit3A_1224 = arith.constant 0.000000e+00 : f32
    %broadcast_in_dim3A_1225 = vector.broadcast %jit3A_1223 : f32 to vector<512x1xf32>
    %broadcast_in_dim3A_1226 = vector.broadcast %jit3A_1224 : f32 to vector<512x1xf32>
    %select_n3A_1227 = arith.select %lt3A_1222, %broadcast_in_dim3A_1225, %broadcast_in_dim3A_1226 : vector<512x1xi1>, vector<512x1xf32>
    %reduce_min3A_1228 = arith.constant dense<0x7F800000> : vector<512xf32>
    %reduce_min3A_1229 = vector.multi_reduction <minimumf>, %select_n3A_1216, %reduce_min3A_1228 [1] : vector<512x1024xf32> to vector<512xf32>
    %broadcast_in_dim3A_1230 = vector.shape_cast %reduce_min3A_1229 : vector<512xf32> to vector<512x1xf32>
    %eq3A_1231 = vector.broadcast %broadcast_in_dim3A_1230 : vector<512x1xf32> to vector<512x1024xf32>
    %eq3A_1232 = arith.cmpf oeq, %select_n3A_1216, %eq3A_1231 : vector<512x1024xf32>
    %jit3A_1233 = arith.constant 1.024000e+03 : f32
    %broadcast_in_dim3A_1234 = vector.broadcast %jit3A_1233 : f32 to vector<512x1024xf32>
    %select_n3A_1235 = arith.select %eq3A_1232, %convert_element_type3A, %broadcast_in_dim3A_1234 : vector<512x1024xi1>, vector<512x1024xf32>
    %reduce_min3A_1236 = arith.constant dense<0x7F800000> : vector<512xf32>
    %reduce_min3A_1237 = vector.multi_reduction <minimumf>, %select_n3A_1235, %reduce_min3A_1236 [1] : vector<512x1024xf32> to vector<512xf32>
    %broadcast_in_dim3A_1238 = vector.shape_cast %reduce_min3A_1237 : vector<512xf32> to vector<512x1xf32>
    %eq3A_1239 = vector.broadcast %broadcast_in_dim3A_1238 : vector<512x1xf32> to vector<512x1024xf32>
    %eq3A_1240 = arith.cmpf oeq, %convert_element_type3A, %eq3A_1239 : vector<512x1024xf32>
    %jit3A_1241 = arith.constant 0x7F800000 : f32
    %broadcast_in_dim3A_1242 = vector.broadcast %jit3A_1241 : f32 to vector<512x1024xf32>
    %select_n3A_1243 = arith.select %eq3A_1240, %broadcast_in_dim3A_1242, %select_n3A_1216 : vector<512x1024xi1>, vector<512x1024xf32>
    %convert_element_type3A_1244 = arith.fptosi %broadcast_in_dim3A_1238 : vector<512x1xf32> to vector<512x1xi32>
    %add3A_1245 = vector.broadcast %mul3A_42 : i32 to vector<512x1xi32>
    %add3A_1246 = arith.addi %convert_element_type3A_1244, %add3A_1245 : vector<512x1xi32>
    %lt3A_1247 = arith.constant 0x7F800000 : f32
    %lt3A_1248 = vector.broadcast %lt3A_1247 : f32 to vector<512x1xf32>
    %lt3A_1249 = arith.cmpf olt, %broadcast_in_dim3A_1230, %lt3A_1248 : vector<512x1xf32>
    %jit3A_1250 = arith.constant 1.000000e+00 : f32
    %jit3A_1251 = arith.constant 0.000000e+00 : f32
    %broadcast_in_dim3A_1252 = vector.broadcast %jit3A_1250 : f32 to vector<512x1xf32>
    %broadcast_in_dim3A_1253 = vector.broadcast %jit3A_1251 : f32 to vector<512x1xf32>
    %select_n3A_1254 = arith.select %lt3A_1249, %broadcast_in_dim3A_1252, %broadcast_in_dim3A_1253 : vector<512x1xi1>, vector<512x1xf32>
    %reduce_min3A_1255 = arith.constant dense<0x7F800000> : vector<512xf32>
    %reduce_min3A_1256 = vector.multi_reduction <minimumf>, %select_n3A_1243, %reduce_min3A_1255 [1] : vector<512x1024xf32> to vector<512xf32>
    %broadcast_in_dim3A_1257 = vector.shape_cast %reduce_min3A_1256 : vector<512xf32> to vector<512x1xf32>
    %eq3A_1258 = vector.broadcast %broadcast_in_dim3A_1257 : vector<512x1xf32> to vector<512x1024xf32>
    %eq3A_1259 = arith.cmpf oeq, %select_n3A_1243, %eq3A_1258 : vector<512x1024xf32>
    %jit3A_1260 = arith.constant 1.024000e+03 : f32
    %broadcast_in_dim3A_1261 = vector.broadcast %jit3A_1260 : f32 to vector<512x1024xf32>
    %select_n3A_1262 = arith.select %eq3A_1259, %convert_element_type3A, %broadcast_in_dim3A_1261 : vector<512x1024xi1>, vector<512x1024xf32>
    %reduce_min3A_1263 = arith.constant dense<0x7F800000> : vector<512xf32>
    %reduce_min3A_1264 = vector.multi_reduction <minimumf>, %select_n3A_1262, %reduce_min3A_1263 [1] : vector<512x1024xf32> to vector<512xf32>
    %broadcast_in_dim3A_1265 = vector.shape_cast %reduce_min3A_1264 : vector<512xf32> to vector<512x1xf32>
    %eq3A_1266 = vector.broadcast %broadcast_in_dim3A_1265 : vector<512x1xf32> to vector<512x1024xf32>
    %eq3A_1267 = arith.cmpf oeq, %convert_element_type3A, %eq3A_1266 : vector<512x1024xf32>
    %jit3A_1268 = arith.constant 0x7F800000 : f32
    %broadcast_in_dim3A_1269 = vector.broadcast %jit3A_1268 : f32 to vector<512x1024xf32>
    %select_n3A_1270 = arith.select %eq3A_1267, %broadcast_in_dim3A_1269, %select_n3A_1243 : vector<512x1024xi1>, vector<512x1024xf32>
    %convert_element_type3A_1271 = arith.fptosi %broadcast_in_dim3A_1265 : vector<512x1xf32> to vector<512x1xi32>
    %add3A_1272 = vector.broadcast %mul3A_42 : i32 to vector<512x1xi32>
    %add3A_1273 = arith.addi %convert_element_type3A_1271, %add3A_1272 : vector<512x1xi32>
    %lt3A_1274 = arith.constant 0x7F800000 : f32
    %lt3A_1275 = vector.broadcast %lt3A_1274 : f32 to vector<512x1xf32>
    %lt3A_1276 = arith.cmpf olt, %broadcast_in_dim3A_1257, %lt3A_1275 : vector<512x1xf32>
    %jit3A_1277 = arith.constant 1.000000e+00 : f32
    %jit3A_1278 = arith.constant 0.000000e+00 : f32
    %broadcast_in_dim3A_1279 = vector.broadcast %jit3A_1277 : f32 to vector<512x1xf32>
    %broadcast_in_dim3A_1280 = vector.broadcast %jit3A_1278 : f32 to vector<512x1xf32>
    %select_n3A_1281 = arith.select %lt3A_1276, %broadcast_in_dim3A_1279, %broadcast_in_dim3A_1280 : vector<512x1xi1>, vector<512x1xf32>
    %reduce_min3A_1282 = arith.constant dense<0x7F800000> : vector<512xf32>
    %reduce_min3A_1283 = vector.multi_reduction <minimumf>, %select_n3A_1270, %reduce_min3A_1282 [1] : vector<512x1024xf32> to vector<512xf32>
    %broadcast_in_dim3A_1284 = vector.shape_cast %reduce_min3A_1283 : vector<512xf32> to vector<512x1xf32>
    %eq3A_1285 = vector.broadcast %broadcast_in_dim3A_1284 : vector<512x1xf32> to vector<512x1024xf32>
    %eq3A_1286 = arith.cmpf oeq, %select_n3A_1270, %eq3A_1285 : vector<512x1024xf32>
    %jit3A_1287 = arith.constant 1.024000e+03 : f32
    %broadcast_in_dim3A_1288 = vector.broadcast %jit3A_1287 : f32 to vector<512x1024xf32>
    %select_n3A_1289 = arith.select %eq3A_1286, %convert_element_type3A, %broadcast_in_dim3A_1288 : vector<512x1024xi1>, vector<512x1024xf32>
    %reduce_min3A_1290 = arith.constant dense<0x7F800000> : vector<512xf32>
    %reduce_min3A_1291 = vector.multi_reduction <minimumf>, %select_n3A_1289, %reduce_min3A_1290 [1] : vector<512x1024xf32> to vector<512xf32>
    %broadcast_in_dim3A_1292 = vector.shape_cast %reduce_min3A_1291 : vector<512xf32> to vector<512x1xf32>
    %eq3A_1293 = vector.broadcast %broadcast_in_dim3A_1292 : vector<512x1xf32> to vector<512x1024xf32>
    %eq3A_1294 = arith.cmpf oeq, %convert_element_type3A, %eq3A_1293 : vector<512x1024xf32>
    %jit3A_1295 = arith.constant 0x7F800000 : f32
    %broadcast_in_dim3A_1296 = vector.broadcast %jit3A_1295 : f32 to vector<512x1024xf32>
    %select_n3A_1297 = arith.select %eq3A_1294, %broadcast_in_dim3A_1296, %select_n3A_1270 : vector<512x1024xi1>, vector<512x1024xf32>
    %convert_element_type3A_1298 = arith.fptosi %broadcast_in_dim3A_1292 : vector<512x1xf32> to vector<512x1xi32>
    %add3A_1299 = vector.broadcast %mul3A_42 : i32 to vector<512x1xi32>
    %add3A_1300 = arith.addi %convert_element_type3A_1298, %add3A_1299 : vector<512x1xi32>
    %lt3A_1301 = arith.constant 0x7F800000 : f32
    %lt3A_1302 = vector.broadcast %lt3A_1301 : f32 to vector<512x1xf32>
    %lt3A_1303 = arith.cmpf olt, %broadcast_in_dim3A_1284, %lt3A_1302 : vector<512x1xf32>
    %jit3A_1304 = arith.constant 1.000000e+00 : f32
    %jit3A_1305 = arith.constant 0.000000e+00 : f32
    %broadcast_in_dim3A_1306 = vector.broadcast %jit3A_1304 : f32 to vector<512x1xf32>
    %broadcast_in_dim3A_1307 = vector.broadcast %jit3A_1305 : f32 to vector<512x1xf32>
    %select_n3A_1308 = arith.select %lt3A_1303, %broadcast_in_dim3A_1306, %broadcast_in_dim3A_1307 : vector<512x1xi1>, vector<512x1xf32>
    %reduce_min3A_1309 = arith.constant dense<0x7F800000> : vector<512xf32>
    %reduce_min3A_1310 = vector.multi_reduction <minimumf>, %select_n3A_1297, %reduce_min3A_1309 [1] : vector<512x1024xf32> to vector<512xf32>
    %broadcast_in_dim3A_1311 = vector.shape_cast %reduce_min3A_1310 : vector<512xf32> to vector<512x1xf32>
    %eq3A_1312 = vector.broadcast %broadcast_in_dim3A_1311 : vector<512x1xf32> to vector<512x1024xf32>
    %eq3A_1313 = arith.cmpf oeq, %select_n3A_1297, %eq3A_1312 : vector<512x1024xf32>
    %jit3A_1314 = arith.constant 1.024000e+03 : f32
    %broadcast_in_dim3A_1315 = vector.broadcast %jit3A_1314 : f32 to vector<512x1024xf32>
    %select_n3A_1316 = arith.select %eq3A_1313, %convert_element_type3A, %broadcast_in_dim3A_1315 : vector<512x1024xi1>, vector<512x1024xf32>
    %reduce_min3A_1317 = arith.constant dense<0x7F800000> : vector<512xf32>
    %reduce_min3A_1318 = vector.multi_reduction <minimumf>, %select_n3A_1316, %reduce_min3A_1317 [1] : vector<512x1024xf32> to vector<512xf32>
    %broadcast_in_dim3A_1319 = vector.shape_cast %reduce_min3A_1318 : vector<512xf32> to vector<512x1xf32>
    %eq3A_1320 = vector.broadcast %broadcast_in_dim3A_1319 : vector<512x1xf32> to vector<512x1024xf32>
    %eq3A_1321 = arith.cmpf oeq, %convert_element_type3A, %eq3A_1320 : vector<512x1024xf32>
    %jit3A_1322 = arith.constant 0x7F800000 : f32
    %broadcast_in_dim3A_1323 = vector.broadcast %jit3A_1322 : f32 to vector<512x1024xf32>
    %select_n3A_1324 = arith.select %eq3A_1321, %broadcast_in_dim3A_1323, %select_n3A_1297 : vector<512x1024xi1>, vector<512x1024xf32>
    %convert_element_type3A_1325 = arith.fptosi %broadcast_in_dim3A_1319 : vector<512x1xf32> to vector<512x1xi32>
    %add3A_1326 = vector.broadcast %mul3A_42 : i32 to vector<512x1xi32>
    %add3A_1327 = arith.addi %convert_element_type3A_1325, %add3A_1326 : vector<512x1xi32>
    %lt3A_1328 = arith.constant 0x7F800000 : f32
    %lt3A_1329 = vector.broadcast %lt3A_1328 : f32 to vector<512x1xf32>
    %lt3A_1330 = arith.cmpf olt, %broadcast_in_dim3A_1311, %lt3A_1329 : vector<512x1xf32>
    %jit3A_1331 = arith.constant 1.000000e+00 : f32
    %jit3A_1332 = arith.constant 0.000000e+00 : f32
    %broadcast_in_dim3A_1333 = vector.broadcast %jit3A_1331 : f32 to vector<512x1xf32>
    %broadcast_in_dim3A_1334 = vector.broadcast %jit3A_1332 : f32 to vector<512x1xf32>
    %select_n3A_1335 = arith.select %lt3A_1330, %broadcast_in_dim3A_1333, %broadcast_in_dim3A_1334 : vector<512x1xi1>, vector<512x1xf32>
    %reduce_min3A_1336 = arith.constant dense<0x7F800000> : vector<512xf32>
    %reduce_min3A_1337 = vector.multi_reduction <minimumf>, %select_n3A_1324, %reduce_min3A_1336 [1] : vector<512x1024xf32> to vector<512xf32>
    %broadcast_in_dim3A_1338 = vector.shape_cast %reduce_min3A_1337 : vector<512xf32> to vector<512x1xf32>
    %eq3A_1339 = vector.broadcast %broadcast_in_dim3A_1338 : vector<512x1xf32> to vector<512x1024xf32>
    %eq3A_1340 = arith.cmpf oeq, %select_n3A_1324, %eq3A_1339 : vector<512x1024xf32>
    %jit3A_1341 = arith.constant 1.024000e+03 : f32
    %broadcast_in_dim3A_1342 = vector.broadcast %jit3A_1341 : f32 to vector<512x1024xf32>
    %select_n3A_1343 = arith.select %eq3A_1340, %convert_element_type3A, %broadcast_in_dim3A_1342 : vector<512x1024xi1>, vector<512x1024xf32>
    %reduce_min3A_1344 = arith.constant dense<0x7F800000> : vector<512xf32>
    %reduce_min3A_1345 = vector.multi_reduction <minimumf>, %select_n3A_1343, %reduce_min3A_1344 [1] : vector<512x1024xf32> to vector<512xf32>
    %broadcast_in_dim3A_1346 = vector.shape_cast %reduce_min3A_1345 : vector<512xf32> to vector<512x1xf32>
    %eq3A_1347 = vector.broadcast %broadcast_in_dim3A_1346 : vector<512x1xf32> to vector<512x1024xf32>
    %eq3A_1348 = arith.cmpf oeq, %convert_element_type3A, %eq3A_1347 : vector<512x1024xf32>
    %jit3A_1349 = arith.constant 0x7F800000 : f32
    %broadcast_in_dim3A_1350 = vector.broadcast %jit3A_1349 : f32 to vector<512x1024xf32>
    %select_n3A_1351 = arith.select %eq3A_1348, %broadcast_in_dim3A_1350, %select_n3A_1324 : vector<512x1024xi1>, vector<512x1024xf32>
    %convert_element_type3A_1352 = arith.fptosi %broadcast_in_dim3A_1346 : vector<512x1xf32> to vector<512x1xi32>
    %add3A_1353 = vector.broadcast %mul3A_42 : i32 to vector<512x1xi32>
    %add3A_1354 = arith.addi %convert_element_type3A_1352, %add3A_1353 : vector<512x1xi32>
    %lt3A_1355 = arith.constant 0x7F800000 : f32
    %lt3A_1356 = vector.broadcast %lt3A_1355 : f32 to vector<512x1xf32>
    %lt3A_1357 = arith.cmpf olt, %broadcast_in_dim3A_1338, %lt3A_1356 : vector<512x1xf32>
    %jit3A_1358 = arith.constant 1.000000e+00 : f32
    %jit3A_1359 = arith.constant 0.000000e+00 : f32
    %broadcast_in_dim3A_1360 = vector.broadcast %jit3A_1358 : f32 to vector<512x1xf32>
    %broadcast_in_dim3A_1361 = vector.broadcast %jit3A_1359 : f32 to vector<512x1xf32>
    %select_n3A_1362 = arith.select %lt3A_1357, %broadcast_in_dim3A_1360, %broadcast_in_dim3A_1361 : vector<512x1xi1>, vector<512x1xf32>
    %reduce_min3A_1363 = arith.constant dense<0x7F800000> : vector<512xf32>
    %reduce_min3A_1364 = vector.multi_reduction <minimumf>, %select_n3A_1351, %reduce_min3A_1363 [1] : vector<512x1024xf32> to vector<512xf32>
    %broadcast_in_dim3A_1365 = vector.shape_cast %reduce_min3A_1364 : vector<512xf32> to vector<512x1xf32>
    %eq3A_1366 = vector.broadcast %broadcast_in_dim3A_1365 : vector<512x1xf32> to vector<512x1024xf32>
    %eq3A_1367 = arith.cmpf oeq, %select_n3A_1351, %eq3A_1366 : vector<512x1024xf32>
    %jit3A_1368 = arith.constant 1.024000e+03 : f32
    %broadcast_in_dim3A_1369 = vector.broadcast %jit3A_1368 : f32 to vector<512x1024xf32>
    %select_n3A_1370 = arith.select %eq3A_1367, %convert_element_type3A, %broadcast_in_dim3A_1369 : vector<512x1024xi1>, vector<512x1024xf32>
    %reduce_min3A_1371 = arith.constant dense<0x7F800000> : vector<512xf32>
    %reduce_min3A_1372 = vector.multi_reduction <minimumf>, %select_n3A_1370, %reduce_min3A_1371 [1] : vector<512x1024xf32> to vector<512xf32>
    %broadcast_in_dim3A_1373 = vector.shape_cast %reduce_min3A_1372 : vector<512xf32> to vector<512x1xf32>
    %eq3A_1374 = vector.broadcast %broadcast_in_dim3A_1373 : vector<512x1xf32> to vector<512x1024xf32>
    %eq3A_1375 = arith.cmpf oeq, %convert_element_type3A, %eq3A_1374 : vector<512x1024xf32>
    %jit3A_1376 = arith.constant 0x7F800000 : f32
    %broadcast_in_dim3A_1377 = vector.broadcast %jit3A_1376 : f32 to vector<512x1024xf32>
    %select_n3A_1378 = arith.select %eq3A_1375, %broadcast_in_dim3A_1377, %select_n3A_1351 : vector<512x1024xi1>, vector<512x1024xf32>
    %convert_element_type3A_1379 = arith.fptosi %broadcast_in_dim3A_1373 : vector<512x1xf32> to vector<512x1xi32>
    %add3A_1380 = vector.broadcast %mul3A_42 : i32 to vector<512x1xi32>
    %add3A_1381 = arith.addi %convert_element_type3A_1379, %add3A_1380 : vector<512x1xi32>
    %lt3A_1382 = arith.constant 0x7F800000 : f32
    %lt3A_1383 = vector.broadcast %lt3A_1382 : f32 to vector<512x1xf32>
    %lt3A_1384 = arith.cmpf olt, %broadcast_in_dim3A_1365, %lt3A_1383 : vector<512x1xf32>
    %jit3A_1385 = arith.constant 1.000000e+00 : f32
    %jit3A_1386 = arith.constant 0.000000e+00 : f32
    %broadcast_in_dim3A_1387 = vector.broadcast %jit3A_1385 : f32 to vector<512x1xf32>
    %broadcast_in_dim3A_1388 = vector.broadcast %jit3A_1386 : f32 to vector<512x1xf32>
    %select_n3A_1389 = arith.select %lt3A_1384, %broadcast_in_dim3A_1387, %broadcast_in_dim3A_1388 : vector<512x1xi1>, vector<512x1xf32>
    %reduce_min3A_1390 = arith.constant dense<0x7F800000> : vector<512xf32>
    %reduce_min3A_1391 = vector.multi_reduction <minimumf>, %select_n3A_1378, %reduce_min3A_1390 [1] : vector<512x1024xf32> to vector<512xf32>
    %broadcast_in_dim3A_1392 = vector.shape_cast %reduce_min3A_1391 : vector<512xf32> to vector<512x1xf32>
    %eq3A_1393 = vector.broadcast %broadcast_in_dim3A_1392 : vector<512x1xf32> to vector<512x1024xf32>
    %eq3A_1394 = arith.cmpf oeq, %select_n3A_1378, %eq3A_1393 : vector<512x1024xf32>
    %jit3A_1395 = arith.constant 1.024000e+03 : f32
    %broadcast_in_dim3A_1396 = vector.broadcast %jit3A_1395 : f32 to vector<512x1024xf32>
    %select_n3A_1397 = arith.select %eq3A_1394, %convert_element_type3A, %broadcast_in_dim3A_1396 : vector<512x1024xi1>, vector<512x1024xf32>
    %reduce_min3A_1398 = arith.constant dense<0x7F800000> : vector<512xf32>
    %reduce_min3A_1399 = vector.multi_reduction <minimumf>, %select_n3A_1397, %reduce_min3A_1398 [1] : vector<512x1024xf32> to vector<512xf32>
    %broadcast_in_dim3A_1400 = vector.shape_cast %reduce_min3A_1399 : vector<512xf32> to vector<512x1xf32>
    %eq3A_1401 = vector.broadcast %broadcast_in_dim3A_1400 : vector<512x1xf32> to vector<512x1024xf32>
    %eq3A_1402 = arith.cmpf oeq, %convert_element_type3A, %eq3A_1401 : vector<512x1024xf32>
    %jit3A_1403 = arith.constant 0x7F800000 : f32
    %broadcast_in_dim3A_1404 = vector.broadcast %jit3A_1403 : f32 to vector<512x1024xf32>
    %select_n3A_1405 = arith.select %eq3A_1402, %broadcast_in_dim3A_1404, %select_n3A_1378 : vector<512x1024xi1>, vector<512x1024xf32>
    %convert_element_type3A_1406 = arith.fptosi %broadcast_in_dim3A_1400 : vector<512x1xf32> to vector<512x1xi32>
    %add3A_1407 = vector.broadcast %mul3A_42 : i32 to vector<512x1xi32>
    %add3A_1408 = arith.addi %convert_element_type3A_1406, %add3A_1407 : vector<512x1xi32>
    %lt3A_1409 = arith.constant 0x7F800000 : f32
    %lt3A_1410 = vector.broadcast %lt3A_1409 : f32 to vector<512x1xf32>
    %lt3A_1411 = arith.cmpf olt, %broadcast_in_dim3A_1392, %lt3A_1410 : vector<512x1xf32>
    %jit3A_1412 = arith.constant 1.000000e+00 : f32
    %jit3A_1413 = arith.constant 0.000000e+00 : f32
    %broadcast_in_dim3A_1414 = vector.broadcast %jit3A_1412 : f32 to vector<512x1xf32>
    %broadcast_in_dim3A_1415 = vector.broadcast %jit3A_1413 : f32 to vector<512x1xf32>
    %select_n3A_1416 = arith.select %lt3A_1411, %broadcast_in_dim3A_1414, %broadcast_in_dim3A_1415 : vector<512x1xi1>, vector<512x1xf32>
    %reduce_min3A_1417 = arith.constant dense<0x7F800000> : vector<512xf32>
    %reduce_min3A_1418 = vector.multi_reduction <minimumf>, %select_n3A_1405, %reduce_min3A_1417 [1] : vector<512x1024xf32> to vector<512xf32>
    %broadcast_in_dim3A_1419 = vector.shape_cast %reduce_min3A_1418 : vector<512xf32> to vector<512x1xf32>
    %eq3A_1420 = vector.broadcast %broadcast_in_dim3A_1419 : vector<512x1xf32> to vector<512x1024xf32>
    %eq3A_1421 = arith.cmpf oeq, %select_n3A_1405, %eq3A_1420 : vector<512x1024xf32>
    %jit3A_1422 = arith.constant 1.024000e+03 : f32
    %broadcast_in_dim3A_1423 = vector.broadcast %jit3A_1422 : f32 to vector<512x1024xf32>
    %select_n3A_1424 = arith.select %eq3A_1421, %convert_element_type3A, %broadcast_in_dim3A_1423 : vector<512x1024xi1>, vector<512x1024xf32>
    %reduce_min3A_1425 = arith.constant dense<0x7F800000> : vector<512xf32>
    %reduce_min3A_1426 = vector.multi_reduction <minimumf>, %select_n3A_1424, %reduce_min3A_1425 [1] : vector<512x1024xf32> to vector<512xf32>
    %broadcast_in_dim3A_1427 = vector.shape_cast %reduce_min3A_1426 : vector<512xf32> to vector<512x1xf32>
    %eq3A_1428 = vector.broadcast %broadcast_in_dim3A_1427 : vector<512x1xf32> to vector<512x1024xf32>
    %eq3A_1429 = arith.cmpf oeq, %convert_element_type3A, %eq3A_1428 : vector<512x1024xf32>
    %jit3A_1430 = arith.constant 0x7F800000 : f32
    %broadcast_in_dim3A_1431 = vector.broadcast %jit3A_1430 : f32 to vector<512x1024xf32>
    %select_n3A_1432 = arith.select %eq3A_1429, %broadcast_in_dim3A_1431, %select_n3A_1405 : vector<512x1024xi1>, vector<512x1024xf32>
    %convert_element_type3A_1433 = arith.fptosi %broadcast_in_dim3A_1427 : vector<512x1xf32> to vector<512x1xi32>
    %add3A_1434 = vector.broadcast %mul3A_42 : i32 to vector<512x1xi32>
    %add3A_1435 = arith.addi %convert_element_type3A_1433, %add3A_1434 : vector<512x1xi32>
    %lt3A_1436 = arith.constant 0x7F800000 : f32
    %lt3A_1437 = vector.broadcast %lt3A_1436 : f32 to vector<512x1xf32>
    %lt3A_1438 = arith.cmpf olt, %broadcast_in_dim3A_1419, %lt3A_1437 : vector<512x1xf32>
    %jit3A_1439 = arith.constant 1.000000e+00 : f32
    %jit3A_1440 = arith.constant 0.000000e+00 : f32
    %broadcast_in_dim3A_1441 = vector.broadcast %jit3A_1439 : f32 to vector<512x1xf32>
    %broadcast_in_dim3A_1442 = vector.broadcast %jit3A_1440 : f32 to vector<512x1xf32>
    %select_n3A_1443 = arith.select %lt3A_1438, %broadcast_in_dim3A_1441, %broadcast_in_dim3A_1442 : vector<512x1xi1>, vector<512x1xf32>
    %reduce_min3A_1444 = arith.constant dense<0x7F800000> : vector<512xf32>
    %reduce_min3A_1445 = vector.multi_reduction <minimumf>, %select_n3A_1432, %reduce_min3A_1444 [1] : vector<512x1024xf32> to vector<512xf32>
    %broadcast_in_dim3A_1446 = vector.shape_cast %reduce_min3A_1445 : vector<512xf32> to vector<512x1xf32>
    %eq3A_1447 = vector.broadcast %broadcast_in_dim3A_1446 : vector<512x1xf32> to vector<512x1024xf32>
    %eq3A_1448 = arith.cmpf oeq, %select_n3A_1432, %eq3A_1447 : vector<512x1024xf32>
    %jit3A_1449 = arith.constant 1.024000e+03 : f32
    %broadcast_in_dim3A_1450 = vector.broadcast %jit3A_1449 : f32 to vector<512x1024xf32>
    %select_n3A_1451 = arith.select %eq3A_1448, %convert_element_type3A, %broadcast_in_dim3A_1450 : vector<512x1024xi1>, vector<512x1024xf32>
    %reduce_min3A_1452 = arith.constant dense<0x7F800000> : vector<512xf32>
    %reduce_min3A_1453 = vector.multi_reduction <minimumf>, %select_n3A_1451, %reduce_min3A_1452 [1] : vector<512x1024xf32> to vector<512xf32>
    %broadcast_in_dim3A_1454 = vector.shape_cast %reduce_min3A_1453 : vector<512xf32> to vector<512x1xf32>
    %eq3A_1455 = vector.broadcast %broadcast_in_dim3A_1454 : vector<512x1xf32> to vector<512x1024xf32>
    %eq3A_1456 = arith.cmpf oeq, %convert_element_type3A, %eq3A_1455 : vector<512x1024xf32>
    %jit3A_1457 = arith.constant 0x7F800000 : f32
    %broadcast_in_dim3A_1458 = vector.broadcast %jit3A_1457 : f32 to vector<512x1024xf32>
    %select_n3A_1459 = arith.select %eq3A_1456, %broadcast_in_dim3A_1458, %select_n3A_1432 : vector<512x1024xi1>, vector<512x1024xf32>
    %convert_element_type3A_1460 = arith.fptosi %broadcast_in_dim3A_1454 : vector<512x1xf32> to vector<512x1xi32>
    %add3A_1461 = vector.broadcast %mul3A_42 : i32 to vector<512x1xi32>
    %add3A_1462 = arith.addi %convert_element_type3A_1460, %add3A_1461 : vector<512x1xi32>
    %lt3A_1463 = arith.constant 0x7F800000 : f32
    %lt3A_1464 = vector.broadcast %lt3A_1463 : f32 to vector<512x1xf32>
    %lt3A_1465 = arith.cmpf olt, %broadcast_in_dim3A_1446, %lt3A_1464 : vector<512x1xf32>
    %jit3A_1466 = arith.constant 1.000000e+00 : f32
    %jit3A_1467 = arith.constant 0.000000e+00 : f32
    %broadcast_in_dim3A_1468 = vector.broadcast %jit3A_1466 : f32 to vector<512x1xf32>
    %broadcast_in_dim3A_1469 = vector.broadcast %jit3A_1467 : f32 to vector<512x1xf32>
    %select_n3A_1470 = arith.select %lt3A_1465, %broadcast_in_dim3A_1468, %broadcast_in_dim3A_1469 : vector<512x1xi1>, vector<512x1xf32>
    %reduce_min3A_1471 = arith.constant dense<0x7F800000> : vector<512xf32>
    %reduce_min3A_1472 = vector.multi_reduction <minimumf>, %select_n3A_1459, %reduce_min3A_1471 [1] : vector<512x1024xf32> to vector<512xf32>
    %broadcast_in_dim3A_1473 = vector.shape_cast %reduce_min3A_1472 : vector<512xf32> to vector<512x1xf32>
    %eq3A_1474 = vector.broadcast %broadcast_in_dim3A_1473 : vector<512x1xf32> to vector<512x1024xf32>
    %eq3A_1475 = arith.cmpf oeq, %select_n3A_1459, %eq3A_1474 : vector<512x1024xf32>
    %jit3A_1476 = arith.constant 1.024000e+03 : f32
    %broadcast_in_dim3A_1477 = vector.broadcast %jit3A_1476 : f32 to vector<512x1024xf32>
    %select_n3A_1478 = arith.select %eq3A_1475, %convert_element_type3A, %broadcast_in_dim3A_1477 : vector<512x1024xi1>, vector<512x1024xf32>
    %reduce_min3A_1479 = arith.constant dense<0x7F800000> : vector<512xf32>
    %reduce_min3A_1480 = vector.multi_reduction <minimumf>, %select_n3A_1478, %reduce_min3A_1479 [1] : vector<512x1024xf32> to vector<512xf32>
    %broadcast_in_dim3A_1481 = vector.shape_cast %reduce_min3A_1480 : vector<512xf32> to vector<512x1xf32>
    %eq3A_1482 = vector.broadcast %broadcast_in_dim3A_1481 : vector<512x1xf32> to vector<512x1024xf32>
    %eq3A_1483 = arith.cmpf oeq, %convert_element_type3A, %eq3A_1482 : vector<512x1024xf32>
    %jit3A_1484 = arith.constant 0x7F800000 : f32
    %broadcast_in_dim3A_1485 = vector.broadcast %jit3A_1484 : f32 to vector<512x1024xf32>
    %select_n3A_1486 = arith.select %eq3A_1483, %broadcast_in_dim3A_1485, %select_n3A_1459 : vector<512x1024xi1>, vector<512x1024xf32>
    %convert_element_type3A_1487 = arith.fptosi %broadcast_in_dim3A_1481 : vector<512x1xf32> to vector<512x1xi32>
    %add3A_1488 = vector.broadcast %mul3A_42 : i32 to vector<512x1xi32>
    %add3A_1489 = arith.addi %convert_element_type3A_1487, %add3A_1488 : vector<512x1xi32>
    %lt3A_1490 = arith.constant 0x7F800000 : f32
    %lt3A_1491 = vector.broadcast %lt3A_1490 : f32 to vector<512x1xf32>
    %lt3A_1492 = arith.cmpf olt, %broadcast_in_dim3A_1473, %lt3A_1491 : vector<512x1xf32>
    %jit3A_1493 = arith.constant 1.000000e+00 : f32
    %jit3A_1494 = arith.constant 0.000000e+00 : f32
    %broadcast_in_dim3A_1495 = vector.broadcast %jit3A_1493 : f32 to vector<512x1xf32>
    %broadcast_in_dim3A_1496 = vector.broadcast %jit3A_1494 : f32 to vector<512x1xf32>
    %select_n3A_1497 = arith.select %lt3A_1492, %broadcast_in_dim3A_1495, %broadcast_in_dim3A_1496 : vector<512x1xi1>, vector<512x1xf32>
    %reduce_min3A_1498 = arith.constant dense<0x7F800000> : vector<512xf32>
    %reduce_min3A_1499 = vector.multi_reduction <minimumf>, %select_n3A_1486, %reduce_min3A_1498 [1] : vector<512x1024xf32> to vector<512xf32>
    %broadcast_in_dim3A_1500 = vector.shape_cast %reduce_min3A_1499 : vector<512xf32> to vector<512x1xf32>
    %eq3A_1501 = vector.broadcast %broadcast_in_dim3A_1500 : vector<512x1xf32> to vector<512x1024xf32>
    %eq3A_1502 = arith.cmpf oeq, %select_n3A_1486, %eq3A_1501 : vector<512x1024xf32>
    %jit3A_1503 = arith.constant 1.024000e+03 : f32
    %broadcast_in_dim3A_1504 = vector.broadcast %jit3A_1503 : f32 to vector<512x1024xf32>
    %select_n3A_1505 = arith.select %eq3A_1502, %convert_element_type3A, %broadcast_in_dim3A_1504 : vector<512x1024xi1>, vector<512x1024xf32>
    %reduce_min3A_1506 = arith.constant dense<0x7F800000> : vector<512xf32>
    %reduce_min3A_1507 = vector.multi_reduction <minimumf>, %select_n3A_1505, %reduce_min3A_1506 [1] : vector<512x1024xf32> to vector<512xf32>
    %broadcast_in_dim3A_1508 = vector.shape_cast %reduce_min3A_1507 : vector<512xf32> to vector<512x1xf32>
    %eq3A_1509 = vector.broadcast %broadcast_in_dim3A_1508 : vector<512x1xf32> to vector<512x1024xf32>
    %eq3A_1510 = arith.cmpf oeq, %convert_element_type3A, %eq3A_1509 : vector<512x1024xf32>
    %jit3A_1511 = arith.constant 0x7F800000 : f32
    %broadcast_in_dim3A_1512 = vector.broadcast %jit3A_1511 : f32 to vector<512x1024xf32>
    %select_n3A_1513 = arith.select %eq3A_1510, %broadcast_in_dim3A_1512, %select_n3A_1486 : vector<512x1024xi1>, vector<512x1024xf32>
    %convert_element_type3A_1514 = arith.fptosi %broadcast_in_dim3A_1508 : vector<512x1xf32> to vector<512x1xi32>
    %add3A_1515 = vector.broadcast %mul3A_42 : i32 to vector<512x1xi32>
    %add3A_1516 = arith.addi %convert_element_type3A_1514, %add3A_1515 : vector<512x1xi32>
    %lt3A_1517 = arith.constant 0x7F800000 : f32
    %lt3A_1518 = vector.broadcast %lt3A_1517 : f32 to vector<512x1xf32>
    %lt3A_1519 = arith.cmpf olt, %broadcast_in_dim3A_1500, %lt3A_1518 : vector<512x1xf32>
    %jit3A_1520 = arith.constant 1.000000e+00 : f32
    %jit3A_1521 = arith.constant 0.000000e+00 : f32
    %broadcast_in_dim3A_1522 = vector.broadcast %jit3A_1520 : f32 to vector<512x1xf32>
    %broadcast_in_dim3A_1523 = vector.broadcast %jit3A_1521 : f32 to vector<512x1xf32>
    %select_n3A_1524 = arith.select %lt3A_1519, %broadcast_in_dim3A_1522, %broadcast_in_dim3A_1523 : vector<512x1xi1>, vector<512x1xf32>
    %reduce_min3A_1525 = arith.constant dense<0x7F800000> : vector<512xf32>
    %reduce_min3A_1526 = vector.multi_reduction <minimumf>, %select_n3A_1513, %reduce_min3A_1525 [1] : vector<512x1024xf32> to vector<512xf32>
    %broadcast_in_dim3A_1527 = vector.shape_cast %reduce_min3A_1526 : vector<512xf32> to vector<512x1xf32>
    %eq3A_1528 = vector.broadcast %broadcast_in_dim3A_1527 : vector<512x1xf32> to vector<512x1024xf32>
    %eq3A_1529 = arith.cmpf oeq, %select_n3A_1513, %eq3A_1528 : vector<512x1024xf32>
    %jit3A_1530 = arith.constant 1.024000e+03 : f32
    %broadcast_in_dim3A_1531 = vector.broadcast %jit3A_1530 : f32 to vector<512x1024xf32>
    %select_n3A_1532 = arith.select %eq3A_1529, %convert_element_type3A, %broadcast_in_dim3A_1531 : vector<512x1024xi1>, vector<512x1024xf32>
    %reduce_min3A_1533 = arith.constant dense<0x7F800000> : vector<512xf32>
    %reduce_min3A_1534 = vector.multi_reduction <minimumf>, %select_n3A_1532, %reduce_min3A_1533 [1] : vector<512x1024xf32> to vector<512xf32>
    %broadcast_in_dim3A_1535 = vector.shape_cast %reduce_min3A_1534 : vector<512xf32> to vector<512x1xf32>
    %eq3A_1536 = vector.broadcast %broadcast_in_dim3A_1535 : vector<512x1xf32> to vector<512x1024xf32>
    %eq3A_1537 = arith.cmpf oeq, %convert_element_type3A, %eq3A_1536 : vector<512x1024xf32>
    %jit3A_1538 = arith.constant 0x7F800000 : f32
    %broadcast_in_dim3A_1539 = vector.broadcast %jit3A_1538 : f32 to vector<512x1024xf32>
    %select_n3A_1540 = arith.select %eq3A_1537, %broadcast_in_dim3A_1539, %select_n3A_1513 : vector<512x1024xi1>, vector<512x1024xf32>
    %convert_element_type3A_1541 = arith.fptosi %broadcast_in_dim3A_1535 : vector<512x1xf32> to vector<512x1xi32>
    %add3A_1542 = vector.broadcast %mul3A_42 : i32 to vector<512x1xi32>
    %add3A_1543 = arith.addi %convert_element_type3A_1541, %add3A_1542 : vector<512x1xi32>
    %lt3A_1544 = arith.constant 0x7F800000 : f32
    %lt3A_1545 = vector.broadcast %lt3A_1544 : f32 to vector<512x1xf32>
    %lt3A_1546 = arith.cmpf olt, %broadcast_in_dim3A_1527, %lt3A_1545 : vector<512x1xf32>
    %jit3A_1547 = arith.constant 1.000000e+00 : f32
    %jit3A_1548 = arith.constant 0.000000e+00 : f32
    %broadcast_in_dim3A_1549 = vector.broadcast %jit3A_1547 : f32 to vector<512x1xf32>
    %broadcast_in_dim3A_1550 = vector.broadcast %jit3A_1548 : f32 to vector<512x1xf32>
    %select_n3A_1551 = arith.select %lt3A_1546, %broadcast_in_dim3A_1549, %broadcast_in_dim3A_1550 : vector<512x1xi1>, vector<512x1xf32>
    %reduce_min3A_1552 = arith.constant dense<0x7F800000> : vector<512xf32>
    %reduce_min3A_1553 = vector.multi_reduction <minimumf>, %select_n3A_1540, %reduce_min3A_1552 [1] : vector<512x1024xf32> to vector<512xf32>
    %broadcast_in_dim3A_1554 = vector.shape_cast %reduce_min3A_1553 : vector<512xf32> to vector<512x1xf32>
    %eq3A_1555 = vector.broadcast %broadcast_in_dim3A_1554 : vector<512x1xf32> to vector<512x1024xf32>
    %eq3A_1556 = arith.cmpf oeq, %select_n3A_1540, %eq3A_1555 : vector<512x1024xf32>
    %jit3A_1557 = arith.constant 1.024000e+03 : f32
    %broadcast_in_dim3A_1558 = vector.broadcast %jit3A_1557 : f32 to vector<512x1024xf32>
    %select_n3A_1559 = arith.select %eq3A_1556, %convert_element_type3A, %broadcast_in_dim3A_1558 : vector<512x1024xi1>, vector<512x1024xf32>
    %reduce_min3A_1560 = arith.constant dense<0x7F800000> : vector<512xf32>
    %reduce_min3A_1561 = vector.multi_reduction <minimumf>, %select_n3A_1559, %reduce_min3A_1560 [1] : vector<512x1024xf32> to vector<512xf32>
    %broadcast_in_dim3A_1562 = vector.shape_cast %reduce_min3A_1561 : vector<512xf32> to vector<512x1xf32>
    %eq3A_1563 = vector.broadcast %broadcast_in_dim3A_1562 : vector<512x1xf32> to vector<512x1024xf32>
    %eq3A_1564 = arith.cmpf oeq, %convert_element_type3A, %eq3A_1563 : vector<512x1024xf32>
    %jit3A_1565 = arith.constant 0x7F800000 : f32
    %broadcast_in_dim3A_1566 = vector.broadcast %jit3A_1565 : f32 to vector<512x1024xf32>
    %select_n3A_1567 = arith.select %eq3A_1564, %broadcast_in_dim3A_1566, %select_n3A_1540 : vector<512x1024xi1>, vector<512x1024xf32>
    %convert_element_type3A_1568 = arith.fptosi %broadcast_in_dim3A_1562 : vector<512x1xf32> to vector<512x1xi32>
    %add3A_1569 = vector.broadcast %mul3A_42 : i32 to vector<512x1xi32>
    %add3A_1570 = arith.addi %convert_element_type3A_1568, %add3A_1569 : vector<512x1xi32>
    %lt3A_1571 = arith.constant 0x7F800000 : f32
    %lt3A_1572 = vector.broadcast %lt3A_1571 : f32 to vector<512x1xf32>
    %lt3A_1573 = arith.cmpf olt, %broadcast_in_dim3A_1554, %lt3A_1572 : vector<512x1xf32>
    %jit3A_1574 = arith.constant 1.000000e+00 : f32
    %jit3A_1575 = arith.constant 0.000000e+00 : f32
    %broadcast_in_dim3A_1576 = vector.broadcast %jit3A_1574 : f32 to vector<512x1xf32>
    %broadcast_in_dim3A_1577 = vector.broadcast %jit3A_1575 : f32 to vector<512x1xf32>
    %select_n3A_1578 = arith.select %lt3A_1573, %broadcast_in_dim3A_1576, %broadcast_in_dim3A_1577 : vector<512x1xi1>, vector<512x1xf32>
    %reduce_min3A_1579 = arith.constant dense<0x7F800000> : vector<512xf32>
    %reduce_min3A_1580 = vector.multi_reduction <minimumf>, %select_n3A_1567, %reduce_min3A_1579 [1] : vector<512x1024xf32> to vector<512xf32>
    %broadcast_in_dim3A_1581 = vector.shape_cast %reduce_min3A_1580 : vector<512xf32> to vector<512x1xf32>
    %eq3A_1582 = vector.broadcast %broadcast_in_dim3A_1581 : vector<512x1xf32> to vector<512x1024xf32>
    %eq3A_1583 = arith.cmpf oeq, %select_n3A_1567, %eq3A_1582 : vector<512x1024xf32>
    %jit3A_1584 = arith.constant 1.024000e+03 : f32
    %broadcast_in_dim3A_1585 = vector.broadcast %jit3A_1584 : f32 to vector<512x1024xf32>
    %select_n3A_1586 = arith.select %eq3A_1583, %convert_element_type3A, %broadcast_in_dim3A_1585 : vector<512x1024xi1>, vector<512x1024xf32>
    %reduce_min3A_1587 = arith.constant dense<0x7F800000> : vector<512xf32>
    %reduce_min3A_1588 = vector.multi_reduction <minimumf>, %select_n3A_1586, %reduce_min3A_1587 [1] : vector<512x1024xf32> to vector<512xf32>
    %broadcast_in_dim3A_1589 = vector.shape_cast %reduce_min3A_1588 : vector<512xf32> to vector<512x1xf32>
    %eq3A_1590 = vector.broadcast %broadcast_in_dim3A_1589 : vector<512x1xf32> to vector<512x1024xf32>
    %eq3A_1591 = arith.cmpf oeq, %convert_element_type3A, %eq3A_1590 : vector<512x1024xf32>
    %jit3A_1592 = arith.constant 0x7F800000 : f32
    %broadcast_in_dim3A_1593 = vector.broadcast %jit3A_1592 : f32 to vector<512x1024xf32>
    %select_n3A_1594 = arith.select %eq3A_1591, %broadcast_in_dim3A_1593, %select_n3A_1567 : vector<512x1024xi1>, vector<512x1024xf32>
    %convert_element_type3A_1595 = arith.fptosi %broadcast_in_dim3A_1589 : vector<512x1xf32> to vector<512x1xi32>
    %add3A_1596 = vector.broadcast %mul3A_42 : i32 to vector<512x1xi32>
    %add3A_1597 = arith.addi %convert_element_type3A_1595, %add3A_1596 : vector<512x1xi32>
    %lt3A_1598 = arith.constant 0x7F800000 : f32
    %lt3A_1599 = vector.broadcast %lt3A_1598 : f32 to vector<512x1xf32>
    %lt3A_1600 = arith.cmpf olt, %broadcast_in_dim3A_1581, %lt3A_1599 : vector<512x1xf32>
    %jit3A_1601 = arith.constant 1.000000e+00 : f32
    %jit3A_1602 = arith.constant 0.000000e+00 : f32
    %broadcast_in_dim3A_1603 = vector.broadcast %jit3A_1601 : f32 to vector<512x1xf32>
    %broadcast_in_dim3A_1604 = vector.broadcast %jit3A_1602 : f32 to vector<512x1xf32>
    %select_n3A_1605 = arith.select %lt3A_1600, %broadcast_in_dim3A_1603, %broadcast_in_dim3A_1604 : vector<512x1xi1>, vector<512x1xf32>
    %reduce_min3A_1606 = arith.constant dense<0x7F800000> : vector<512xf32>
    %reduce_min3A_1607 = vector.multi_reduction <minimumf>, %select_n3A_1594, %reduce_min3A_1606 [1] : vector<512x1024xf32> to vector<512xf32>
    %broadcast_in_dim3A_1608 = vector.shape_cast %reduce_min3A_1607 : vector<512xf32> to vector<512x1xf32>
    %eq3A_1609 = vector.broadcast %broadcast_in_dim3A_1608 : vector<512x1xf32> to vector<512x1024xf32>
    %eq3A_1610 = arith.cmpf oeq, %select_n3A_1594, %eq3A_1609 : vector<512x1024xf32>
    %jit3A_1611 = arith.constant 1.024000e+03 : f32
    %broadcast_in_dim3A_1612 = vector.broadcast %jit3A_1611 : f32 to vector<512x1024xf32>
    %select_n3A_1613 = arith.select %eq3A_1610, %convert_element_type3A, %broadcast_in_dim3A_1612 : vector<512x1024xi1>, vector<512x1024xf32>
    %reduce_min3A_1614 = arith.constant dense<0x7F800000> : vector<512xf32>
    %reduce_min3A_1615 = vector.multi_reduction <minimumf>, %select_n3A_1613, %reduce_min3A_1614 [1] : vector<512x1024xf32> to vector<512xf32>
    %broadcast_in_dim3A_1616 = vector.shape_cast %reduce_min3A_1615 : vector<512xf32> to vector<512x1xf32>
    %eq3A_1617 = vector.broadcast %broadcast_in_dim3A_1616 : vector<512x1xf32> to vector<512x1024xf32>
    %eq3A_1618 = arith.cmpf oeq, %convert_element_type3A, %eq3A_1617 : vector<512x1024xf32>
    %jit3A_1619 = arith.constant 0x7F800000 : f32
    %broadcast_in_dim3A_1620 = vector.broadcast %jit3A_1619 : f32 to vector<512x1024xf32>
    %select_n3A_1621 = arith.select %eq3A_1618, %broadcast_in_dim3A_1620, %select_n3A_1594 : vector<512x1024xi1>, vector<512x1024xf32>
    %convert_element_type3A_1622 = arith.fptosi %broadcast_in_dim3A_1616 : vector<512x1xf32> to vector<512x1xi32>
    %add3A_1623 = vector.broadcast %mul3A_42 : i32 to vector<512x1xi32>
    %add3A_1624 = arith.addi %convert_element_type3A_1622, %add3A_1623 : vector<512x1xi32>
    %lt3A_1625 = arith.constant 0x7F800000 : f32
    %lt3A_1626 = vector.broadcast %lt3A_1625 : f32 to vector<512x1xf32>
    %lt3A_1627 = arith.cmpf olt, %broadcast_in_dim3A_1608, %lt3A_1626 : vector<512x1xf32>
    %jit3A_1628 = arith.constant 1.000000e+00 : f32
    %jit3A_1629 = arith.constant 0.000000e+00 : f32
    %broadcast_in_dim3A_1630 = vector.broadcast %jit3A_1628 : f32 to vector<512x1xf32>
    %broadcast_in_dim3A_1631 = vector.broadcast %jit3A_1629 : f32 to vector<512x1xf32>
    %select_n3A_1632 = arith.select %lt3A_1627, %broadcast_in_dim3A_1630, %broadcast_in_dim3A_1631 : vector<512x1xi1>, vector<512x1xf32>
    %reduce_min3A_1633 = arith.constant dense<0x7F800000> : vector<512xf32>
    %reduce_min3A_1634 = vector.multi_reduction <minimumf>, %select_n3A_1621, %reduce_min3A_1633 [1] : vector<512x1024xf32> to vector<512xf32>
    %broadcast_in_dim3A_1635 = vector.shape_cast %reduce_min3A_1634 : vector<512xf32> to vector<512x1xf32>
    %eq3A_1636 = vector.broadcast %broadcast_in_dim3A_1635 : vector<512x1xf32> to vector<512x1024xf32>
    %eq3A_1637 = arith.cmpf oeq, %select_n3A_1621, %eq3A_1636 : vector<512x1024xf32>
    %jit3A_1638 = arith.constant 1.024000e+03 : f32
    %broadcast_in_dim3A_1639 = vector.broadcast %jit3A_1638 : f32 to vector<512x1024xf32>
    %select_n3A_1640 = arith.select %eq3A_1637, %convert_element_type3A, %broadcast_in_dim3A_1639 : vector<512x1024xi1>, vector<512x1024xf32>
    %reduce_min3A_1641 = arith.constant dense<0x7F800000> : vector<512xf32>
    %reduce_min3A_1642 = vector.multi_reduction <minimumf>, %select_n3A_1640, %reduce_min3A_1641 [1] : vector<512x1024xf32> to vector<512xf32>
    %broadcast_in_dim3A_1643 = vector.shape_cast %reduce_min3A_1642 : vector<512xf32> to vector<512x1xf32>
    %eq3A_1644 = vector.broadcast %broadcast_in_dim3A_1643 : vector<512x1xf32> to vector<512x1024xf32>
    %eq3A_1645 = arith.cmpf oeq, %convert_element_type3A, %eq3A_1644 : vector<512x1024xf32>
    %jit3A_1646 = arith.constant 0x7F800000 : f32
    %broadcast_in_dim3A_1647 = vector.broadcast %jit3A_1646 : f32 to vector<512x1024xf32>
    %select_n3A_1648 = arith.select %eq3A_1645, %broadcast_in_dim3A_1647, %select_n3A_1621 : vector<512x1024xi1>, vector<512x1024xf32>
    %convert_element_type3A_1649 = arith.fptosi %broadcast_in_dim3A_1643 : vector<512x1xf32> to vector<512x1xi32>
    %add3A_1650 = vector.broadcast %mul3A_42 : i32 to vector<512x1xi32>
    %add3A_1651 = arith.addi %convert_element_type3A_1649, %add3A_1650 : vector<512x1xi32>
    %lt3A_1652 = arith.constant 0x7F800000 : f32
    %lt3A_1653 = vector.broadcast %lt3A_1652 : f32 to vector<512x1xf32>
    %lt3A_1654 = arith.cmpf olt, %broadcast_in_dim3A_1635, %lt3A_1653 : vector<512x1xf32>
    %jit3A_1655 = arith.constant 1.000000e+00 : f32
    %jit3A_1656 = arith.constant 0.000000e+00 : f32
    %broadcast_in_dim3A_1657 = vector.broadcast %jit3A_1655 : f32 to vector<512x1xf32>
    %broadcast_in_dim3A_1658 = vector.broadcast %jit3A_1656 : f32 to vector<512x1xf32>
    %select_n3A_1659 = arith.select %lt3A_1654, %broadcast_in_dim3A_1657, %broadcast_in_dim3A_1658 : vector<512x1xi1>, vector<512x1xf32>
    %reduce_min3A_1660 = arith.constant dense<0x7F800000> : vector<512xf32>
    %reduce_min3A_1661 = vector.multi_reduction <minimumf>, %select_n3A_1648, %reduce_min3A_1660 [1] : vector<512x1024xf32> to vector<512xf32>
    %broadcast_in_dim3A_1662 = vector.shape_cast %reduce_min3A_1661 : vector<512xf32> to vector<512x1xf32>
    %eq3A_1663 = vector.broadcast %broadcast_in_dim3A_1662 : vector<512x1xf32> to vector<512x1024xf32>
    %eq3A_1664 = arith.cmpf oeq, %select_n3A_1648, %eq3A_1663 : vector<512x1024xf32>
    %jit3A_1665 = arith.constant 1.024000e+03 : f32
    %broadcast_in_dim3A_1666 = vector.broadcast %jit3A_1665 : f32 to vector<512x1024xf32>
    %select_n3A_1667 = arith.select %eq3A_1664, %convert_element_type3A, %broadcast_in_dim3A_1666 : vector<512x1024xi1>, vector<512x1024xf32>
    %reduce_min3A_1668 = arith.constant dense<0x7F800000> : vector<512xf32>
    %reduce_min3A_1669 = vector.multi_reduction <minimumf>, %select_n3A_1667, %reduce_min3A_1668 [1] : vector<512x1024xf32> to vector<512xf32>
    %broadcast_in_dim3A_1670 = vector.shape_cast %reduce_min3A_1669 : vector<512xf32> to vector<512x1xf32>
    %eq3A_1671 = vector.broadcast %broadcast_in_dim3A_1670 : vector<512x1xf32> to vector<512x1024xf32>
    %eq3A_1672 = arith.cmpf oeq, %convert_element_type3A, %eq3A_1671 : vector<512x1024xf32>
    %jit3A_1673 = arith.constant 0x7F800000 : f32
    %broadcast_in_dim3A_1674 = vector.broadcast %jit3A_1673 : f32 to vector<512x1024xf32>
    %select_n3A_1675 = arith.select %eq3A_1672, %broadcast_in_dim3A_1674, %select_n3A_1648 : vector<512x1024xi1>, vector<512x1024xf32>
    %convert_element_type3A_1676 = arith.fptosi %broadcast_in_dim3A_1670 : vector<512x1xf32> to vector<512x1xi32>
    %add3A_1677 = vector.broadcast %mul3A_42 : i32 to vector<512x1xi32>
    %add3A_1678 = arith.addi %convert_element_type3A_1676, %add3A_1677 : vector<512x1xi32>
    %lt3A_1679 = arith.constant 0x7F800000 : f32
    %lt3A_1680 = vector.broadcast %lt3A_1679 : f32 to vector<512x1xf32>
    %lt3A_1681 = arith.cmpf olt, %broadcast_in_dim3A_1662, %lt3A_1680 : vector<512x1xf32>
    %jit3A_1682 = arith.constant 1.000000e+00 : f32
    %jit3A_1683 = arith.constant 0.000000e+00 : f32
    %broadcast_in_dim3A_1684 = vector.broadcast %jit3A_1682 : f32 to vector<512x1xf32>
    %broadcast_in_dim3A_1685 = vector.broadcast %jit3A_1683 : f32 to vector<512x1xf32>
    %select_n3A_1686 = arith.select %lt3A_1681, %broadcast_in_dim3A_1684, %broadcast_in_dim3A_1685 : vector<512x1xi1>, vector<512x1xf32>
    %reduce_min3A_1687 = arith.constant dense<0x7F800000> : vector<512xf32>
    %reduce_min3A_1688 = vector.multi_reduction <minimumf>, %select_n3A_1675, %reduce_min3A_1687 [1] : vector<512x1024xf32> to vector<512xf32>
    %broadcast_in_dim3A_1689 = vector.shape_cast %reduce_min3A_1688 : vector<512xf32> to vector<512x1xf32>
    %eq3A_1690 = vector.broadcast %broadcast_in_dim3A_1689 : vector<512x1xf32> to vector<512x1024xf32>
    %eq3A_1691 = arith.cmpf oeq, %select_n3A_1675, %eq3A_1690 : vector<512x1024xf32>
    %jit3A_1692 = arith.constant 1.024000e+03 : f32
    %broadcast_in_dim3A_1693 = vector.broadcast %jit3A_1692 : f32 to vector<512x1024xf32>
    %select_n3A_1694 = arith.select %eq3A_1691, %convert_element_type3A, %broadcast_in_dim3A_1693 : vector<512x1024xi1>, vector<512x1024xf32>
    %reduce_min3A_1695 = arith.constant dense<0x7F800000> : vector<512xf32>
    %reduce_min3A_1696 = vector.multi_reduction <minimumf>, %select_n3A_1694, %reduce_min3A_1695 [1] : vector<512x1024xf32> to vector<512xf32>
    %broadcast_in_dim3A_1697 = vector.shape_cast %reduce_min3A_1696 : vector<512xf32> to vector<512x1xf32>
    %eq3A_1698 = vector.broadcast %broadcast_in_dim3A_1697 : vector<512x1xf32> to vector<512x1024xf32>
    %eq3A_1699 = arith.cmpf oeq, %convert_element_type3A, %eq3A_1698 : vector<512x1024xf32>
    %jit3A_1700 = arith.constant 0x7F800000 : f32
    %broadcast_in_dim3A_1701 = vector.broadcast %jit3A_1700 : f32 to vector<512x1024xf32>
    %select_n3A_1702 = arith.select %eq3A_1699, %broadcast_in_dim3A_1701, %select_n3A_1675 : vector<512x1024xi1>, vector<512x1024xf32>
    %convert_element_type3A_1703 = arith.fptosi %broadcast_in_dim3A_1697 : vector<512x1xf32> to vector<512x1xi32>
    %add3A_1704 = vector.broadcast %mul3A_42 : i32 to vector<512x1xi32>
    %add3A_1705 = arith.addi %convert_element_type3A_1703, %add3A_1704 : vector<512x1xi32>
    %lt3A_1706 = arith.constant 0x7F800000 : f32
    %lt3A_1707 = vector.broadcast %lt3A_1706 : f32 to vector<512x1xf32>
    %lt3A_1708 = arith.cmpf olt, %broadcast_in_dim3A_1689, %lt3A_1707 : vector<512x1xf32>
    %jit3A_1709 = arith.constant 1.000000e+00 : f32
    %jit3A_1710 = arith.constant 0.000000e+00 : f32
    %broadcast_in_dim3A_1711 = vector.broadcast %jit3A_1709 : f32 to vector<512x1xf32>
    %broadcast_in_dim3A_1712 = vector.broadcast %jit3A_1710 : f32 to vector<512x1xf32>
    %select_n3A_1713 = arith.select %lt3A_1708, %broadcast_in_dim3A_1711, %broadcast_in_dim3A_1712 : vector<512x1xi1>, vector<512x1xf32>
    %reduce_min3A_1714 = arith.constant dense<0x7F800000> : vector<512xf32>
    %reduce_min3A_1715 = vector.multi_reduction <minimumf>, %select_n3A_1702, %reduce_min3A_1714 [1] : vector<512x1024xf32> to vector<512xf32>
    %broadcast_in_dim3A_1716 = vector.shape_cast %reduce_min3A_1715 : vector<512xf32> to vector<512x1xf32>
    %eq3A_1717 = vector.broadcast %broadcast_in_dim3A_1716 : vector<512x1xf32> to vector<512x1024xf32>
    %eq3A_1718 = arith.cmpf oeq, %select_n3A_1702, %eq3A_1717 : vector<512x1024xf32>
    %jit3A_1719 = arith.constant 1.024000e+03 : f32
    %broadcast_in_dim3A_1720 = vector.broadcast %jit3A_1719 : f32 to vector<512x1024xf32>
    %select_n3A_1721 = arith.select %eq3A_1718, %convert_element_type3A, %broadcast_in_dim3A_1720 : vector<512x1024xi1>, vector<512x1024xf32>
    %reduce_min3A_1722 = arith.constant dense<0x7F800000> : vector<512xf32>
    %reduce_min3A_1723 = vector.multi_reduction <minimumf>, %select_n3A_1721, %reduce_min3A_1722 [1] : vector<512x1024xf32> to vector<512xf32>
    %broadcast_in_dim3A_1724 = vector.shape_cast %reduce_min3A_1723 : vector<512xf32> to vector<512x1xf32>
    %eq3A_1725 = vector.broadcast %broadcast_in_dim3A_1724 : vector<512x1xf32> to vector<512x1024xf32>
    %eq3A_1726 = arith.cmpf oeq, %convert_element_type3A, %eq3A_1725 : vector<512x1024xf32>
    %jit3A_1727 = arith.constant 0x7F800000 : f32
    %broadcast_in_dim3A_1728 = vector.broadcast %jit3A_1727 : f32 to vector<512x1024xf32>
    %select_n3A_1729 = arith.select %eq3A_1726, %broadcast_in_dim3A_1728, %select_n3A_1702 : vector<512x1024xi1>, vector<512x1024xf32>
    %convert_element_type3A_1730 = arith.fptosi %broadcast_in_dim3A_1724 : vector<512x1xf32> to vector<512x1xi32>
    %add3A_1731 = vector.broadcast %mul3A_42 : i32 to vector<512x1xi32>
    %add3A_1732 = arith.addi %convert_element_type3A_1730, %add3A_1731 : vector<512x1xi32>
    %lt3A_1733 = arith.constant 0x7F800000 : f32
    %lt3A_1734 = vector.broadcast %lt3A_1733 : f32 to vector<512x1xf32>
    %lt3A_1735 = arith.cmpf olt, %broadcast_in_dim3A_1716, %lt3A_1734 : vector<512x1xf32>
    %jit3A_1736 = arith.constant 1.000000e+00 : f32
    %jit3A_1737 = arith.constant 0.000000e+00 : f32
    %broadcast_in_dim3A_1738 = vector.broadcast %jit3A_1736 : f32 to vector<512x1xf32>
    %broadcast_in_dim3A_1739 = vector.broadcast %jit3A_1737 : f32 to vector<512x1xf32>
    %select_n3A_1740 = arith.select %lt3A_1735, %broadcast_in_dim3A_1738, %broadcast_in_dim3A_1739 : vector<512x1xi1>, vector<512x1xf32>
    %reduce_min3A_1741 = arith.constant dense<0x7F800000> : vector<512xf32>
    %reduce_min3A_1742 = vector.multi_reduction <minimumf>, %select_n3A_1729, %reduce_min3A_1741 [1] : vector<512x1024xf32> to vector<512xf32>
    %broadcast_in_dim3A_1743 = vector.shape_cast %reduce_min3A_1742 : vector<512xf32> to vector<512x1xf32>
    %eq3A_1744 = vector.broadcast %broadcast_in_dim3A_1743 : vector<512x1xf32> to vector<512x1024xf32>
    %eq3A_1745 = arith.cmpf oeq, %select_n3A_1729, %eq3A_1744 : vector<512x1024xf32>
    %jit3A_1746 = arith.constant 1.024000e+03 : f32
    %broadcast_in_dim3A_1747 = vector.broadcast %jit3A_1746 : f32 to vector<512x1024xf32>
    %select_n3A_1748 = arith.select %eq3A_1745, %convert_element_type3A, %broadcast_in_dim3A_1747 : vector<512x1024xi1>, vector<512x1024xf32>
    %reduce_min3A_1749 = arith.constant dense<0x7F800000> : vector<512xf32>
    %reduce_min3A_1750 = vector.multi_reduction <minimumf>, %select_n3A_1748, %reduce_min3A_1749 [1] : vector<512x1024xf32> to vector<512xf32>
    %broadcast_in_dim3A_1751 = vector.shape_cast %reduce_min3A_1750 : vector<512xf32> to vector<512x1xf32>
    %convert_element_type3A_1752 = arith.fptosi %broadcast_in_dim3A_1751 : vector<512x1xf32> to vector<512x1xi32>
    %add3A_1753 = vector.broadcast %mul3A_42 : i32 to vector<512x1xi32>
    %add3A_1754 = arith.addi %convert_element_type3A_1752, %add3A_1753 : vector<512x1xi32>
    %lt3A_1755 = arith.constant 0x7F800000 : f32
    %lt3A_1756 = vector.broadcast %lt3A_1755 : f32 to vector<512x1xf32>
    %lt3A_1757 = arith.cmpf olt, %broadcast_in_dim3A_1743, %lt3A_1756 : vector<512x1xf32>
    %jit3A_1758 = arith.constant 1.000000e+00 : f32
    %jit3A_1759 = arith.constant 0.000000e+00 : f32
    %broadcast_in_dim3A_1760 = vector.broadcast %jit3A_1758 : f32 to vector<512x1xf32>
    %broadcast_in_dim3A_1761 = vector.broadcast %jit3A_1759 : f32 to vector<512x1xf32>
    %select_n3A_1762 = arith.select %lt3A_1757, %broadcast_in_dim3A_1760, %broadcast_in_dim3A_1761 : vector<512x1xi1>, vector<512x1xf32>
    %concatenate3A = tpu.concatenate %add3A_59, %add3A_85, %add3A_112, %add3A_139, %add3A_166, %add3A_193, %add3A_220, %add3A_247, %add3A_274, %add3A_301, %add3A_328, %add3A_355, %add3A_382, %add3A_409, %add3A_436, %add3A_463, %add3A_490, %add3A_517, %add3A_544, %add3A_571, %add3A_598, %add3A_625, %add3A_652, %add3A_679, %add3A_706, %add3A_733, %add3A_760, %add3A_787, %add3A_814, %add3A_841, %add3A_868, %add3A_895, %add3A_922, %add3A_949, %add3A_976, %add3A_1003, %add3A_1030, %add3A_1057, %add3A_1084, %add3A_1111, %add3A_1138, %add3A_1165, %add3A_1192, %add3A_1219, %add3A_1246, %add3A_1273, %add3A_1300, %add3A_1327, %add3A_1354, %add3A_1381, %add3A_1408, %add3A_1435, %add3A_1462, %add3A_1489, %add3A_1516, %add3A_1543, %add3A_1570, %add3A_1597, %add3A_1624, %add3A_1651, %add3A_1678, %add3A_1705, %add3A_1732, %add3A_1754 in 1 : vector<512x1xi32>, vector<512x1xi32>, vector<512x1xi32>, vector<512x1xi32>, vector<512x1xi32>, vector<512x1xi32>, vector<512x1xi32>, vector<512x1xi32>, vector<512x1xi32>, vector<512x1xi32>, vector<512x1xi32>, vector<512x1xi32>, vector<512x1xi32>, vector<512x1xi32>, vector<512x1xi32>, vector<512x1xi32>, vector<512x1xi32>, vector<512x1xi32>, vector<512x1xi32>, vector<512x1xi32>, vector<512x1xi32>, vector<512x1xi32>, vector<512x1xi32>, vector<512x1xi32>, vector<512x1xi32>, vector<512x1xi32>, vector<512x1xi32>, vector<512x1xi32>, vector<512x1xi32>, vector<512x1xi32>, vector<512x1xi32>, vector<512x1xi32>, vector<512x1xi32>, vector<512x1xi32>, vector<512x1xi32>, vector<512x1xi32>, vector<512x1xi32>, vector<512x1xi32>, vector<512x1xi32>, vector<512x1xi32>, vector<512x1xi32>, vector<512x1xi32>, vector<512x1xi32>, vector<512x1xi32>, vector<512x1xi32>, vector<512x1xi32>, vector<512x1xi32>, vector<512x1xi32>, vector<512x1xi32>, vector<512x1xi32>, vector<512x1xi32>, vector<512x1xi32>, vector<512x1xi32>, vector<512x1xi32>, vector<512x1xi32>, vector<512x1xi32>, vector<512x1xi32>, vector<512x1xi32>, vector<512x1xi32>, vector<512x1xi32>, vector<512x1xi32>, vector<512x1xi32>, vector<512x1xi32>, vector<512x1xi32> -> vector<512x64xi32>
    %swap3A = arith.constant 0 : index
    %swap3A_1763 = arith.constant 0 : index
    %swap3A_1764 = arith.constant 0 : index
    %swap3A_1765 = vector.load %arg7[%swap3A, %swap3A_1763, %swap3A_1764] : memref<1x512x64xi32, #tpu.memory_space<vmem>>, vector<1x512x64xi32>
    %swap3A_1766 = vector.shape_cast %swap3A_1765 : vector<1x512x64xi32> to vector<512x64xi32>
    %swap3A_1767 = vector.shape_cast %concatenate3A : vector<512x64xi32> to vector<1x512x64xi32>
    tpu.vector_store %arg7[%swap3A, %swap3A_1763, %swap3A_1764], %swap3A_1767 {strides = array<i32>} : memref<1x512x64xi32, #tpu.memory_space<vmem>>, vector<1x512x64xi32>,
    %concatenate3A_1768 = tpu.concatenate %select_n3A_66, %select_n3A_93, %select_n3A_120, %select_n3A_147, %select_n3A_174, %select_n3A_201, %select_n3A_228, %select_n3A_255, %select_n3A_282, %select_n3A_309, %select_n3A_336, %select_n3A_363, %select_n3A_390, %select_n3A_417, %select_n3A_444, %select_n3A_471, %select_n3A_498, %select_n3A_525, %select_n3A_552, %select_n3A_579, %select_n3A_606, %select_n3A_633, %select_n3A_660, %select_n3A_687, %select_n3A_714, %select_n3A_741, %select_n3A_768, %select_n3A_795, %select_n3A_822, %select_n3A_849, %select_n3A_876, %select_n3A_903, %select_n3A_930, %select_n3A_957, %select_n3A_984, %select_n3A_1011, %select_n3A_1038, %select_n3A_1065, %select_n3A_1092, %select_n3A_1119, %select_n3A_1146, %select_n3A_1173, %select_n3A_1200, %select_n3A_1227, %select_n3A_1254, %select_n3A_1281, %select_n3A_1308, %select_n3A_1335, %select_n3A_1362, %select_n3A_1389, %select_n3A_1416, %select_n3A_1443, %select_n3A_1470, %select_n3A_1497, %select_n3A_1524, %select_n3A_1551, %select_n3A_1578, %select_n3A_1605, %select_n3A_1632, %select_n3A_1659, %select_n3A_1686, %select_n3A_1713, %select_n3A_1740, %select_n3A_1762 in 1 : vector<512x1xf32>, vector<512x1xf32>, vector<512x1xf32>, vector<512x1xf32>, vector<512x1xf32>, vector<512x1xf32>, vector<512x1xf32>, vector<512x1xf32>, vector<512x1xf32>, vector<512x1xf32>, vector<512x1xf32>, vector<512x1xf32>, vector<512x1xf32>, vector<512x1xf32>, vector<512x1xf32>, vector<512x1xf32>, vector<512x1xf32>, vector<512x1xf32>, vector<512x1xf32>, vector<512x1xf32>, vector<512x1xf32>, vector<512x1xf32>, vector<512x1xf32>, vector<512x1xf32>, vector<512x1xf32>, vector<512x1xf32>, vector<512x1xf32>, vector<512x1xf32>, vector<512x1xf32>, vector<512x1xf32>, vector<512x1xf32>, vector<512x1xf32>, vector<512x1xf32>, vector<512x1xf32>, vector<512x1xf32>, vector<512x1xf32>, vector<512x1xf32>, vector<512x1xf32>, vector<512x1xf32>, vector<512x1xf32>, vector<512x1xf32>, vector<512x1xf32>, vector<512x1xf32>, vector<512x1xf32>, vector<512x1xf32>, vector<512x1xf32>, vector<512x1xf32>, vector<512x1xf32>, vector<512x1xf32>, vector<512x1xf32>, vector<512x1xf32>, vector<512x1xf32>, vector<512x1xf32>, vector<512x1xf32>, vector<512x1xf32>, vector<512x1xf32>, vector<512x1xf32>, vector<512x1xf32>, vector<512x1xf32>, vector<512x1xf32>, vector<512x1xf32>, vector<512x1xf32>, vector<512x1xf32>, vector<512x1xf32> -> vector<512x64xf32>
    %swap3A_1769 = arith.constant 0 : index
    %swap3A_1770 = arith.constant 0 : index
    %swap3A_1771 = arith.constant 0 : index
    %swap3A_1772 = vector.load %arg8[%swap3A_1769, %swap3A_1770, %swap3A_1771] : memref<1x512x64xf32, #tpu.memory_space<vmem>>, vector<1x512x64xf32>
    %swap3A_1773 = vector.shape_cast %swap3A_1772 : vector<1x512x64xf32> to vector<512x64xf32>
    %swap3A_1774 = vector.shape_cast %concatenate3A_1768 : vector<512x64xf32> to vector<1x512x64xf32>
    tpu.vector_store %arg8[%swap3A_1769, %swap3A_1770, %swap3A_1771], %swap3A_1774 {strides = array<i32>} : memref<1x512x64xf32, #tpu.memory_space<vmem>>, vector<1x512x64xf32>,
    %get3A_1775 = arith.constant 0 : index
    %get3A_1776 = arith.constant 0 : index
    %get3A_1777 = arith.constant 0 : index
    %get3A_1778 = vector.load %arg3[%get3A_1775, %get3A_1776, %get3A_1777] : memref<1x1024x3xf32, #tpu.memory_space<vmem>>, vector<1x1024x3xf32>
    %get3A_1779 = vector.shape_cast %get3A_1778 : vector<1x1024x3xf32> to vector<1024x3xf32>
    %get3A_1780 = arith.constant 0 : index
    %get3A_1781 = arith.constant 0 : index
    %get3A_1782 = vector.load %arg5[%get3A_1780, %get3A_1781] : memref<3x64xf32, #tpu.memory_space<vmem>>, vector<3x64xf32>
    %dot_general3A = arith.constant dense<0.000000e+00> : vector<1024x64xf32>
    %dot_general3A_1783 = tpu.matmul %get3A_1779, %get3A_1782, %dot_general3A {dimension_numbers = #tpu.dot_dimension_numbers<[1], [0], [0], [1], [0, 0, 1, 1], [], []>, transpose_lhs_hint = false} : vector<1024x3xf32>, vector<3x64xf32>, vector<1024x64xf32> -> vector<1024x64xf32>
    %get3A_1784 = arith.constant 0 : index
    %get3A_1785 = arith.constant 0 : index
    %get3A_1786 = arith.constant 0 : index
    %get3A_1787 = vector.load %arg2[%get3A_1784, %get3A_1785, %get3A_1786] : memref<1x1024x3xf32, #tpu.memory_space<vmem>>, vector<1x1024x3xf32>
    %get3A_1788 = vector.shape_cast %get3A_1787 : vector<1x1024x3xf32> to vector<1024x3xf32>
    %get3A_1789 = arith.constant 0 : index
    %get3A_1790 = arith.constant 0 : index
    %get3A_1791 = vector.load %arg6[%get3A_1789, %get3A_1790] : memref<3x64xf32, #tpu.memory_space<vmem>>, vector<3x64xf32>
    %dot_general3A_1792 = arith.constant dense<0.000000e+00> : vector<1024x64xf32>
    %dot_general3A_1793 = tpu.matmul %get3A_1788, %get3A_1791, %dot_general3A_1792 {dimension_numbers = #tpu.dot_dimension_numbers<[1], [0], [0], [1], [0, 0, 1, 1], [], []>, transpose_lhs_hint = false} : vector<1024x3xf32>, vector<3x64xf32>, vector<1024x64xf32> -> vector<1024x64xf32>
    %add3A_1794 = arith.addf %dot_general3A_1783, %dot_general3A_1793 : vector<1024x64xf32>
    %broadcast_in_dim3A_1795 = arith.constant 0.000000e+00 : f32
    %broadcast_in_dim3A_1796 = vector.broadcast %broadcast_in_dim3A_1795 : f32 to vector<1024x64xf32>
    %concatenate3A_1797 = tpu.concatenate %add3A_1794, %broadcast_in_dim3A_1796 in 1 : vector<1024x64xf32>, vector<1024x64xf32> -> vector<1024x128xf32>
    %swap3A_1798 = arith.constant 0 : index
    %swap3A_1799 = arith.constant 0 : index
    %swap3A_1800 = arith.constant 0 : index
    %swap3A_1801 = vector.load %arg9[%swap3A_1798, %swap3A_1799, %swap3A_1800] : memref<1x1024x128xf32, #tpu.memory_space<vmem>>, vector<1x1024x128xf32>
    %swap3A_1802 = vector.shape_cast %swap3A_1801 : vector<1x1024x128xf32> to vector<1024x128xf32>
    %swap3A_1803 = vector.shape_cast %concatenate3A_1797 : vector<1024x128xf32> to vector<1x1024x128xf32>
    tpu.vector_store %arg9[%swap3A_1798, %swap3A_1799, %swap3A_1800], %swap3A_1803 {strides = array<i32>} : memref<1x1024x128xf32, #tpu.memory_space<vmem>>, vector<1x1024x128xf32>,
    return
  }
  func.func @transform_0(%arg0: i32) -> (i32, i32, i32) {
    %c0_i32 = arith.constant 0 : i32
    %c0_i32_0 = arith.constant 0 : i32
    %c0_i32_1 = arith.constant 0 : i32
    return %arg0, %c0_i32, %c0_i32_0 : i32, i32, i32
  }
  func.func @transform_1(%arg0: i32) -> (i32, i32, i32) {
    %c0_i32 = arith.constant 0 : i32
    %c0_i32_0 = arith.constant 0 : i32
    %c0_i32_1 = arith.constant 0 : i32
    return %arg0, %c0_i32, %c0_i32_0 : i32, i32, i32
  }
  func.func @transform_2(%arg0: i32) -> (i32, i32, i32) {
    %c0_i32 = arith.constant 0 : i32
    %c0_i32_0 = arith.constant 0 : i32
    %c0_i32_1 = arith.constant 0 : i32
    return %arg0, %c0_i32, %c0_i32_0 : i32, i32, i32
  }
  func.func @transform_3(%arg0: i32) -> (i32, i32, i32) {
    %c0_i32 = arith.constant 0 : i32
    %c0_i32_0 = arith.constant 0 : i32
    %c0_i32_1 = arith.constant 0 : i32
    return %arg0, %c0_i32, %c0_i32_0 : i32, i32, i32
  }
  func.func @transform_4(%arg0: i32) -> (i32, i32) {
    %c0_i32 = arith.constant 0 : i32
    %c0_i32_0 = arith.constant 0 : i32
    %c0_i32_1 = arith.constant 0 : i32
    return %c0_i32, %c0_i32_0 : i32, i32
  }
  func.func @transform_5(%arg0: i32) -> (i32, i32) {
    %c0_i32 = arith.constant 0 : i32
    %c0_i32_0 = arith.constant 0 : i32
    %c0_i32_1 = arith.constant 0 : i32
    return %c0_i32, %c0_i32_0 : i32, i32
  }
  func.func @transform_6(%arg0: i32) -> (i32, i32, i32) {
    %c0_i32 = arith.constant 0 : i32
    %c0_i32_0 = arith.constant 0 : i32
    %c0_i32_1 = arith.constant 0 : i32
    return %arg0, %c0_i32, %c0_i32_0 : i32, i32, i32
  }
  func.func @transform_7(%arg0: i32) -> (i32, i32, i32) {
    %c0_i32 = arith.constant 0 : i32
    %c0_i32_0 = arith.constant 0 : i32
    %c0_i32_1 = arith.constant 0 : i32
    return %arg0, %c0_i32, %c0_i32_0 : i32, i32, i32
  }
  func.func @transform_8(%arg0: i32) -> (i32, i32, i32) {
    %c0_i32 = arith.constant 0 : i32
    %c0_i32_0 = arith.constant 0 : i32
    %c0_i32_1 = arith.constant 0 : i32
    return %arg0, %c0_i32, %c0_i32_0 : i32, i32, i32
  }
}

module attributes {stable_mosaic.version = 14 : i64} {
  func.func @_mlp_body(%arg0: i32, %arg1: memref<8192x128xf32, #tpu.memory_space<vmem>>, %arg2: memref<128x3xf32, #tpu.memory_space<vmem>>, %arg3: memref<128x64xf32, #tpu.memory_space<vmem>>, %arg4: memref<3x64xf32, #tpu.memory_space<vmem>>, %arg5: memref<1x64xf32, #tpu.memory_space<vmem>>, %arg6: memref<64x64xf32, #tpu.memory_space<vmem>>, %arg7: memref<1x64xf32, #tpu.memory_space<vmem>>, %arg8: memref<64x128xf32, #tpu.memory_space<vmem>>, %arg9: memref<1x128xf32, #tpu.memory_space<vmem>>, %arg10: memref<128x128xf32, #tpu.memory_space<vmem>>) attributes {dimension_semantics = [#tpu.dimension_semantics<arbitrary>], iteration_bounds = array<i64: 32>, scalar_prefetch = 0 : i64, scratch_operands = 0 : i64, tpu.core_type = #tpu.core_type<tc>, window_params = [{transform_indices = @transform_0, window_bounds = array<i64: 8192, 128>}, {transform_indices = @transform_1, window_bounds = array<i64: 128, 3>}, {transform_indices = @transform_2, window_bounds = array<i64: 128, 64>}, {pipeline_mode = #tpu.pipeline_mode<synchronous>, transform_indices = @transform_3, window_bounds = array<i64: 3, 64>}, {pipeline_mode = #tpu.pipeline_mode<synchronous>, transform_indices = @transform_4, window_bounds = array<i64: 1, 64>}, {pipeline_mode = #tpu.pipeline_mode<synchronous>, transform_indices = @transform_5, window_bounds = array<i64: 64, 64>}, {pipeline_mode = #tpu.pipeline_mode<synchronous>, transform_indices = @transform_6, window_bounds = array<i64: 1, 64>}, {pipeline_mode = #tpu.pipeline_mode<synchronous>, transform_indices = @transform_7, window_bounds = array<i64: 64, 128>}, {pipeline_mode = #tpu.pipeline_mode<synchronous>, transform_indices = @transform_8, window_bounds = array<i64: 1, 128>}, {transform_indices = @transform_9, window_bounds = array<i64: 128, 128>}]} {
    %get3A = arith.constant 0 : index
    %get3A_0 = arith.constant 0 : index
    %get3A_1 = vector.load %arg2[%get3A, %get3A_0] : memref<128x3xf32, #tpu.memory_space<vmem>>, vector<128x3xf32>
    %get3A_2 = arith.constant 0 : index
    %get3A_3 = arith.constant 0 : index
    %get3A_4 = vector.load %arg4[%get3A_2, %get3A_3] : memref<3x64xf32, #tpu.memory_space<vmem>>, vector<3x64xf32>
    %dot_general3A = arith.constant dense<0.000000e+00> : vector<128x64xf32>
    %dot_general3A_5 = tpu.matmul %get3A_1, %get3A_4, %dot_general3A {dimension_numbers = #tpu.dot_dimension_numbers<[1], [0], [0], [1], [0, 0, 1, 1], [], []>, transpose_lhs_hint = false} : vector<128x3xf32>, vector<3x64xf32>, vector<128x64xf32> -> vector<128x64xf32>
    %get3A_6 = arith.constant 0 : index
    %get3A_7 = arith.constant 0 : index
    %get3A_8 = vector.load %arg1[%get3A_6, %get3A_7] : memref<8192x128xf32, #tpu.memory_space<vmem>>, vector<8192x128xf32>
    %slice3A = vector.extract_strided_slice %get3A_8 {offsets = [0, 0], sizes = [8192, 64], strides = [1, 1]} : vector<8192x128xf32> to vector<8192x64xf32>
    %reshape3A = vector.shape_cast %slice3A : vector<8192x64xf32> to vector<128x64x64xf32>
    %broadcast_in_dim3A = vector.shape_cast %dot_general3A_5 : vector<128x64xf32> to vector<128x1x64xf32>
    %sub3A = vector.broadcast %broadcast_in_dim3A : vector<128x1x64xf32> to vector<128x64x64xf32>
    %sub3A_9 = arith.subf %reshape3A, %sub3A : vector<128x64x64xf32>
    %get3A_10 = arith.constant 0 : index
    %get3A_11 = arith.constant 0 : index
    %get3A_12 = vector.load %arg5[%get3A_10, %get3A_11] : memref<1x64xf32, #tpu.memory_space<vmem>>, vector<1x64xf32>
    %reshape3A_13 = vector.shape_cast %get3A_12 : vector<1x64xf32> to vector<1x1x64xf32>
    %add3A = vector.broadcast %reshape3A_13 : vector<1x1x64xf32> to vector<128x64x64xf32>
    %add3A_14 = arith.addf %sub3A_9, %add3A : vector<128x64x64xf32>
    %max3A = arith.constant 0.000000e+00 : f32
    %max3A_15 = vector.broadcast %max3A : f32 to vector<128x64x64xf32>
    %max3A_16 = arith.maximumf %add3A_14, %max3A_15 : vector<128x64x64xf32>
    %reshape3A_17 = vector.shape_cast %max3A_16 : vector<128x64x64xf32> to vector<8192x64xf32>
    %get3A_18 = arith.constant 0 : index
    %get3A_19 = arith.constant 0 : index
    %get3A_20 = vector.load %arg6[%get3A_18, %get3A_19] : memref<64x64xf32, #tpu.memory_space<vmem>>, vector<64x64xf32>
    %dot_general3A_21 = arith.constant dense<0.000000e+00> : vector<8192x64xf32>
    %dot_general3A_22 = tpu.matmul %reshape3A_17, %get3A_20, %dot_general3A_21 {dimension_numbers = #tpu.dot_dimension_numbers<[1], [0], [0], [1], [0, 0, 1, 1], [], []>, transpose_lhs_hint = false} : vector<8192x64xf32>, vector<64x64xf32>, vector<8192x64xf32> -> vector<8192x64xf32>
    %get3A_23 = arith.constant 0 : index
    %get3A_24 = arith.constant 0 : index
    %get3A_25 = vector.load %arg7[%get3A_23, %get3A_24] : memref<1x64xf32, #tpu.memory_space<vmem>>, vector<1x64xf32>
    %add3A_26 = vector.broadcast %get3A_25 : vector<1x64xf32> to vector<8192x64xf32>
    %add3A_27 = arith.addf %dot_general3A_22, %add3A_26 : vector<8192x64xf32>
    %max3A_28 = arith.constant 0.000000e+00 : f32
    %max3A_29 = vector.broadcast %max3A_28 : f32 to vector<8192x64xf32>
    %max3A_30 = arith.maximumf %add3A_27, %max3A_29 : vector<8192x64xf32>
    %get3A_31 = arith.constant 0 : index
    %get3A_32 = arith.constant 0 : index
    %get3A_33 = vector.load %arg8[%get3A_31, %get3A_32] : memref<64x128xf32, #tpu.memory_space<vmem>>, vector<64x128xf32>
    %dot_general3A_34 = arith.constant dense<0.000000e+00> : vector<8192x128xf32>
    %dot_general3A_35 = tpu.matmul %max3A_30, %get3A_33, %dot_general3A_34 {dimension_numbers = #tpu.dot_dimension_numbers<[1], [0], [0], [1], [0, 0, 1, 1], [], []>, transpose_lhs_hint = false} : vector<8192x64xf32>, vector<64x128xf32>, vector<8192x128xf32> -> vector<8192x128xf32>
    %get3A_36 = arith.constant 0 : index
    %get3A_37 = arith.constant 0 : index
    %get3A_38 = vector.load %arg9[%get3A_36, %get3A_37] : memref<1x128xf32, #tpu.memory_space<vmem>>, vector<1x128xf32>
    %add3A_39 = vector.broadcast %get3A_38 : vector<1x128xf32> to vector<8192x128xf32>
    %add3A_40 = arith.addf %dot_general3A_35, %add3A_39 : vector<8192x128xf32>
    %reshape3A_41 = vector.shape_cast %add3A_40 : vector<8192x128xf32> to vector<128x64x128xf32>
    %get3A_42 = arith.constant 0 : index
    %get3A_43 = arith.constant 0 : index
    %get3A_44 = vector.load %arg3[%get3A_42, %get3A_43] : memref<128x64xf32, #tpu.memory_space<vmem>>, vector<128x64xf32>
    %broadcast_in_dim3A_45 = vector.shape_cast %get3A_44 : vector<128x64xf32> to vector<128x64x1xf32>
    %gt3A = arith.constant 5.000000e-01 : f32
    %gt3A_46 = vector.broadcast %gt3A : f32 to vector<128x64x1xf32>
    %gt3A_47 = arith.cmpf ogt, %broadcast_in_dim3A_45, %gt3A_46 : vector<128x64x1xf32>
    %jit3A = arith.constant 0xFF800000 : f32
    %broadcast_in_dim3A_48 = vector.shape_cast %gt3A_47 : vector<128x64x1xi1> to vector<128x64x1xi1>
    %broadcast_in_dim3A_49 = vector.broadcast %broadcast_in_dim3A_48 : vector<128x64x1xi1> to vector<128x64x128xi1>
    %broadcast_in_dim3A_50 = vector.broadcast %jit3A : f32 to vector<128x64x128xf32>
    %select_n3A = arith.select %broadcast_in_dim3A_49, %reshape3A_41, %broadcast_in_dim3A_50 : vector<128x64x128xi1>, vector<128x64x128xf32>
    %reduce_max3A = arith.constant dense<0xFF800000> : vector<128x128xf32>
    %reduce_max3A_51 = vector.multi_reduction <maximumf>, %select_n3A, %reduce_max3A [1] : vector<128x64x128xf32> to vector<128x128xf32>
    %swap3A = arith.constant 0 : index
    %swap3A_52 = arith.constant 0 : index
    %swap3A_53 = vector.load %arg10[%swap3A, %swap3A_52] : memref<128x128xf32, #tpu.memory_space<vmem>>, vector<128x128xf32>
    tpu.vector_store %arg10[%swap3A, %swap3A_52], %reduce_max3A_51 {strides = array<i32>} : memref<128x128xf32, #tpu.memory_space<vmem>>, vector<128x128xf32>,
    return
  }
  func.func @transform_0(%arg0: i32) -> (i32, i32) {
    %c0_i32 = arith.constant 0 : i32
    %c0_i32_0 = arith.constant 0 : i32
    return %arg0, %c0_i32 : i32, i32
  }
  func.func @transform_1(%arg0: i32) -> (i32, i32) {
    %c0_i32 = arith.constant 0 : i32
    %c0_i32_0 = arith.constant 0 : i32
    return %arg0, %c0_i32 : i32, i32
  }
  func.func @transform_2(%arg0: i32) -> (i32, i32) {
    %c0_i32 = arith.constant 0 : i32
    %c0_i32_0 = arith.constant 0 : i32
    return %arg0, %c0_i32 : i32, i32
  }
  func.func @transform_3(%arg0: i32) -> (i32, i32) {
    %c0_i32 = arith.constant 0 : i32
    %c0_i32_0 = arith.constant 0 : i32
    %c0_i32_1 = arith.constant 0 : i32
    return %c0_i32, %c0_i32_0 : i32, i32
  }
  func.func @transform_4(%arg0: i32) -> (i32, i32) {
    %c0_i32 = arith.constant 0 : i32
    %c0_i32_0 = arith.constant 0 : i32
    %c0_i32_1 = arith.constant 0 : i32
    return %c0_i32, %c0_i32_0 : i32, i32
  }
  func.func @transform_5(%arg0: i32) -> (i32, i32) {
    %c0_i32 = arith.constant 0 : i32
    %c0_i32_0 = arith.constant 0 : i32
    %c0_i32_1 = arith.constant 0 : i32
    return %c0_i32, %c0_i32_0 : i32, i32
  }
  func.func @transform_6(%arg0: i32) -> (i32, i32) {
    %c0_i32 = arith.constant 0 : i32
    %c0_i32_0 = arith.constant 0 : i32
    %c0_i32_1 = arith.constant 0 : i32
    return %c0_i32, %c0_i32_0 : i32, i32
  }
  func.func @transform_7(%arg0: i32) -> (i32, i32) {
    %c0_i32 = arith.constant 0 : i32
    %c0_i32_0 = arith.constant 0 : i32
    %c0_i32_1 = arith.constant 0 : i32
    return %c0_i32, %c0_i32_0 : i32, i32
  }
  func.func @transform_8(%arg0: i32) -> (i32, i32) {
    %c0_i32 = arith.constant 0 : i32
    %c0_i32_0 = arith.constant 0 : i32
    %c0_i32_1 = arith.constant 0 : i32
    return %c0_i32, %c0_i32_0 : i32, i32
  }
  func.func @transform_9(%arg0: i32) -> (i32, i32) {
    %c0_i32 = arith.constant 0 : i32
    %c0_i32_0 = arith.constant 0 : i32
    return %arg0, %c0_i32 : i32, i32
  }
}

</mosaic_0001>

<sc_bundles>
// kernel: kernel.6.cloned.1.call-start
scs
__scs_entry_jumppad:
0x0: {  	(pc) =	sbr.rel $0x88, $3  }
0x1: {  	(tag) =	ssettag $0x0;
	lr =	simm.s32 $0x1  }
0x2: {  	[smem:$0x3F99] =	sst lr;
	_ =	strace $0xD0000000  }
0x3: {  	_ = 	snop  }
0x4: {  	_ = 	snop  }
0x5: {  	_ = 	snop  }
0x6: {  	_ = 	snop  }
0x7: {  	_ = 	snop  }
__scs_overlays_trampoline_lowered:
0x8: {  	[smem:$0x3FA8] =	sst s0  }
0x9: {  	[smem:$0x3FA9] =	sst s1  }
0xa: {  	[smem:$0x3FAA] =	sst s2  }
0xb: {  	[smem:$0x3FAB] =	sst s3  }
0xc: {  	[smem:$0x3FAC] =	sst s4  }
0xd: {  	[smem:$0x3FAD] =	sst s5  }
0xe: {  	[smem:$0x3FAE] =	sst s6  }
0xf: {  	[smem:$0x3FAF] =	sst s7  }
0x10: {  	[smem:$0x3FB0] =	sst s8  }
0x11: {  	[smem:$0x3FB1] =	sst s9;
	s0 =	simm.s32 @!p0 $0x0  }
0x12: {  	s1 =	sld [smem:$0x3F97];
	s0 =	simm.s32 @p0 $0x1  }
0x13: {  	[smem:$0x3FB2] =	sst s0;
	s0 =	simm.s32 @!p1 $0x0  }
0x14: {  	s2 =	sld [smem:$0x3F96];
	s0 =	simm.s32 @p1 $0x1  }
0x15: {  	[smem:$0x3FB3] =	sst s0;
	s0 =	simm.s32 @!p2 $0x0  }
0x16: {  	s3 =	sld [smem:$0x3FDB];
	s0 =	simm.s32 @p2 $0x1  }
0x17: {  	s4 =	simm.s32 $0x1BF5;
	[smem:$0x3FB5] =	sst s0  }
0x18: {  	s0 =	sld [smem:$0x3F98];
	_ =	swait.ge [sflag:s4], $0x0  }
0x19: {  	s7 =	sld [smem:$0x3F99]  }
0x1a: {  	s8 =	sadd.s32 $0xFFFFE003, lr  }
0x1b: {  	s9 =	sadd.s32 $0xFFFFFEF7, lr;
	s5 =	simm.s32 $0xFFFFFFFF;
	p2 =	slt.u32 s8, $0xFFFFF086  }
0x1c: {  	p1 =	slt.u32 s9, $0xF7A;
	s5 =	simm.s32 @!p2 $0x0  }
0x1d: {  	s5 =	simm.s32 @p1 $0x1;
	p0 =	seq.s32 s7, s2  }
0x1e: {  	s7 =	smul.u32 @!p0 $0xF7A, s2;
	p2 =	seq.s32 @!p0 s5, $0x0  }
0x1f: {  	s9 =	smul.u32 $0xF7A, s1;
	s8 =	simm.s32 @!p0 $0x1BF5;
	p2 =	por !p2, p0  }
0x20: {  	[sflag:s8] =	ssyncset.s32 @!p0 $0xFFFFF086;
	s6 =	sadd.s32 @!p0 s3, s7;
	s7 =	simm.s32 @!p0 $0x108  }
0x21: {  	s3 =	sadd.s32 s3, s9;
	s6 =	sadd.s32 @!p0 $0x88, s6;
	s7 =	simm.s32 @p2 $0x1082  }
0x22: {  	[simem:s7], [sflag:s8] =	dma.local @!p0 [hbm:s6], $0xF7A  }
0x23: {  	s9 =	sor.u32 $0xD0000000, s2;
	s6 =	simm.s32 $0x108;
	_ =	swait.ge @!p0 [sflag:s8], $0x0  }
0x24: {  	s3 =	sadd.s32 $0x88, s3;
	s6 =	simm.s32 @!p1 $0x1082;
	[sflag:s4] =	ssyncset.s32 $0xFFFFF086  }
0x25: {  	[simem:s6], [sflag:s4] =	dma.local [hbm:s3], $0xF7A  }
0x26: {  	[smem:$0x3F99] =	sst s1;
	(tag) =	ssettag s2;
	_ =	strace s9  }
0x27: {  	s1 =	sld [smem:$0x3FA9]  }
0x28: {  	s2 =	sld [smem:$0x3FAA]  }
0x29: {  	s4 =	sld [smem:$0x3FAC]  }
0x2a: {  	p0 =	seq.s32 s5, $0x0;
	s5 =	sld [smem:$0x3FAD]  }
0x2b: {  	s6 =	sld [smem:$0x3FAE]  }
0x2c: {  	s7 =	sld [smem:$0x3FAF]  }
0x2d: {  	s3 =	simm.s32 $0x108;
	s8 =	sld [smem:$0x3FB0]  }
0x2e: {  	s3 =	simm.s32 @!p0 $0x1082;
	s9 =	sld [smem:$0x3FB1]  }
0x2f: {  	lr =	sadd.s32 s0, s3;
	s0 =	sld [smem:$0x3FA8]  }
0x30: {  	s3 =	sld [smem:$0x3FAB]  }
0x31: {  	[smem:$0x3FB4] =	sst s10  }
0x32: {  	s10 =	sld [smem:$0x3FB2];
	_ =	sdelay $0x3  }
0x33: {  	p0 =	seq.s32 s10, $0x1;
	s10 =	sld [smem:$0x3FB4];
	_ =	sdelay $0x3  }
0x34: {  	[smem:$0x3FB4] =	sst s10  }
0x35: {  	s10 =	sld [smem:$0x3FB3];
	_ =	sdelay $0x3  }
0x36: {  	p1 =	seq.s32 s10, $0x1;
	s10 =	sld [smem:$0x3FB4];
	_ =	sdelay $0x3  }
0x37: {  	[smem:$0x3FB4] =	sst s10  }
0x38: {  	s10 =	sld [smem:$0x3FB5]  }
0x39: {  	_ = 	snop;
	(pc) =	sbr.ind lr, $3  }
0x3a: {  	_ = 	snop  }
0x3b: {  	_ = 	snop  }
0x3c: {  	p2 =	seq.s32 s10, $0x1;
	s10 =	sld [smem:$0x3FB4]  }
0x3d: {  	_ =	shalt  }
0x3e: {  	_ =	shalt  }
0x3f: {  	_ =	shalt  }
0x40: {  	_ =	shalt  }
0x41: {  	_ =	shalt  }
0x42: {  	_ =	shalt  }
0x43: {  	_ =	shalt  }
0x44: {  	_ =	shalt  }
0x45: {  	_ =	shalt  }
0x46: {  	_ =	shalt  }
0x47: {  	_ =	shalt  }
0x48: {  	_ =	shalt  }
0x49: {  	_ =	shalt  }
0x4a: {  	_ =	shalt  }
0x4b: {  	_ =	shalt  }
0x4c: {  	_ =	shalt  }
0x4d: {  	_ =	shalt  }
0x4e: {  	_ =	shalt  }
0x4f: {  	_ =	shalt  }
0x50: {  	_ =	shalt  }
0x51: {  	_ =	shalt  }
0x52: {  	_ =	shalt  }
0x53: {  	_ =	shalt  }
0x54: {  	_ =	shalt  }
0x55: {  	_ =	shalt  }
0x56: {  	_ =	shalt  }
0x57: {  	_ =	shalt  }
0x58: {  	_ =	shalt  }
0x59: {  	_ =	shalt  }
0x5a: {  	_ =	shalt  }
0x5b: {  	_ =	shalt  }
0x5c: {  	_ =	shalt  }
0x5d: {  	_ =	shalt  }
0x5e: {  	_ =	shalt  }
0x5f: {  	_ =	shalt  }
0x60: {  	_ =	shalt  }
0x61: {  	_ =	shalt  }
0x62: {  	_ =	shalt  }
0x63: {  	_ =	shalt  }
0x64: {  	_ =	shalt  }
0x65: {  	_ =	shalt  }
0x66: {  	_ =	shalt  }
0x67: {  	_ =	shalt  }
0x68: {  	_ =	shalt  }
0x69: {  	_ =	shalt  }
0x6a: {  	_ =	shalt  }
0x6b: {  	_ =	shalt  }
0x6c: {  	_ =	shalt  }
0x6d: {  	_ =	shalt  }
0x6e: {  	_ =	shalt  }
0x6f: {  	_ =	shalt  }
0x70: {  	_ =	shalt  }
0x71: {  	_ =	shalt  }
0x72: {  	_ =	shalt  }
0x73: {  	_ =	shalt  }
0x74: {  	_ =	shalt  }
0x75: {  	_ =	shalt  }
0x76: {  	_ =	shalt  }
0x77: {  	_ =	shalt  }
0x78: {  	_ =	shalt  }
0x79: {  	_ =	shalt  }
0x7a: {  	_ =	shalt  }
0x7b: {  	_ =	shalt  }
0x7c: {  	_ =	shalt  }
0x7d: {  	_ =	shalt  }
0x7e: {  	_ =	shalt  }
0x7f: {  	_ =	shalt  }
0x80: {  	_ =	shalt  }
0x81: {  	_ =	shalt  }
0x82: {  	_ =	shalt  }
0x83: {  	_ =	shalt  }
0x84: {  	_ =	shalt  }
0x85: {  	_ =	shalt  }
0x86: {  	_ =	shalt  }
0x87: {  	_ =	shalt  }
.Lfunc_end0:
.L_simem_size_0:
called_computation_lowered:
.L_overlay_start_0:
0x88: {  	s2 =	sld [smem:$0x3FD9]  }
0x89: {  	s3 =	sld [smem:$0x3FFE];
	_ =	sdelay $0x1  }
0x8a: {  	s1 =	srdreg.scid  }
0x8b: {  	s0 =	sand.u32 $0x1, s1  }
0x8c: {  	s16 =	sshll.u32 s0, $0xA;
	s2 =	sadd.s32 s3, s2  }
0x8d: {  	s2 =	sadd.s32 s2, s16  }
0x8e: {  	[smem:$0x3FC0] =	sst s2  }
0x8f: {  	_ = 	snop  }
0x90: {  	(tm) =	ssettm $0x1  }
0x91: {  	s17 =	sld [smem:$0x3FFB];
	_ =	sdelay $0x3  }
0x92: {  	_ =	strace s17  }
0x93: {  	s2 =	sld [smem:$0x3FFC];
	_ =	sdelay $0x3  }
0x94: {  	_ =	strace s2  }
0x95: {  	s2 =	sld [smem:$0x3FFD];
	_ =	sdelay $0x3  }
0x96: {  	_ =	strace s2  }
0x97: {  	_ =	strace $0x8FFFFFFF  }
0x98: {  	s18 =	sld [smem:$0x3FDB];
	_ =	sdelay $0x1  }
0x99: {  	s19 =	simm.s32 $_scs_section_size  }
0x9a: {  	s4 =	simm.s32 $_size__tile_overlayer_lowered;
	s5 =	simm.s32 $_tile_overlayer_lowered  }
0x9b: {  	s22 =	simm.s32 $0x1BFF;
	s21 =	sshll.u32 s5, $0x1;
	s2 =	sadd.s32 s19, s18  }
0x9c: {  	s6 =	simm.s32 $0x0;
	s20 =	sshll.u32 s4, $0x1;
	s4 =	sadd.s32 s21, s2  }
0x9d: {  	[timem:s6], [sflag:s22] =	dma.local [hbm:s4], s20  }
0x9e: {  	_ =	swait.ge [sflag:s22], s20  }
0x9f: {  	s3 =	ssub.s32 $0x0, s20;
	[sflag:s22] =	ssyncset.done $0x0  }
0xa0: {  	[sflag:s22] =	ssyncadd.s32 s3;
	_ =	sdelay $0x1  }
0xa1: {  	s23 =	simm.s32 $0x1B8B  }
0xa2: {  	_ =	swait.ge [sflag:s23], $0x1  }
0xa3: {  	[sflag:s23] =	ssyncset.done $0x0  }
0xa4: {  	s25 =	simm.s32 $0x1B8E;
	s24 =	sld [smem:$0x3FFE];
	[sflag:s23] =	ssyncadd.s32 $0xFFFFFFFF  }
0xa5: {  	s26 =	simm.s32 $execute0_lowered;
	[smem:$0x3FD2] =	sst s25  }
0xa6: {  	s4 =	sshll.u32 s26, $0x1;
	_ =	strace $0x80000046;
	[dreg:$0x1] =	wrdreg $0xFFFFFFFF  }
0xa7: {  	s28 =	simm.s32 $_size_execute0_lowered;
	s2 =	sadd.s32 s2, s4;
	[dreg:$0x0] =	wrdreg $0x0  }
0xa8: {  	s4 =	sshll.u32 s28, $0x1;
	[dreg:$0x2] =	wrdreg s2  }
0xa9: {  	[dreg:$0x3] =	wrdreg s4  }
0xaa: {  	[dreg:$0x4] =	wrdreg $0xC0  }
0xab: {  	_ =	task [dreg:s6], $0x5FFFF  }
0xac: {  	[dreg:$0x1] =	wrdreg $0xFFFFFFFF  }
0xad: {  	[dreg:$0x0] =	wrdreg $0x60  }
0xae: {  	[dreg:$0x2] =	wrdreg s24  }
0xaf: {  	[dreg:$0x3] =	wrdreg $0x9  }
0xb0: {  	_ =	task.clear_ibuf [dreg:s6], $0x4FFFF;
	_ =	strace $0x90000046  }
0xb1: {  	s29 =	simm.s32 $0x9;
	_ =	strace $0x80000048  }
0xb2: {  	_ =	swait.ge [sflag:s29], $0x1  }
0xb3: {  	[sflag:s29] =	ssyncadd.s32 $0xFFFFFFFF  }
0xb4: {  	_ =	strace $0x90000048  }
0xb5: {  	_ =	sfence  }
0xb6: {  	s30 =	sld [smem:$0x0];
	_ =	sdelay $0x2  }
0xb7: {  	s31 =	sshll.u32 s1, $0xD;
	s1 =	sshrl.u32 s1, $0x2  }
0xb8: {  	s3 =	sand.u32 $0x4000, s31;
	s1 =	sadd.s32 s1, s30  }
0xb9: {  	s0 =	sor.u32 s3, s0;
	s1 =	sshll.u32 s1, $0x11  }
0xba: {  	s0 =	sor.u32 s1, s0  }
0xbb: {  	s0 =	sadd.s32 $0x8F2B, s0  }
0xbc: {  	[sflag:s0] =	ssyncadd.remote.s32 $0x1  }
0xbd: {  	_ =	sfence.sel $0xFFFF  }
0xbe: {  	[dreg:$0x0] =	wrdreg $0xFFFFFFFF;
	(pc) =	sbr.abs _section_cstart, $3  }
0xbf: {  	[dreg:$0x1] =	wrdreg $0xFFFFFFFF  }
0xc0: {  	_ =	task.clear_ibuf [dreg:s6], $0x2FFFF;
	_ =	strace $0x9FFFFFFF  }
0xc1: {  	(tm) =	ssettm $0x7FFFFFFF  }
tec
execute0_lowered:
.L_overlay_start_1:
0x0: {  	(tag) =	ssettag $0x1  }
0x1: {  	s3 =	rddreg [dreg:$0x0]  }
0x2: {  	s2 =	srdreg.scid;
	s0 =	rddreg [dreg:$0x1]  }
0x3: {  	s1 =	stileid.u32;
	s9 =	simm.s32 $0x2000;
	s10 =	simm.s32 $0x6000  }
0x4: {  	s11 =	simm.s32 $0xA000;
	s12 =	simm.s32 $0xE000;
	s13 =	simm.s32 $0x1  }
0x5: {  	s14 =	simm.s32 $0x2;
	s15 =	simm.s32 $0x0;
	s4 =	sand.u32 $0x1, s2  }
0x6: {  	s2 =	simm.s32 $0x0;
	s5 =	sshll.u32 s1, $0xE;
	s31 =	sshll.u32 s1, $0x12  }
0x7: {  	s6 =	sshll.u32 s4, $0xD;
	[smem:$0x7FF] =	sst s2;
	s7 =	ssub.s32 $0x2, s4  }
0x8: {  	s4 =	sshll.u32 s4, $0x11;
	s5 =	sor.u32 s6, s5;
	_ =	strace $0x80000047  }
0x9: {  	s6 =	sadd.s32 s31, s3;
	s8 =	sshrl.u32 s7, $0x1;
	s5 =	sshrl.u32 s5, $0x3  }
0xa: {  	s7 =	ssub.s32 s7, s8;
	s6 =	sadd.s32 s4, s6;
	s8 =	simm.s32 $0x80  }
0xb: {  	s5 =	sadd.s32 s5, s3;
	s3 =	sadd.s32 $0x2600, s3;
	s6 =	sadd.s32 $0x3A600, s6  }
0xc: {  	s4 =	sadd.s32 $0x32600, s5;
	s5 =	smax.u32 s7, $0x1;
	s7 =	simm.s32 $0x3  }
.LBB2_1:
0xd: {  	[tilespmem:s2], [sflag:$0x3] =	stream.linear.gather [hbm4b:s4+s2], $0x2000, $0x38;
	[tilespmem:$0x12000] =	vst v63  }
0xe: {  	_ =	swait.ge [sflag:s7], $0x2000  }
0xf: {  	[sflag:s7] =	ssyncset.done $0x0  }
0x10: {  	s16 =	simm.s32 $0x0;
	[sflag:s7] =	ssyncadd.s32 $0xFFFFE000  }
0x11: {  	[tilespmem:s9], [sflag:$0x1] =	stream.indirect.gather [hbm4b:s3+s8], $0x80, s16, s8, $0xb8;
	[tilespmem:$0x12000] =	vst v63  }
0x12: {  	s26 =	simm.s32 $0x80  }
0x13: {  	[tilespmem:s10], [sflag:$0x1] =	stream.indirect.gather [hbm4b:s3+s8], $0x80, s26, s8, $0xb8;
	[tilespmem:$0x12000] =	vst v63  }
0x14: {  	s28 =	simm.s32 $0x100  }
0x15: {  	[tilespmem:s11], [sflag:$0x1] =	stream.indirect.gather [hbm4b:s3+s8], $0x80, s28, s8, $0xb8;
	[tilespmem:$0x12000] =	vst v63  }
0x16: {  	s29 =	simm.s32 $0x180  }
0x17: {  	[tilespmem:s12], [sflag:$0x1] =	stream.indirect.gather [hbm4b:s3+s8], $0x80, s29, s8, $0xb8;
	[tilespmem:$0x12000] =	vst v63  }
0x18: {  	_ =	swait.ge [sflag:s13], $0x4000  }
0x19: {  	[sflag:s13] =	ssyncset.done $0x0  }
0x1a: {  	[sflag:s13] =	ssyncadd.s32 $0xFFFFC000  }
0x1b: {  	_ =	swait.ge [sflag:s13], $0x4000  }
0x1c: {  	[sflag:s13] =	ssyncset.done $0x0  }
0x1d: {  	[sflag:s13] =	ssyncadd.s32 $0xFFFFC000  }
0x1e: {  	_ =	swait.ge [sflag:s13], $0x4000  }
0x1f: {  	[sflag:s13] =	ssyncset.done $0x0  }
0x20: {  	[sflag:s13] =	ssyncadd.s32 $0xFFFFC000  }
0x21: {  	_ =	swait.ge [sflag:s13], $0x4000  }
0x22: {  	[sflag:s13] =	ssyncset.done $0x0  }
0x23: {  	s30 =	sadd.s32 $0x0, s6;
	[sflag:s13] =	ssyncadd.s32 $0xFFFFC000  }
0x24: {  	[hbm4b:s30+s2] =	stream.linear.scatter [tilespmem:s9], [sflag:$0x2], $0x4000, $0x38;
	[tilespmem:$0x12000] =	vst v63  }
0x25: {  	s17 =	sadd.s32 $0x800, s30  }
0x26: {  	[hbm4b:s17+s2] =	stream.linear.scatter [tilespmem:s10], [sflag:$0x2], $0x4000, $0x38;
	[tilespmem:$0x12000] =	vst v63  }
0x27: {  	s31 =	sadd.s32 $0x1000, s30  }
0x28: {  	[hbm4b:s31+s2] =	stream.linear.scatter [tilespmem:s11], [sflag:$0x2], $0x4000, $0x38;
	[tilespmem:$0x12000] =	vst v63  }
0x29: {  	s16 =	sadd.s32 $0x1800, s30  }
0x2a: {  	[hbm4b:s16+s2] =	stream.linear.scatter [tilespmem:s12], [sflag:$0x2], $0x4000, $0x38;
	[tilespmem:$0x12000] =	vst v63  }
0x2b: {  	_ =	swait.ge [sflag:s14], $0x4000  }
0x2c: {  	[sflag:s14] =	ssyncset.done $0x0  }
0x2d: {  	[sflag:s14] =	ssyncadd.s32 $0xFFFFC000  }
0x2e: {  	_ =	swait.ge [sflag:s14], $0x4000  }
0x2f: {  	[sflag:s14] =	ssyncset.done $0x0  }
0x30: {  	[sflag:s14] =	ssyncadd.s32 $0xFFFFC000  }
0x31: {  	_ =	swait.ge [sflag:s14], $0x4000  }
0x32: {  	[sflag:s14] =	ssyncset.done $0x0  }
0x33: {  	[sflag:s14] =	ssyncadd.s32 $0xFFFFC000  }
0x34: {  	s18 =	simm.s32 $0x4000;
	_ =	swait.ge [sflag:s14], $0x4000  }
0x35: {  	s17 =	simm.s32 $0x300;
	s16 =	simm.s32 $0x2000;
	[sflag:s14] =	ssyncset.done $0x0  }
.LBB2_2:
0x36: {  	p0 =	sne.s32 s18, $0x1E000;
	s19 =	sadd.s32 $0xFFFFFF00, s17;
	[sflag:s14] =	ssyncadd.s32 $0xFFFFC000  }
0x37: {  	[tilespmem:s9], [sflag:$0x1] =	stream.indirect.gather [hbm4b:s3+s8], $0x80, s19, s8, $0xb8;
	[tilespmem:$0x12000] =	vst v63  }
0x38: {  	s20 =	smov.u32 s18;
	s18 =	sadd.s32 $0x2000, s18;
	s19 =	sadd.s32 $0xFFFFFF80, s17  }
0x39: {  	[tilespmem:s10], [sflag:$0x1] =	stream.indirect.gather [hbm4b:s3+s8], $0x80, s19, s8, $0xb8;
	[tilespmem:$0x12000] =	vst v63  }
0x3a: {  	_ = 	snop  }
0x3b: {  	[tilespmem:s11], [sflag:$0x1] =	stream.indirect.gather [hbm4b:s3+s8], $0x80, s17, s8, $0xb8;
	[tilespmem:$0x12000] =	vst v63  }
0x3c: {  	s19 =	sadd.s32 $0x80, s17  }
0x3d: {  	[tilespmem:s12], [sflag:$0x1] =	stream.indirect.gather [hbm4b:s3+s8], $0x80, s19, s8, $0xb8;
	[tilespmem:$0x12000] =	vst v63  }
0x3e: {  	_ =	swait.ge [sflag:s13], $0x4000  }
0x3f: {  	[sflag:s13] =	ssyncset.done $0x0  }
0x40: {  	[sflag:s13] =	ssyncadd.s32 $0xFFFFC000  }
0x41: {  	_ =	swait.ge [sflag:s13], $0x4000  }
0x42: {  	[sflag:s13] =	ssyncset.done $0x0  }
0x43: {  	[sflag:s13] =	ssyncadd.s32 $0xFFFFC000  }
0x44: {  	_ =	swait.ge [sflag:s13], $0x4000  }
0x45: {  	[sflag:s13] =	ssyncset.done $0x0  }
0x46: {  	[sflag:s13] =	ssyncadd.s32 $0xFFFFC000  }
0x47: {  	_ =	swait.ge [sflag:s13], $0x4000  }
0x48: {  	[sflag:s13] =	ssyncset.done $0x0  }
0x49: {  	s19 =	sadd.s32 s16, s6;
	s16 =	smov.u32 s20;
	[sflag:s13] =	ssyncadd.s32 $0xFFFFC000  }
0x4a: {  	[hbm4b:s19+s2] =	stream.linear.scatter [tilespmem:s9], [sflag:$0x2], $0x4000, $0x38;
	[tilespmem:$0x12000] =	vst v63  }
0x4b: {  	s20 =	sadd.s32 $0x800, s19  }
0x4c: {  	[hbm4b:s20+s2] =	stream.linear.scatter [tilespmem:s10], [sflag:$0x2], $0x4000, $0x38;
	[tilespmem:$0x12000] =	vst v63  }
0x4d: {  	s20 =	sadd.s32 $0x1000, s19  }
0x4e: {  	[hbm4b:s20+s2] =	stream.linear.scatter [tilespmem:s11], [sflag:$0x2], $0x4000, $0x38;
	[tilespmem:$0x12000] =	vst v63  }
0x4f: {  	s19 =	sadd.s32 $0x1800, s19  }
0x50: {  	[hbm4b:s19+s2] =	stream.linear.scatter [tilespmem:s12], [sflag:$0x2], $0x4000, $0x38;
	[tilespmem:$0x12000] =	vst v63  }
0x51: {  	_ =	swait.ge [sflag:s14], $0x4000  }
0x52: {  	[sflag:s14] =	ssyncset.done $0x0  }
0x53: {  	[sflag:s14] =	ssyncadd.s32 $0xFFFFC000  }
0x54: {  	_ =	swait.ge [sflag:s14], $0x4000  }
0x55: {  	[sflag:s14] =	ssyncset.done $0x0  }
0x56: {  	[sflag:s14] =	ssyncadd.s32 $0xFFFFC000  }
.Ltmp0:
0x57: {  	_ =	swait.ge [sflag:s14], $0x4000;
	(pc) =	sbr.rel @p0 .LBB2_2-.Ltmp0, $4  }
0x58: {  	[sflag:s14] =	ssyncset.done $0x0  }
0x59: {  	[sflag:s14] =	ssyncadd.s32 $0xFFFFC000  }
0x5a: {  	_ =	swait.ge [sflag:s14], $0x4000  }
0x5b: {  	s17 =	sadd.s32 $0x200, s17;
	[sflag:s14] =	ssyncset.done $0x0  }
0x5c: {  	s18 =	sadd.s32 $0xFFFFFF00, s17;
	[sflag:s14] =	ssyncadd.s32 $0xFFFFC000  }
0x5d: {  	[tilespmem:s9], [sflag:$0x1] =	stream.indirect.gather [hbm4b:s3+s8], $0x80, s18, s8, $0xb8;
	[tilespmem:$0x12000] =	vst v63  }
0x5e: {  	s28 =	sadd.s32 $0xFFFFFF80, s17  }
0x5f: {  	[tilespmem:s10], [sflag:$0x1] =	stream.indirect.gather [hbm4b:s3+s8], $0x80, s28, s8, $0xb8;
	[tilespmem:$0x12000] =	vst v63  }
0x60: {  	_ = 	snop  }
0x61: {  	[tilespmem:s11], [sflag:$0x1] =	stream.indirect.gather [hbm4b:s3+s8], $0x80, s17, s8, $0xb8;
	[tilespmem:$0x12000] =	vst v63  }
0x62: {  	s29 =	sadd.s32 $0x80, s17  }
0x63: {  	[tilespmem:s12], [sflag:$0x1] =	stream.indirect.gather [hbm4b:s3+s8], $0x80, s29, s8, $0xb8;
	[tilespmem:$0x12000] =	vst v63  }
0x64: {  	_ =	swait.ge [sflag:s13], $0x4000  }
0x65: {  	[sflag:s13] =	ssyncset.done $0x0  }
0x66: {  	[sflag:s13] =	ssyncadd.s32 $0xFFFFC000  }
0x67: {  	_ =	swait.ge [sflag:s13], $0x4000  }
0x68: {  	[sflag:s13] =	ssyncset.done $0x0  }
0x69: {  	[sflag:s13] =	ssyncadd.s32 $0xFFFFC000  }
0x6a: {  	_ =	swait.ge [sflag:s13], $0x4000  }
0x6b: {  	[sflag:s13] =	ssyncset.done $0x0  }
0x6c: {  	[sflag:s13] =	ssyncadd.s32 $0xFFFFC000  }
0x6d: {  	_ =	swait.ge [sflag:s13], $0x4000  }
0x6e: {  	[sflag:s13] =	ssyncset.done $0x0  }
0x6f: {  	s16 =	sadd.s32 s16, s6;
	[sflag:s13] =	ssyncadd.s32 $0xFFFFC000  }
0x70: {  	[hbm4b:s16+s2] =	stream.linear.scatter [tilespmem:s9], [sflag:$0x2], $0x4000, $0x38;
	[tilespmem:$0x12000] =	vst v63  }
0x71: {  	s30 =	sadd.s32 $0x800, s16  }
0x72: {  	[hbm4b:s30+s2] =	stream.linear.scatter [tilespmem:s10], [sflag:$0x2], $0x4000, $0x38;
	[tilespmem:$0x12000] =	vst v63  }
0x73: {  	s31 =	sadd.s32 $0x1000, s16  }
0x74: {  	[hbm4b:s31+s2] =	stream.linear.scatter [tilespmem:s11], [sflag:$0x2], $0x4000, $0x38;
	[tilespmem:$0x12000] =	vst v63  }
0x75: {  	s16 =	sadd.s32 $0x1800, s16  }
0x76: {  	[hbm4b:s16+s2] =	stream.linear.scatter [tilespmem:s12], [sflag:$0x2], $0x4000, $0x38;
	[tilespmem:$0x12000] =	vst v63  }
0x77: {  	_ =	swait.ge [sflag:s14], $0x4000  }
0x78: {  	[sflag:s14] =	ssyncset.done $0x0  }
0x79: {  	[sflag:s14] =	ssyncadd.s32 $0xFFFFC000  }
0x7a: {  	_ =	swait.ge [sflag:s14], $0x4000  }
0x7b: {  	[sflag:s14] =	ssyncset.done $0x0  }
0x7c: {  	s15 =	sadd.s32 $0x1, s15;
	[sflag:s14] =	ssyncadd.s32 $0xFFFFC000  }
0x7d: {  	p0 =	sne.s32 s15, s5;
	_ =	swait.ge [sflag:s14], $0x4000  }
.Ltmp1:
0x7e: {  	[sflag:s14] =	ssyncset.done $0x0;
	(pc) =	sbr.rel @p0 .LBB2_1-.Ltmp1, $4  }
0x7f: {  	[sflag:s14] =	ssyncadd.s32 $0xFFFFC000  }
0x80: {  	_ =	swait.ge [sflag:s14], $0x4000  }
0x81: {  	[sflag:s14] =	ssyncset.done $0x0  }
0x82: {  	[sflag:s14] =	ssyncadd.s32 $0xFFFFC000  }
0x83: {  	_ =	sfence.sel $0x180000  }
0x84: {  	[bflag:$0x0] =	sbarrier.arrive $0xFFFF  }
0x85: {  	p0 =	sne.s32 s1, $0x0;
	_ =	strace $0x90000047  }
0x86: {  	s0 =	sadd.s32 @!p0 $0x100000, s0;
	[bflag:$0x2] =	sbarrier.arrive $0xFFFF  }
0x87: {  	[sflag:s0] =	ssyncadd.tile.s32 @!p0 $0x1;
	_ =	shalt  }
.Lfunc_end2:
_tile_overlayer_lowered:
.L_overlay_start_2:
0x88: {  	(tag) =	ssettag $0x2  }
0x89: {  	s0 =	rddreg [dreg:$0x0];
	s2 =	stileid.u32  }
0x8a: {  	s1 =	rddreg [dreg:$0x1];
	p0 =	sne.s32 s2, $0x0  }
0x8b: {  	s3 =	rddreg [dreg:$0x2];
	[bflag:$0x3] =	sbarrier.arrive $0xFFFF;
	s2 =	simm.s32 @!p0 $0x1C03  }
0x8c: {  	[timem:s3], [sflag:s2] =	dma.local @!p0 [hbm:s0], s1  }
0x8d: {  	s0 =	simm.s32 @!p0 $0x3  }
0x8e: {  	_ =	swait.ge @!p0 [sflag:s0], s1  }
0x8f: {  	s1 =	ssub.s32 @!p0 $0x0, s1;
	[sflag:s0] =	ssyncset.done @!p0 $0x0  }
0x90: {  	[sflag:s0] =	ssyncadd.s32 @!p0 s1  }
0x91: {  	[bflag:$0x3] =	sbarrier.arrive $0xFFFF  }
0x92: {  	_ =	shalt  }

</sc_bundles>
